<compile_context>
chip_gen: v7x
topology: tpu7x:2x2x1
jax: 0.10.2.dev20260603
libtpu: 0.0.44.dev20260713+nightly
codegen_flags: <defaults>
</compile_context>

<pallas_src>
import functools

import jax
import jax.numpy as jnp
from jax import lax
from jax.experimental import pallas as pl
from jax.experimental.pallas import tpu as pltpu
from jax.experimental.pallas import tpu_sc as plsc

N = 10000
E = 160000
H = 256
G = 8
NC = 2
NS = 16
NPAD = 10240
EPAD = 163840
KB = 128
BN = 1000
BE = 1280

_f32 = jnp.float32


def _sc_mesh():
    return plsc.VectorSubcoreMesh(core_axis_name="c", subcore_axis_name="s")



def _sc_degree(dst_pad, ones16, zeros_hist):
    epw = EPAD // (NC * NS)
    nblk = epw // KB

    @functools.partial(
        pl.kernel,
        mesh=_sc_mesh(),
        out_type=[jax.ShapeDtypeStruct((NPAD, 128), _f32)] * 2,
        scratch_types=[
            pltpu.VMEM((KB,), jnp.int32),
            pltpu.VMEM((KB, 128), _f32),
            pltpu.VMEM_SHARED((NPAD, 128), _f32),
        ],
    )
    def k(dst_hbm, ones_hbm, zz_hbm, da_hbm, db_hbm, didx, ones_v, hist):
        c = lax.axis_index("c")
        s = lax.axis_index("s")
        rpw = NPAD // NS
        pltpu.sync_copy(zz_hbm.at[pl.ds(s * rpw, rpw)], hist.at[pl.ds(s * rpw, rpw)])
        pltpu.sync_copy(ones_hbm, ones_v)
        plsc.subcore_barrier()
        base = (s * NC + c) * epw

        @pl.loop(0, nblk)
        def _(i):
            pltpu.sync_copy(dst_hbm.at[pl.ds(base + i * KB, KB)], didx)
            pltpu.sync_copy(ones_v, hist.at[didx], add=True)

        plsc.subcore_barrier()

        @pl.when(c == 0)
        def _():
            pltpu.sync_copy(hist.at[pl.ds(s * rpw, rpw)], da_hbm.at[pl.ds(s * rpw, rpw)])

        @pl.when(c == 1)
        def _():
            pltpu.sync_copy(hist.at[pl.ds(s * rpw, rpw)], db_hbm.at[pl.ds(s * rpw, rpw)])

    return k(dst_pad, ones16, zeros_hist)


def _sc_conv(ua, ub, src_pad, dst_pad, zeros_big):
    eps = EPAD // NS
    nblk = eps // KB

    @functools.partial(
        pl.kernel,
        mesh=_sc_mesh(),
        out_type=[jax.ShapeDtypeStruct((NPAD, 128), _f32)] * 2,
        scratch_types=[
            pltpu.VMEM((KB,), jnp.int32),
            pltpu.VMEM((KB,), jnp.int32),
            pltpu.VMEM((KB, 128), _f32),
            pltpu.VMEM_SHARED((NPAD, 128), _f32),
            pltpu.SemaphoreType.DMA,
        ],
    )
    def k(ua_hbm, ub_hbm, src_hbm, dst_hbm, zz_hbm, ta_hbm, tb_hbm,
          sidx, didx, rows, acc, sem):
        c = lax.axis_index("c")
        s = lax.axis_index("s")
        rpw = NPAD // NS
        pltpu.sync_copy(zz_hbm.at[pl.ds(s * rpw, rpw)], acc.at[pl.ds(s * rpw, rpw)])
        plsc.subcore_barrier()
        base = s * eps

        @pl.loop(0, nblk)
        def _(i):
            b = base + i * KB
            pltpu.sync_copy(src_hbm.at[pl.ds(b, KB)], sidx)
            pltpu.sync_copy(dst_hbm.at[pl.ds(b, KB)], didx)

            @pl.when(c == 0)
            def _():
                pltpu.async_copy(ua_hbm.at[sidx], rows, sem).wait()

            @pl.when(c == 1)
            def _():
                pltpu.async_copy(ub_hbm.at[sidx], rows, sem).wait()

            pltpu.sync_copy(rows, acc.at[didx], add=True)

        plsc.subcore_barrier()

        @pl.when(c == 0)
        def _():
            pltpu.sync_copy(acc.at[pl.ds(s * rpw, rpw)], ta_hbm.at[pl.ds(s * rpw, rpw)])

        @pl.when(c == 1)
        def _():
            pltpu.sync_copy(acc.at[pl.ds(s * rpw, rpw)], tb_hbm.at[pl.ds(s * rpw, rpw)])

    return k(ua, ub, src_pad, dst_pad, zeros_big)


def _sc_zgather(a2, bta, src_pad, dst0_pad):
    KZ = 64
    epw = EPAD // (NC * NS)
    nblk = epw // KZ

    @functools.partial(
        pl.kernel,
        mesh=_sc_mesh(),
        out_type=[jax.ShapeDtypeStruct((EPAD, 256), jnp.int32)] * 2,
        scratch_types=[
            pltpu.VMEM((KZ,), jnp.int32),
            pltpu.VMEM((KZ,), jnp.int32),
            pltpu.VMEM((KZ, 256), jnp.int32),
            pltpu.VMEM((KZ, 256), jnp.int32),
            pltpu.SemaphoreType.DMA,
            pltpu.SemaphoreType.DMA,
        ],
    )
    def k(a_hbm, b_hbm, src_hbm, dst_hbm, za_hbm, zb_hbm,
          sidx, didx, rowsa, rowsb, sema, semb):
        c = lax.axis_index("c")
        s = lax.axis_index("s")
        base = (s * NC + c) * epw

        @pl.loop(0, nblk)
        def _(i):
            b = base + i * KZ
            pltpu.sync_copy(src_hbm.at[pl.ds(b, KZ)], sidx)
            pltpu.sync_copy(dst_hbm.at[pl.ds(b, KZ)], didx)
            cpa = pltpu.async_copy(a_hbm.at[sidx], rowsa, sema)
            cpb = pltpu.async_copy(b_hbm.at[didx], rowsb, semb)
            cpa.wait()
            pltpu.sync_copy(rowsa, za_hbm.at[pl.ds(b, KZ)])
            cpb.wait()
            pltpu.sync_copy(rowsb, zb_hbm.at[pl.ds(b, KZ)])

    return k(a2, bta, src_pad, dst0_pad)



def _row(v):
    return v.reshape(1, -1)


def _ln_rows(z, g, b):
    m = jnp.mean(z, axis=1, keepdims=True)
    v = jnp.mean((z - m) * (z - m), axis=1, keepdims=True)
    return (z - m) * lax.rsqrt(v + 1e-5) * g + b


def _tc_node_enc(x, w1, b1, w2, b2, g, be):
    def body(x_r, w1_r, b1_r, w2_r, b2_r, g_r, be_r, o_r):
        a = jnp.maximum(jnp.dot(x_r[...], w1_r[...],
                                preferred_element_type=_f32) + b1_r[...], 0.0)
        z = jnp.dot(a, w2_r[...], preferred_element_type=_f32) + b2_r[...]
        o_r[...] = _ln_rows(z, g_r[...], be_r[...])

    return pl.pallas_call(
        body,
        grid=(N // BN,),
        in_specs=[
            pl.BlockSpec((BN, H), lambda i: (i, 0)),
            pl.BlockSpec((H, H), lambda i: (0, 0)),
            pl.BlockSpec((1, H), lambda i: (0, 0)),
            pl.BlockSpec((H, H), lambda i: (0, 0)),
            pl.BlockSpec((1, H), lambda i: (0, 0)),
            pl.BlockSpec((1, H), lambda i: (0, 0)),
            pl.BlockSpec((1, H), lambda i: (0, 0)),
        ],
        out_specs=pl.BlockSpec((BN, H), lambda i: (i, 0)),
        out_shape=jax.ShapeDtypeStruct((N, H), _f32),
    )(x, w1, _row(b1), w2, _row(b2), _row(g), _row(be))


def _tc_dis_u(h, W, dega, degb):
    def body(h_r, w_r, da_r, db_r, dis_r, ua_r, ub_r):
        deg = da_r[...] + db_r[...] + 1.0
        dis = lax.rsqrt(deg)
        dis_r[...] = dis
        u = jnp.dot(h_r[...], w_r[...], preferred_element_type=_f32) * dis
        ua_r[...] = u[:, :128]
        ub_r[...] = u[:, 128:]

    return pl.pallas_call(
        body,
        grid=(N // BN,),
        in_specs=[
            pl.BlockSpec((BN, H), lambda i: (i, 0)),
            pl.BlockSpec((H, H), lambda i: (0, 0)),
            pl.BlockSpec((BN, 1), lambda i: (i, 0)),
            pl.BlockSpec((BN, 1), lambda i: (i, 0)),
        ],
        out_specs=[
            pl.BlockSpec((BN, 1), lambda i: (i, 0)),
            pl.BlockSpec((BN, 128), lambda i: (i, 0)),
            pl.BlockSpec((BN, 128), lambda i: (i, 0)),
        ],
        out_shape=[
            jax.ShapeDtypeStruct((N, 1), _f32),
            jax.ShapeDtypeStruct((N, 128), _f32),
            jax.ShapeDtypeStruct((N, 128), _f32),
        ],
    )(h, W, dega, degb)


def _tc_conv_next(ta, tb, ua, ub, dis, b, W):
    def body(ta_r, tb_r, ua_r, ub_r, dis_r, b_r, w_r, ua2_r, ub2_r):
        dis = dis_r[...]
        hz = jnp.concatenate([ta_r[...] + ua_r[...], tb_r[...] + ub_r[...]],
                             axis=1) * dis + b_r[...]
        h1 = jnp.where(hz > 0, hz, 0.1 * hz)
        u2 = jnp.dot(h1, w_r[...], preferred_element_type=_f32) * dis
        ua2_r[...] = u2[:, :128]
        ub2_r[...] = u2[:, 128:]

    return pl.pallas_call(
        body,
        grid=(N // BN,),
        in_specs=[
            pl.BlockSpec((BN, 128), lambda i: (i, 0)),
            pl.BlockSpec((BN, 128), lambda i: (i, 0)),
            pl.BlockSpec((BN, 128), lambda i: (i, 0)),
            pl.BlockSpec((BN, 128), lambda i: (i, 0)),
            pl.BlockSpec((BN, 1), lambda i: (i, 0)),
            pl.BlockSpec((1, H), lambda i: (0, 0)),
            pl.BlockSpec((H, H), lambda i: (0, 0)),
        ],
        out_specs=[
            pl.BlockSpec((BN, 128), lambda i: (i, 0)),
            pl.BlockSpec((BN, 128), lambda i: (i, 0)),
        ],
        out_shape=[
            jax.ShapeDtypeStruct((N, 128), _f32),
            jax.ShapeDtypeStruct((N, 128), _f32),
        ],
    )(ta, tb, ua, ub, dis, _row(b), W)


def _tc_h_gc(ta, tb, ua, ub, dis, b, batch):
    def body(ta_r, tb_r, ua_r, ub_r, dis_r, b_r, batch_r, h_r, gs_r, cnt_r):
        i = pl.program_id(0)
        h = jnp.concatenate([ta_r[...] + ua_r[...], tb_r[...] + ub_r[...]],
                            axis=1) * dis_r[...] + b_r[...]
        h_r[...] = h

        @pl.when(i == 0)
        def _():
            gs_r[...] = jnp.zeros_like(gs_r)
            cnt_r[...] = jnp.zeros_like(cnt_r)

        bt = batch_r[...]
        rows = []
        cnts = []
        for g in range(G):
            mask = (bt == g).astype(_f32)
            rows.append(jnp.sum(h * mask, axis=0, keepdims=True))
            cnts.append(jnp.sum(mask) * jnp.ones((1, 128), _f32))
        gs_r[...] += jnp.concatenate(rows, axis=0)
        cnt_r[...] += jnp.concatenate(cnts, axis=0)

    return pl.pallas_call(
        body,
        grid=(N // BN,),
        in_specs=[
            pl.BlockSpec((BN, 128), lambda i: (i, 0)),
            pl.BlockSpec((BN, 128), lambda i: (i, 0)),
            pl.BlockSpec((BN, 128), lambda i: (i, 0)),
            pl.BlockSpec((BN, 128), lambda i: (i, 0)),
            pl.BlockSpec((BN, 1), lambda i: (i, 0)),
            pl.BlockSpec((1, H), lambda i: (0, 0)),
            pl.BlockSpec((BN, 1), lambda i: (i, 0)),
        ],
        out_specs=[
            pl.BlockSpec((BN, H), lambda i: (i, 0)),
            pl.BlockSpec((G, H), lambda i: (0, 0)),
            pl.BlockSpec((G, 128), lambda i: (0, 0)),
        ],
        out_shape=[
            jax.ShapeDtypeStruct((N, H), _f32),
            jax.ShapeDtypeStruct((G, H), _f32),
            jax.ShapeDtypeStruct((G, 128), _f32),
        ],
    )(ta, tb, ua, ub, dis, _row(b), batch)


def _tc_ctx(gs, cnt, ctx_w, ctx_b, ctx_g, ctx_be, Wg, s1_b):
    def body(gs_r, cnt_r, w_r, b_r, g_r, be_r, wg_r, s1b_r, o_r):
        gc = gs_r[...] / jnp.maximum(cnt_r[:, 0:1], 1.0)
        a = jnp.maximum(jnp.dot(gc, w_r[...],
                                preferred_element_type=_f32) + b_r[...], 0.0)
        gc2 = _ln_rows(a, g_r[...], be_r[...])
        o_r[...] = jnp.dot(gc2, wg_r[...],
                           preferred_element_type=_f32) + s1b_r[...]

    return pl.pallas_call(
        body,
        grid=(1,),
        in_specs=[
            pl.BlockSpec((G, H), lambda i: (0, 0)),
            pl.BlockSpec((G, 128), lambda i: (0, 0)),
            pl.BlockSpec((H, H), lambda i: (0, 0)),
            pl.BlockSpec((1, H), lambda i: (0, 0)),
            pl.BlockSpec((1, H), lambda i: (0, 0)),
            pl.BlockSpec((1, H), lambda i: (0, 0)),
            pl.BlockSpec((H, 512), lambda i: (0, 0)),
            pl.BlockSpec((1, 512), lambda i: (0, 0)),
        ],
        out_specs=pl.BlockSpec((G, 512), lambda i: (0, 0)),
        out_shape=jax.ShapeDtypeStruct((G, 512), _f32),
    )(gs, cnt, ctx_w, _row(ctx_b), _row(ctx_g), _row(ctx_be), Wg, _row(s1_b))


def _tc_tables(h, batch, gcs, Wsd):
    def body(h_r, batch_r, gcs_r, w_r, a_r, b_r):
        ab = jnp.dot(h_r[...], w_r[...], preferred_element_type=_f32)
        a2 = ab[:, :512]
        bt = batch_r[...]
        for g in range(G):
            mask = (bt == g).astype(_f32)
            a2 = a2 + mask * gcs_r[g:g + 1, :]
        a_r[...] = a2.astype(jnp.bfloat16)
        b_r[...] = ab[:, 512:].astype(jnp.bfloat16)

    return pl.pallas_call(
        body,
        grid=(N // BN,),
        in_specs=[
            pl.BlockSpec((BN, H), lambda i: (i, 0)),
            pl.BlockSpec((BN, 1), lambda i: (i, 0)),
            pl.BlockSpec((G, 512), lambda i: (0, 0)),
            pl.BlockSpec((H, 1024), lambda i: (0, 0)),
        ],
        out_specs=[
            pl.BlockSpec((BN, 512), lambda i: (i, 0)),
            pl.BlockSpec((BN, 512), lambda i: (i, 0)),
        ],
        out_shape=[
            jax.ShapeDtypeStruct((N, 512), jnp.bfloat16),
            jax.ShapeDtypeStruct((N, 512), jnp.bfloat16),
        ],
    )(h, batch, gcs, Wsd)


def _tc_scorer(za, zb, edge_attr, ee_w1, ee_b1, ee_w2, ee_b2, ee_g, ee_be,
               Wc, s2_w, s2_b, s3_w, s3_b):
    w2_bf = ee_w2.astype(jnp.bfloat16)
    wc_bf = Wc.astype(jnp.bfloat16)
    s2_bf = s2_w.astype(jnp.bfloat16)

    def body(za_r, zb_r, ea_r, w1_r, b1_r, w2_r, b2_r, g_r, be_r,
             wc_r, s2_r, s2b_r, s3_r, s3b_r, o_r):
        a = jnp.maximum(jnp.dot(ea_r[...], w1_r[...],
                                preferred_element_type=_f32) + b1_r[...], 0.0)
        y = jnp.dot(a.astype(jnp.bfloat16), w2_r[...],
                    preferred_element_type=_f32) + b2_r[...]
        he = _ln_rows(y, g_r[...], be_r[...])
        c = jnp.dot(he.astype(jnp.bfloat16), wc_r[...],
                    preferred_element_type=_f32)
        z = za_r[...].astype(_f32) + zb_r[...].astype(_f32) + c
        sct = jnp.tanh(z)
        t = jnp.tanh(jnp.dot(sct.astype(jnp.bfloat16), s2_r[...],
                             preferred_element_type=_f32) + s2b_r[...])
        o = jax.nn.sigmoid(jnp.dot(t, s3_r[...],
                                   preferred_element_type=_f32) + s3b_r[...])
        o_r[...] = o

    return pl.pallas_call(
        body,
        grid=(E // BE,),
        in_specs=[
            pl.BlockSpec((BE, 512), lambda i: (i, 0)),
            pl.BlockSpec((BE, 512), lambda i: (i, 0)),
            pl.BlockSpec((BE, 16), lambda i: (i, 0)),
            pl.BlockSpec((16, H), lambda i: (0, 0)),
            pl.BlockSpec((1, H), lambda i: (0, 0)),
            pl.BlockSpec((H, H), lambda i: (0, 0)),
            pl.BlockSpec((1, H), lambda i: (0, 0)),
            pl.BlockSpec((1, H), lambda i: (0, 0)),
            pl.BlockSpec((1, H), lambda i: (0, 0)),
            pl.BlockSpec((H, 512), lambda i: (0, 0)),
            pl.BlockSpec((512, H), lambda i: (0, 0)),
            pl.BlockSpec((1, H), lambda i: (0, 0)),
            pl.BlockSpec((H, 1), lambda i: (0, 0)),
            pl.BlockSpec((1, 1), lambda i: (0, 0)),
        ],
        out_specs=pl.BlockSpec((BE, 1), lambda i: (i, 0)),
        out_shape=jax.ShapeDtypeStruct((E, 1), _f32),
    )(za, zb, edge_attr, ee_w1, _row(ee_b1), w2_bf, _row(ee_b2), _row(ee_g),
      _row(ee_be), wc_bf, s2_bf, _row(s2_b), s3_w, s3_b.reshape(1, 1))



def kernel(x, edge_index, edge_attr, batch,
           ne_w1, ne_b1, ne_w2, ne_b2, ne_g, ne_be,
           ee_w1, ee_b1, ee_w2, ee_b2, ee_g, ee_be,
           c1_w, c1_b, c2_w, c2_b,
           ctx_w, ctx_b, ctx_g, ctx_be,
           s1_w, s1_b, s2_w, s2_b, s3_w, s3_b):
    src = edge_index[0].astype(jnp.int32)
    dst = edge_index[1].astype(jnp.int32)
    padn = EPAD - E
    src_pad = jnp.concatenate([src, jnp.zeros((padn,), jnp.int32)])
    dst_sc = jnp.concatenate([dst, jnp.full((padn,), N, jnp.int32)])
    dst0_pad = jnp.concatenate([dst, jnp.zeros((padn,), jnp.int32)])

    ones128 = jnp.ones((KB, 128), _f32)
    zeros_big = jnp.zeros((NPAD, 128), _f32)
    batch2 = batch.astype(jnp.int32).reshape(N, 1)

    dega, degb = _sc_degree(dst_sc, ones128, zeros_big)
    dega_c = dega[:N, 0:1]
    degb_c = degb[:N, 0:1]

    h_nodes = _tc_node_enc(x, ne_w1, ne_b1, ne_w2, ne_b2, ne_g, ne_be)
    dis, ua, ub = _tc_dis_u(h_nodes, c1_w, dega_c, degb_c)

    ta, tb = _sc_conv(ua, ub, src_pad, dst_sc, zeros_big)
    u2a, u2b = _tc_conv_next(ta, tb, ua, ub, dis, c1_b, c2_w)

    t2a, t2b = _sc_conv(u2a, u2b, src_pad, dst_sc, zeros_big)
    h, gs, cnt = _tc_h_gc(t2a, t2b, u2a, u2b, dis, c2_b, batch2)

    Wg = s1_w[768:1024]
    gcs = _tc_ctx(gs, cnt, ctx_w, ctx_b, ctx_g, ctx_be, Wg, s1_b)

    Wsd = jnp.concatenate([s1_w[0:256], s1_w[256:512]], axis=1)
    a2, bta = _tc_tables(h, batch2, gcs, Wsd)

    a2i = lax.bitcast_convert_type(a2.reshape(N, 256, 2), jnp.int32)
    btai = lax.bitcast_convert_type(bta.reshape(N, 256, 2), jnp.int32)
    zai, zbi = _sc_zgather(a2i, btai, src_pad, dst0_pad)
    za = lax.bitcast_convert_type(zai, jnp.bfloat16).reshape(EPAD, 512)
    zb = lax.bitcast_convert_type(zbi, jnp.bfloat16).reshape(EPAD, 512)

    Wc = s1_w[512:768]
    return _tc_scorer(za, zb, edge_attr, ee_w1, ee_b1, ee_w2, ee_b2, ee_g,
                      ee_be, Wc, s2_w, s2_b, s3_w, s3_b)

# --- scband reference (transcript-rebuilt; emitter-appended) ---
"""Pipeline reference for scband-edge-ranking-gnn1-41875931136401 (READ-ONLY COPY).

The authoritative reference and input builder live on the scoring server;
editing this copy changes nothing except your own understanding.
"""

import jax, jax.numpy as jnp
import numpy as np

N = 10000
E = 160000
D = 256
DE = 16
H = 256
G = 8

def layer_norm(x, g, b, eps=1e-5):
    m = x.mean(-1, keepdims=True)
    v = ((x - m) ** 2).mean(-1, keepdims=True)
    return (x - m) / jnp.sqrt(v + eps) * g + b

def gcn_conv(x, edge_index, W, b):
    n = x.shape[0]
    loop = jnp.arange(n)
    src = jnp.concatenate([edge_index[0], loop])
    dst = jnp.concatenate([edge_index[1], loop])
    deg = jnp.zeros((n,), x.dtype).at[dst].add(1.0)
    dis = jnp.where(deg > 0, deg ** -0.5, 0.0)
    norm = dis[src] * dis[dst]
    xw = x @ W
    out = jnp.zeros_like(xw).at[dst].add(xw[src] * norm[:, None])
    return out + b

def forward_fn(x, edge_attr, params, edge_index, batch):
    (ne_w1, ne_b1, ne_w2, ne_b2, ne_g, ne_be,
     ee_w1, ee_b1, ee_w2, ee_b2, ee_g, ee_be,
     c1_w, c1_b, c2_w, c2_b,
     ctx_w, ctx_b, ctx_g, ctx_be,
     s1_w, s1_b, s2_w, s2_b, s3_w, s3_b) = params
    h_nodes = layer_norm(jax.nn.relu(x @ ne_w1 + ne_b1) @ ne_w2 + ne_b2, ne_g, ne_be)
    h_edges = layer_norm(jax.nn.relu(edge_attr @ ee_w1 + ee_b1) @ ee_w2 + ee_b2, ee_g, ee_be)
    h = jax.nn.leaky_relu(gcn_conv(h_nodes, edge_index, c1_w, c1_b), 0.1)
    h = gcn_conv(h, edge_index, c2_w, c2_b)
    cnt = jax.ops.segment_sum(jnp.ones((h.shape[0],), h.dtype), batch, num_segments=G)
    gc = jax.ops.segment_sum(h, batch, num_segments=G) / jnp.clip(cnt, 1.0)[:, None]
    gc = layer_norm(jax.nn.relu(gc @ ctx_w + ctx_b), ctx_g, ctx_be)
    src = edge_index[0]
    dst = edge_index[1]
    er = jnp.concatenate([h[src], h[dst], h_edges, gc[batch[src]]], axis=1)
    s = jnp.tanh(er @ s1_w + s1_b)
    s = jnp.tanh(s @ s2_w + s2_b)
    return jax.nn.sigmoid(s @ s3_w + s3_b)

PARAM_NAMES = ['ne_w1', 'ne_b1', 'ne_w2', 'ne_b2', 'ne_g', 'ne_be',
               'ee_w1', 'ee_b1', 'ee_w2', 'ee_b2', 'ee_g', 'ee_be',
               'c1_w', 'c1_b', 'c2_w', 'c2_b',
               'ctx_w', 'ctx_b', 'ctx_g', 'ctx_be',
               's1_w', 's1_b', 's2_w', 's2_b', 's3_w', 's3_b']

def setup_inputs(seed: int = 0):
    key = jax.random.key(seed)
    ks = jax.random.split(key, 24)
    def w(i, fan_in, shape):
        return jax.random.normal(ks[i], shape, jnp.float32) * (2.0 / fan_in) ** 0.5
    inp = {}
    inp['x'] = jax.random.normal(ks[0], (N, D), jnp.float32)
    inp['edge_index'] = jax.random.randint(ks[1], (2, E), 0, N)
    inp['edge_attr'] = jax.random.normal(ks[2], (E, DE), jnp.float32)
    inp['batch'] = jnp.sort(jax.random.randint(ks[3], (N,), 0, G))
    inp['ne_w1'] = w(4, D, (D, H)); inp['ne_b1'] = jnp.full((H,), 0.01, jnp.float32)
    inp['ne_w2'] = w(5, H, (H, H)); inp['ne_b2'] = jnp.full((H,), 0.01, jnp.float32)
    inp['ne_g'] = jnp.ones((H,), jnp.float32); inp['ne_be'] = jnp.zeros((H,), jnp.float32)
    inp['ee_w1'] = w(6, DE, (DE, H)); inp['ee_b1'] = jnp.full((H,), 0.01, jnp.float32)
    inp['ee_w2'] = w(7, H, (H, H)); inp['ee_b2'] = jnp.full((H,), 0.01, jnp.float32)
    inp['ee_g'] = jnp.ones((H,), jnp.float32); inp['ee_be'] = jnp.zeros((H,), jnp.float32)
    inp['c1_w'] = w(8, H, (H, H)); inp['c1_b'] = jnp.full((H,), 0.01, jnp.float32)
    inp['c2_w'] = w(9, H, (H, H)); inp['c2_b'] = jnp.full((H,), 0.01, jnp.float32)
    inp['ctx_w'] = w(10, H, (H, H)); inp['ctx_b'] = jnp.full((H,), 0.01, jnp.float32)
    inp['ctx_g'] = jnp.ones((H,), jnp.float32); inp['ctx_be'] = jnp.zeros((H,), jnp.float32)
    inp['s1_w'] = w(11, 4 * H, (4 * H, 2 * H)); inp['s1_b'] = jnp.full((2 * H,), 0.01, jnp.float32)
    inp['s2_w'] = w(12, 2 * H, (2 * H, H)); inp['s2_b'] = jnp.full((H,), 0.01, jnp.float32)
    inp['s3_w'] = w(13, H, (H, 1)); inp['s3_b'] = jnp.full((1,), 0.01, jnp.float32)
    return inp

def reference(x, edge_index, edge_attr, batch, ne_w1, ne_b1, ne_w2, ne_b2, ne_g, ne_be, ee_w1, ee_b1, ee_w2, ee_b2, ee_g, ee_be, c1_w, c1_b, c2_w, c2_b, ctx_w, ctx_b, ctx_g, ctx_be, s1_w, s1_b, s2_w, s2_b, s3_w, s3_b):
    params = (ne_w1, ne_b1, ne_w2, ne_b2, ne_g, ne_be,
              ee_w1, ee_b1, ee_w2, ee_b2, ee_g, ee_be,
              c1_w, c1_b, c2_w, c2_b,
              ctx_w, ctx_b, ctx_g, ctx_be,
              s1_w, s1_b, s2_w, s2_b, s3_w, s3_b)
    return forward_fn(x, edge_attr, params, edge_index, batch)

if __name__ == "__main__":
    import jax
    _d = setup_inputs()
    print(jax.jit(kernel)(*tuple(_d.values())))

</pallas_src>

<mosaic_0001>
#map = affine_map<(d0, d1) -> (0)>
#map1 = affine_map<(d0, d1) -> (0, 0)>
module attributes {stable_mosaic.version = 14 : i64} {
  func.func @k(%arg0: i32, %arg1: i32, %arg2: memref<163840xi32, #tpu.memory_space<hbm>>, %arg3: memref<128x128xf32, #tpu.memory_space<hbm>>, %arg4: memref<10240x128xf32, #tpu.memory_space<hbm>>, %arg5: memref<10240x128xf32, #tpu.memory_space<hbm>>, %arg6: memref<10240x128xf32, #tpu.memory_space<hbm>>, %arg7: memref<128xi32, #tpu.memory_space<vmem>>, %arg8: memref<128x128xf32, #tpu.memory_space<vmem>>, %arg9: memref<10240x128xf32, #tpu.memory_space<vmem_shared>>) attributes {dimension_semantics = [#tpu.dimension_semantics<core_parallel>, #tpu.dimension_semantics<subcore_parallel>], iteration_bounds = array<i64: 2, 16>, scalar_prefetch = 0 : i64, scratch_operands = 3 : i64, tpu.core_type = #tpu.core_type<sc_vector_subcore>, window_params = [{transform_indices = #map}, {transform_indices = #map1}, {transform_indices = #map1}, {transform_indices = #map1}, {transform_indices = #map1}]} {
    %mul3A = arith.constant 640 : i32
    %mul3A_0 = arith.muli %arg1, %mul3A : i32
    %mul3A_1 = arith.constant 640 : i32
    %mul3A_2 = arith.muli %arg1, %mul3A_1 : i32
    "tpu.region"() ({
      %run_scoped3A = tpu.sem_alloc : memref<!tpu.dma_semaphore, #tpu.memory_space<semaphore_mem>>
      %dma_start3A = arith.constant 0 : i32
      %dma_start3A_19 = tpu.memref_slice %arg9[%mul3A_2, %dma_start3A] : memref<10240x128xf32, #tpu.memory_space<vmem_shared>> -> memref<640x128xf32, #tpu.memory_space<vmem_shared>>
      %dma_start3A_20 = arith.constant 0 : i32
      %dma_start3A_21 = tpu.memref_slice %arg4[%mul3A_0, %dma_start3A_20] : memref<10240x128xf32, #tpu.memory_space<hbm>> -> memref<640x128xf32, #tpu.memory_space<hbm>>
      tpu.enqueue_dma source(%dma_start3A_21 : memref<640x128xf32, #tpu.memory_space<hbm>>) target(%dma_start3A_19 : memref<640x128xf32, #tpu.memory_space<vmem_shared>>) target_semaphore(%run_scoped3A : memref<!tpu.dma_semaphore, #tpu.memory_space<semaphore_mem>>)
      %dma_wait3A = arith.constant 0 : i32
      %dma_wait3A_22 = tpu.memref_slice %arg9[%mul3A_2, %dma_wait3A] : memref<10240x128xf32, #tpu.memory_space<vmem_shared>> -> memref<640x128xf32, #tpu.memory_space<vmem_shared>>
      %dma_wait3A_23 = arith.constant 0 : i32
      %dma_wait3A_24 = tpu.memref_slice %arg4[%mul3A_0, %dma_wait3A_23] : memref<10240x128xf32, #tpu.memory_space<hbm>> -> memref<640x128xf32, #tpu.memory_space<hbm>>
      tpu.wait_dma2 semaphore(%run_scoped3A : memref<!tpu.dma_semaphore, #tpu.memory_space<semaphore_mem>>) src(%dma_wait3A_24 : memref<640x128xf32, #tpu.memory_space<hbm>>) dst(%dma_wait3A_22 : memref<640x128xf32, #tpu.memory_space<vmem_shared>>)
      tpu.yield
    }) : () -> ()
    "tpu.region"() ({
      %run_scoped3A = tpu.sem_alloc : memref<!tpu.dma_semaphore, #tpu.memory_space<semaphore_mem>>
      tpu.enqueue_dma source(%arg3 : memref<128x128xf32, #tpu.memory_space<hbm>>) target(%arg8 : memref<128x128xf32, #tpu.memory_space<vmem>>) target_semaphore(%run_scoped3A : memref<!tpu.dma_semaphore, #tpu.memory_space<semaphore_mem>>)
      tpu.wait_dma2 semaphore(%run_scoped3A : memref<!tpu.dma_semaphore, #tpu.memory_space<semaphore_mem>>) src(%arg3 : memref<128x128xf32, #tpu.memory_space<hbm>>) dst(%arg8 : memref<128x128xf32, #tpu.memory_space<vmem>>)
      tpu.yield
    }) : () -> ()
    %barrier3A = arith.constant 0 : index
    tpu.barrier barrier_id(%barrier3A)
    %mul3A_3 = arith.constant 2 : i32
    %mul3A_4 = arith.muli %arg1, %mul3A_3 : i32
    %add3A = arith.addi %mul3A_4, %arg0 : i32
    %mul3A_5 = arith.constant 5120 : i32
    %mul3A_6 = arith.muli %add3A, %mul3A_5 : i32
    %scan3A = arith.constant 0 : i32
    %scan3A_7 = arith.constant 40 : i32
    %scan3A_8 = arith.addi %scan3A, %scan3A_7 : i32
    %scan3A_9 = arith.constant 1 : i32
    scf.for %scan3A_19 = %scan3A to %scan3A_8 step %scan3A_9  : i32 {
      %mul3A_20 = arith.constant 1 : i32
      %mul3A_21 = arith.muli %scan3A_19, %mul3A_20 : i32
      %add3A_22 = arith.constant 0 : i32
      %add3A_23 = arith.addi %add3A_22, %mul3A_21 : i32
      %mul3A_24 = arith.constant 128 : i32
      %mul3A_25 = arith.muli %add3A_23, %mul3A_24 : i32
      %add3A_26 = arith.addi %mul3A_6, %mul3A_25 : i32
      "tpu.region"() ({
        %run_scoped3A = tpu.sem_alloc : memref<!tpu.dma_semaphore, #tpu.memory_space<semaphore_mem>>
        %dma_start3A = tpu.memref_slice %arg2[%add3A_26] : memref<163840xi32, #tpu.memory_space<hbm>> -> memref<128xi32, #tpu.memory_space<hbm>>
        %dma_start3A_27 = tpu.memref_slice %arg2[%add3A_26] : memref<163840xi32, #tpu.memory_space<hbm>> -> memref<128xi32, #tpu.memory_space<hbm>>
        tpu.enqueue_dma source(%dma_start3A_27 : memref<128xi32, #tpu.memory_space<hbm>>) target(%arg7 : memref<128xi32, #tpu.memory_space<vmem>>) target_semaphore(%run_scoped3A : memref<!tpu.dma_semaphore, #tpu.memory_space<semaphore_mem>>)
        %dma_wait3A = tpu.memref_slice %arg2[%add3A_26] : memref<163840xi32, #tpu.memory_space<hbm>> -> memref<128xi32, #tpu.memory_space<hbm>>
        %dma_wait3A_28 = tpu.memref_slice %arg2[%add3A_26] : memref<163840xi32, #tpu.memory_space<hbm>> -> memref<128xi32, #tpu.memory_space<hbm>>
        tpu.wait_dma2 semaphore(%run_scoped3A : memref<!tpu.dma_semaphore, #tpu.memory_space<semaphore_mem>>) src(%dma_wait3A_28 : memref<128xi32, #tpu.memory_space<hbm>>) dst(%arg7 : memref<128xi32, #tpu.memory_space<vmem>>)
        tpu.yield
      }) : () -> ()
      "tpu.region"() ({
        %run_scoped3A = tpu.sem_alloc : memref<!tpu.dma_semaphore, #tpu.memory_space<semaphore_mem>>
        %dma_start3A = arith.constant 0 : i32
        %dma_start3A_27 = arith.constant 0 : i32
        %dma_start3A_28 = tpu.memref_slice %arg9[%dma_start3A, %dma_start3A_27] : memref<10240x128xf32, #tpu.memory_space<vmem_shared>> -> memref<10240x128xf32, #tpu.memory_space<vmem_shared>>
        tpu.enqueue_indirect_dma source(%arg8 : memref<128x128xf32, #tpu.memory_space<vmem>>) target(%dma_start3A_28 : memref<10240x128xf32, #tpu.memory_space<vmem_shared>>) offsets(%arg7 : memref<128xi32, #tpu.memory_space<vmem>>) semaphore(%run_scoped3A : memref<!tpu.dma_semaphore, #tpu.memory_space<semaphore_mem>>) {add = true}
        %dma_wait3A = arith.constant 0 : i32
        %dma_wait3A_29 = arith.constant 0 : i32
        %dma_wait3A_30 = tpu.memref_slice %arg9[%dma_wait3A, %dma_wait3A_29] : memref<10240x128xf32, #tpu.memory_space<vmem_shared>> -> memref<10240x128xf32, #tpu.memory_space<vmem_shared>>
        tpu.wait_indirect_dma semaphore(%run_scoped3A : memref<!tpu.dma_semaphore, #tpu.memory_space<semaphore_mem>>) src(%arg8 : memref<128x128xf32, #tpu.memory_space<vmem>>) dst(%dma_wait3A_30 : memref<10240x128xf32, #tpu.memory_space<vmem_shared>>)
        tpu.yield
      }) : () -> ()
    }
    %scan3A_10 = arith.constant 40 : i32
    %barrier3A_11 = arith.constant 0 : index
    tpu.barrier barrier_id(%barrier3A_11)
    %eq3A = arith.constant 0 : i32
    %eq3A_12 = arith.cmpi eq, %arg0, %eq3A : i32
    %convert_element_type3A = arith.extui %eq3A_12 : i1 to i32
    %cond3A = arith.constant 0 : i32
    %cond3A_13 = arith.cmpi ne, %convert_element_type3A, %cond3A : i32
    scf.if %cond3A_13 {
      %mul3A_19 = arith.constant 640 : i32
      %mul3A_20 = arith.muli %arg1, %mul3A_19 : i32
      %mul3A_21 = arith.constant 640 : i32
      %mul3A_22 = arith.muli %arg1, %mul3A_21 : i32
      "tpu.region"() ({
        %run_scoped3A = tpu.sem_alloc : memref<!tpu.dma_semaphore, #tpu.memory_space<semaphore_mem>>
        %dma_start3A = arith.constant 0 : i32
        %dma_start3A_23 = tpu.memref_slice %arg5[%mul3A_22, %dma_start3A] : memref<10240x128xf32, #tpu.memory_space<hbm>> -> memref<640x128xf32, #tpu.memory_space<hbm>>
        %dma_start3A_24 = arith.constant 0 : i32
        %dma_start3A_25 = tpu.memref_slice %arg9[%mul3A_20, %dma_start3A_24] : memref<10240x128xf32, #tpu.memory_space<vmem_shared>> -> memref<640x128xf32, #tpu.memory_space<vmem_shared>>
        tpu.enqueue_dma source(%dma_start3A_25 : memref<640x128xf32, #tpu.memory_space<vmem_shared>>) target(%dma_start3A_23 : memref<640x128xf32, #tpu.memory_space<hbm>>) target_semaphore(%run_scoped3A : memref<!tpu.dma_semaphore, #tpu.memory_space<semaphore_mem>>)
        %dma_wait3A = arith.constant 0 : i32
        %dma_wait3A_26 = tpu.memref_slice %arg5[%mul3A_22, %dma_wait3A] : memref<10240x128xf32, #tpu.memory_space<hbm>> -> memref<640x128xf32, #tpu.memory_space<hbm>>
        %dma_wait3A_27 = arith.constant 0 : i32
        %dma_wait3A_28 = tpu.memref_slice %arg9[%mul3A_20, %dma_wait3A_27] : memref<10240x128xf32, #tpu.memory_space<vmem_shared>> -> memref<640x128xf32, #tpu.memory_space<vmem_shared>>
        tpu.wait_dma2 semaphore(%run_scoped3A : memref<!tpu.dma_semaphore, #tpu.memory_space<semaphore_mem>>) src(%dma_wait3A_28 : memref<640x128xf32, #tpu.memory_space<vmem_shared>>) dst(%dma_wait3A_26 : memref<640x128xf32, #tpu.memory_space<hbm>>)
        tpu.yield
      }) : () -> ()
    } else {
    }
    %eq3A_14 = arith.constant 1 : i32
    %eq3A_15 = arith.cmpi eq, %arg0, %eq3A_14 : i32
    %convert_element_type3A_16 = arith.extui %eq3A_15 : i1 to i32
    %cond3A_17 = arith.constant 0 : i32
    %cond3A_18 = arith.cmpi ne, %convert_element_type3A_16, %cond3A_17 : i32
    scf.if %cond3A_18 {
      %mul3A_19 = arith.constant 640 : i32
      %mul3A_20 = arith.muli %arg1, %mul3A_19 : i32
      %mul3A_21 = arith.constant 640 : i32
      %mul3A_22 = arith.muli %arg1, %mul3A_21 : i32
      "tpu.region"() ({
        %run_scoped3A = tpu.sem_alloc : memref<!tpu.dma_semaphore, #tpu.memory_space<semaphore_mem>>
        %dma_start3A = arith.constant 0 : i32
        %dma_start3A_23 = tpu.memref_slice %arg6[%mul3A_22, %dma_start3A] : memref<10240x128xf32, #tpu.memory_space<hbm>> -> memref<640x128xf32, #tpu.memory_space<hbm>>
        %dma_start3A_24 = arith.constant 0 : i32
        %dma_start3A_25 = tpu.memref_slice %arg9[%mul3A_20, %dma_start3A_24] : memref<10240x128xf32, #tpu.memory_space<vmem_shared>> -> memref<640x128xf32, #tpu.memory_space<vmem_shared>>
        tpu.enqueue_dma source(%dma_start3A_25 : memref<640x128xf32, #tpu.memory_space<vmem_shared>>) target(%dma_start3A_23 : memref<640x128xf32, #tpu.memory_space<hbm>>) target_semaphore(%run_scoped3A : memref<!tpu.dma_semaphore, #tpu.memory_space<semaphore_mem>>)
        %dma_wait3A = arith.constant 0 : i32
        %dma_wait3A_26 = tpu.memref_slice %arg6[%mul3A_22, %dma_wait3A] : memref<10240x128xf32, #tpu.memory_space<hbm>> -> memref<640x128xf32, #tpu.memory_space<hbm>>
        %dma_wait3A_27 = arith.constant 0 : i32
        %dma_wait3A_28 = tpu.memref_slice %arg9[%mul3A_20, %dma_wait3A_27] : memref<10240x128xf32, #tpu.memory_space<vmem_shared>> -> memref<640x128xf32, #tpu.memory_space<vmem_shared>>
        tpu.wait_dma2 semaphore(%run_scoped3A : memref<!tpu.dma_semaphore, #tpu.memory_space<semaphore_mem>>) src(%dma_wait3A_28 : memref<640x128xf32, #tpu.memory_space<vmem_shared>>) dst(%dma_wait3A_26 : memref<640x128xf32, #tpu.memory_space<hbm>>)
        tpu.yield
      }) : () -> ()
    } else {
    }
    return
  }
}

#map = affine_map<(d0, d1) -> (0, 0)>
#map1 = affine_map<(d0, d1) -> (0)>
module attributes {stable_mosaic.version = 14 : i64} {
  func.func @k(%arg0: i32, %arg1: i32, %arg2: memref<10000x128xf32, #tpu.memory_space<hbm>>, %arg3: memref<10000x128xf32, #tpu.memory_space<hbm>>, %arg4: memref<163840xi32, #tpu.memory_space<hbm>>, %arg5: memref<163840xi32, #tpu.memory_space<hbm>>, %arg6: memref<10240x128xf32, #tpu.memory_space<hbm>>, %arg7: memref<10240x128xf32, #tpu.memory_space<hbm>>, %arg8: memref<10240x128xf32, #tpu.memory_space<hbm>>, %arg9: memref<128xi32, #tpu.memory_space<vmem>>, %arg10: memref<128xi32, #tpu.memory_space<vmem>>, %arg11: memref<128x128xf32, #tpu.memory_space<vmem>>, %arg12: memref<10240x128xf32, #tpu.memory_space<vmem_shared>>, %arg13: memref<!tpu.dma_semaphore, #tpu.memory_space<semaphore_mem>>) attributes {dimension_semantics = [#tpu.dimension_semantics<core_parallel>, #tpu.dimension_semantics<subcore_parallel>], iteration_bounds = array<i64: 2, 16>, scalar_prefetch = 0 : i64, scratch_operands = 5 : i64, tpu.core_type = #tpu.core_type<sc_vector_subcore>, window_params = [{transform_indices = #map}, {transform_indices = #map}, {transform_indices = #map1}, {transform_indices = #map1}, {transform_indices = #map}, {transform_indices = #map}, {transform_indices = #map}]} {
    %mul3A = arith.constant 640 : i32
    %mul3A_0 = arith.muli %arg1, %mul3A : i32
    %mul3A_1 = arith.constant 640 : i32
    %mul3A_2 = arith.muli %arg1, %mul3A_1 : i32
    "tpu.region"() ({
      %run_scoped3A = tpu.sem_alloc : memref<!tpu.dma_semaphore, #tpu.memory_space<semaphore_mem>>
      %dma_start3A = arith.constant 0 : i32
      %dma_start3A_17 = tpu.memref_slice %arg12[%mul3A_2, %dma_start3A] : memref<10240x128xf32, #tpu.memory_space<vmem_shared>> -> memref<640x128xf32, #tpu.memory_space<vmem_shared>>
      %dma_start3A_18 = arith.constant 0 : i32
      %dma_start3A_19 = tpu.memref_slice %arg6[%mul3A_0, %dma_start3A_18] : memref<10240x128xf32, #tpu.memory_space<hbm>> -> memref<640x128xf32, #tpu.memory_space<hbm>>
      tpu.enqueue_dma source(%dma_start3A_19 : memref<640x128xf32, #tpu.memory_space<hbm>>) target(%dma_start3A_17 : memref<640x128xf32, #tpu.memory_space<vmem_shared>>) target_semaphore(%run_scoped3A : memref<!tpu.dma_semaphore, #tpu.memory_space<semaphore_mem>>)
      %dma_wait3A = arith.constant 0 : i32
      %dma_wait3A_20 = tpu.memref_slice %arg12[%mul3A_2, %dma_wait3A] : memref<10240x128xf32, #tpu.memory_space<vmem_shared>> -> memref<640x128xf32, #tpu.memory_space<vmem_shared>>
      %dma_wait3A_21 = arith.constant 0 : i32
      %dma_wait3A_22 = tpu.memref_slice %arg6[%mul3A_0, %dma_wait3A_21] : memref<10240x128xf32, #tpu.memory_space<hbm>> -> memref<640x128xf32, #tpu.memory_space<hbm>>
      tpu.wait_dma2 semaphore(%run_scoped3A : memref<!tpu.dma_semaphore, #tpu.memory_space<semaphore_mem>>) src(%dma_wait3A_22 : memref<640x128xf32, #tpu.memory_space<hbm>>) dst(%dma_wait3A_20 : memref<640x128xf32, #tpu.memory_space<vmem_shared>>)
      tpu.yield
    }) : () -> ()
    %barrier3A = arith.constant 0 : index
    tpu.barrier barrier_id(%barrier3A)
    %mul3A_3 = arith.constant 10240 : i32
    %mul3A_4 = arith.muli %arg1, %mul3A_3 : i32
    %scan3A = arith.constant 0 : i32
    %scan3A_5 = arith.constant 80 : i32
    %scan3A_6 = arith.addi %scan3A, %scan3A_5 : i32
    %scan3A_7 = arith.constant 1 : i32
    scf.for %scan3A_17 = %scan3A to %scan3A_6 step %scan3A_7  : i32 {
      %mul3A_18 = arith.constant 1 : i32
      %mul3A_19 = arith.muli %scan3A_17, %mul3A_18 : i32
      %add3A = arith.constant 0 : i32
      %add3A_20 = arith.addi %add3A, %mul3A_19 : i32
      %mul3A_21 = arith.constant 128 : i32
      %mul3A_22 = arith.muli %add3A_20, %mul3A_21 : i32
      %add3A_23 = arith.addi %mul3A_4, %mul3A_22 : i32
      "tpu.region"() ({
        %run_scoped3A = tpu.sem_alloc : memref<!tpu.dma_semaphore, #tpu.memory_space<semaphore_mem>>
        %dma_start3A = tpu.memref_slice %arg4[%add3A_23] : memref<163840xi32, #tpu.memory_space<hbm>> -> memref<128xi32, #tpu.memory_space<hbm>>
        %dma_start3A_34 = tpu.memref_slice %arg4[%add3A_23] : memref<163840xi32, #tpu.memory_space<hbm>> -> memref<128xi32, #tpu.memory_space<hbm>>
        tpu.enqueue_dma source(%dma_start3A_34 : memref<128xi32, #tpu.memory_space<hbm>>) target(%arg9 : memref<128xi32, #tpu.memory_space<vmem>>) target_semaphore(%run_scoped3A : memref<!tpu.dma_semaphore, #tpu.memory_space<semaphore_mem>>)
        %dma_wait3A = tpu.memref_slice %arg4[%add3A_23] : memref<163840xi32, #tpu.memory_space<hbm>> -> memref<128xi32, #tpu.memory_space<hbm>>
        %dma_wait3A_35 = tpu.memref_slice %arg4[%add3A_23] : memref<163840xi32, #tpu.memory_space<hbm>> -> memref<128xi32, #tpu.memory_space<hbm>>
        tpu.wait_dma2 semaphore(%run_scoped3A : memref<!tpu.dma_semaphore, #tpu.memory_space<semaphore_mem>>) src(%dma_wait3A_35 : memref<128xi32, #tpu.memory_space<hbm>>) dst(%arg9 : memref<128xi32, #tpu.memory_space<vmem>>)
        tpu.yield
      }) : () -> ()
      "tpu.region"() ({
        %run_scoped3A = tpu.sem_alloc : memref<!tpu.dma_semaphore, #tpu.memory_space<semaphore_mem>>
        %dma_start3A = tpu.memref_slice %arg5[%add3A_23] : memref<163840xi32, #tpu.memory_space<hbm>> -> memref<128xi32, #tpu.memory_space<hbm>>
        %dma_start3A_34 = tpu.memref_slice %arg5[%add3A_23] : memref<163840xi32, #tpu.memory_space<hbm>> -> memref<128xi32, #tpu.memory_space<hbm>>
        tpu.enqueue_dma source(%dma_start3A_34 : memref<128xi32, #tpu.memory_space<hbm>>) target(%arg10 : memref<128xi32, #tpu.memory_space<vmem>>) target_semaphore(%run_scoped3A : memref<!tpu.dma_semaphore, #tpu.memory_space<semaphore_mem>>)
        %dma_wait3A = tpu.memref_slice %arg5[%add3A_23] : memref<163840xi32, #tpu.memory_space<hbm>> -> memref<128xi32, #tpu.memory_space<hbm>>
        %dma_wait3A_35 = tpu.memref_slice %arg5[%add3A_23] : memref<163840xi32, #tpu.memory_space<hbm>> -> memref<128xi32, #tpu.memory_space<hbm>>
        tpu.wait_dma2 semaphore(%run_scoped3A : memref<!tpu.dma_semaphore, #tpu.memory_space<semaphore_mem>>) src(%dma_wait3A_35 : memref<128xi32, #tpu.memory_space<hbm>>) dst(%arg10 : memref<128xi32, #tpu.memory_space<vmem>>)
        tpu.yield
      }) : () -> ()
      %eq3A_24 = arith.constant 0 : i32
      %eq3A_25 = arith.cmpi eq, %arg0, %eq3A_24 : i32
      %convert_element_type3A_26 = arith.extui %eq3A_25 : i1 to i32
      %cond3A_27 = arith.constant 0 : i32
      %cond3A_28 = arith.cmpi ne, %convert_element_type3A_26, %cond3A_27 : i32
      scf.if %cond3A_28 {
        %dma_start3A = arith.constant 0 : i32
        %dma_start3A_34 = arith.constant 0 : i32
        %dma_start3A_35 = tpu.memref_slice %arg2[%dma_start3A, %dma_start3A_34] : memref<10000x128xf32, #tpu.memory_space<hbm>> -> memref<10000x128xf32, #tpu.memory_space<hbm>>
        tpu.enqueue_indirect_dma source(%dma_start3A_35 : memref<10000x128xf32, #tpu.memory_space<hbm>>) target(%arg11 : memref<128x128xf32, #tpu.memory_space<vmem>>) offsets(%arg9 : memref<128xi32, #tpu.memory_space<vmem>>) semaphore(%arg13 : memref<!tpu.dma_semaphore, #tpu.memory_space<semaphore_mem>>)
        %dma_wait3A = arith.constant 0 : i32
        %dma_wait3A_36 = arith.constant 0 : i32
        %dma_wait3A_37 = tpu.memref_slice %arg2[%dma_wait3A, %dma_wait3A_36] : memref<10000x128xf32, #tpu.memory_space<hbm>> -> memref<10000x128xf32, #tpu.memory_space<hbm>>
        tpu.wait_indirect_dma semaphore(%arg13 : memref<!tpu.dma_semaphore, #tpu.memory_space<semaphore_mem>>) src(%dma_wait3A_37 : memref<10000x128xf32, #tpu.memory_space<hbm>>) dst(%arg11 : memref<128x128xf32, #tpu.memory_space<vmem>>)
      } else {
      }
      %eq3A_29 = arith.constant 1 : i32
      %eq3A_30 = arith.cmpi eq, %arg0, %eq3A_29 : i32
      %convert_element_type3A_31 = arith.extui %eq3A_30 : i1 to i32
      %cond3A_32 = arith.constant 0 : i32
      %cond3A_33 = arith.cmpi ne, %convert_element_type3A_31, %cond3A_32 : i32
      scf.if %cond3A_33 {
        %dma_start3A = arith.constant 0 : i32
        %dma_start3A_34 = arith.constant 0 : i32
        %dma_start3A_35 = tpu.memref_slice %arg3[%dma_start3A, %dma_start3A_34] : memref<10000x128xf32, #tpu.memory_space<hbm>> -> memref<10000x128xf32, #tpu.memory_space<hbm>>
        tpu.enqueue_indirect_dma source(%dma_start3A_35 : memref<10000x128xf32, #tpu.memory_space<hbm>>) target(%arg11 : memref<128x128xf32, #tpu.memory_space<vmem>>) offsets(%arg9 : memref<128xi32, #tpu.memory_space<vmem>>) semaphore(%arg13 : memref<!tpu.dma_semaphore, #tpu.memory_space<semaphore_mem>>)
        %dma_wait3A = arith.constant 0 : i32
        %dma_wait3A_36 = arith.constant 0 : i32
        %dma_wait3A_37 = tpu.memref_slice %arg3[%dma_wait3A, %dma_wait3A_36] : memref<10000x128xf32, #tpu.memory_space<hbm>> -> memref<10000x128xf32, #tpu.memory_space<hbm>>
        tpu.wait_indirect_dma semaphore(%arg13 : memref<!tpu.dma_semaphore, #tpu.memory_space<semaphore_mem>>) src(%dma_wait3A_37 : memref<10000x128xf32, #tpu.memory_space<hbm>>) dst(%arg11 : memref<128x128xf32, #tpu.memory_space<vmem>>)
      } else {
      }
      "tpu.region"() ({
        %run_scoped3A = tpu.sem_alloc : memref<!tpu.dma_semaphore, #tpu.memory_space<semaphore_mem>>
        %dma_start3A = arith.constant 0 : i32
        %dma_start3A_34 = arith.constant 0 : i32
        %dma_start3A_35 = tpu.memref_slice %arg12[%dma_start3A, %dma_start3A_34] : memref<10240x128xf32, #tpu.memory_space<vmem_shared>> -> memref<10240x128xf32, #tpu.memory_space<vmem_shared>>
        tpu.enqueue_indirect_dma source(%arg11 : memref<128x128xf32, #tpu.memory_space<vmem>>) target(%dma_start3A_35 : memref<10240x128xf32, #tpu.memory_space<vmem_shared>>) offsets(%arg10 : memref<128xi32, #tpu.memory_space<vmem>>) semaphore(%run_scoped3A : memref<!tpu.dma_semaphore, #tpu.memory_space<semaphore_mem>>) {add = true}
        %dma_wait3A = arith.constant 0 : i32
        %dma_wait3A_36 = arith.constant 0 : i32
        %dma_wait3A_37 = tpu.memref_slice %arg12[%dma_wait3A, %dma_wait3A_36] : memref<10240x128xf32, #tpu.memory_space<vmem_shared>> -> memref<10240x128xf32, #tpu.memory_space<vmem_shared>>
        tpu.wait_indirect_dma semaphore(%run_scoped3A : memref<!tpu.dma_semaphore, #tpu.memory_space<semaphore_mem>>) src(%arg11 : memref<128x128xf32, #tpu.memory_space<vmem>>) dst(%dma_wait3A_37 : memref<10240x128xf32, #tpu.memory_space<vmem_shared>>)
        tpu.yield
      }) : () -> ()
    }
    %scan3A_8 = arith.constant 80 : i32
    %barrier3A_9 = arith.constant 0 : index
    tpu.barrier barrier_id(%barrier3A_9)
    %eq3A = arith.constant 0 : i32
    %eq3A_10 = arith.cmpi eq, %arg0, %eq3A : i32
    %convert_element_type3A = arith.extui %eq3A_10 : i1 to i32
    %cond3A = arith.constant 0 : i32
    %cond3A_11 = arith.cmpi ne, %convert_element_type3A, %cond3A : i32
    scf.if %cond3A_11 {
      %mul3A_17 = arith.constant 640 : i32
      %mul3A_18 = arith.muli %arg1, %mul3A_17 : i32
      %mul3A_19 = arith.constant 640 : i32
      %mul3A_20 = arith.muli %arg1, %mul3A_19 : i32
      "tpu.region"() ({
        %run_scoped3A = tpu.sem_alloc : memref<!tpu.dma_semaphore, #tpu.memory_space<semaphore_mem>>
        %dma_start3A = arith.constant 0 : i32
        %dma_start3A_21 = tpu.memref_slice %arg7[%mul3A_20, %dma_start3A] : memref<10240x128xf32, #tpu.memory_space<hbm>> -> memref<640x128xf32, #tpu.memory_space<hbm>>
        %dma_start3A_22 = arith.constant 0 : i32
        %dma_start3A_23 = tpu.memref_slice %arg12[%mul3A_18, %dma_start3A_22] : memref<10240x128xf32, #tpu.memory_space<vmem_shared>> -> memref<640x128xf32, #tpu.memory_space<vmem_shared>>
        tpu.enqueue_dma source(%dma_start3A_23 : memref<640x128xf32, #tpu.memory_space<vmem_shared>>) target(%dma_start3A_21 : memref<640x128xf32, #tpu.memory_space<hbm>>) target_semaphore(%run_scoped3A : memref<!tpu.dma_semaphore, #tpu.memory_space<semaphore_mem>>)
        %dma_wait3A = arith.constant 0 : i32
        %dma_wait3A_24 = tpu.memref_slice %arg7[%mul3A_20, %dma_wait3A] : memref<10240x128xf32, #tpu.memory_space<hbm>> -> memref<640x128xf32, #tpu.memory_space<hbm>>
        %dma_wait3A_25 = arith.constant 0 : i32
        %dma_wait3A_26 = tpu.memref_slice %arg12[%mul3A_18, %dma_wait3A_25] : memref<10240x128xf32, #tpu.memory_space<vmem_shared>> -> memref<640x128xf32, #tpu.memory_space<vmem_shared>>
        tpu.wait_dma2 semaphore(%run_scoped3A : memref<!tpu.dma_semaphore, #tpu.memory_space<semaphore_mem>>) src(%dma_wait3A_26 : memref<640x128xf32, #tpu.memory_space<vmem_shared>>) dst(%dma_wait3A_24 : memref<640x128xf32, #tpu.memory_space<hbm>>)
        tpu.yield
      }) : () -> ()
    } else {
    }
    %eq3A_12 = arith.constant 1 : i32
    %eq3A_13 = arith.cmpi eq, %arg0, %eq3A_12 : i32
    %convert_element_type3A_14 = arith.extui %eq3A_13 : i1 to i32
    %cond3A_15 = arith.constant 0 : i32
    %cond3A_16 = arith.cmpi ne, %convert_element_type3A_14, %cond3A_15 : i32
    scf.if %cond3A_16 {
      %mul3A_17 = arith.constant 640 : i32
      %mul3A_18 = arith.muli %arg1, %mul3A_17 : i32
      %mul3A_19 = arith.constant 640 : i32
      %mul3A_20 = arith.muli %arg1, %mul3A_19 : i32
      "tpu.region"() ({
        %run_scoped3A = tpu.sem_alloc : memref<!tpu.dma_semaphore, #tpu.memory_space<semaphore_mem>>
        %dma_start3A = arith.constant 0 : i32
        %dma_start3A_21 = tpu.memref_slice %arg8[%mul3A_20, %dma_start3A] : memref<10240x128xf32, #tpu.memory_space<hbm>> -> memref<640x128xf32, #tpu.memory_space<hbm>>
        %dma_start3A_22 = arith.constant 0 : i32
        %dma_start3A_23 = tpu.memref_slice %arg12[%mul3A_18, %dma_start3A_22] : memref<10240x128xf32, #tpu.memory_space<vmem_shared>> -> memref<640x128xf32, #tpu.memory_space<vmem_shared>>
        tpu.enqueue_dma source(%dma_start3A_23 : memref<640x128xf32, #tpu.memory_space<vmem_shared>>) target(%dma_start3A_21 : memref<640x128xf32, #tpu.memory_space<hbm>>) target_semaphore(%run_scoped3A : memref<!tpu.dma_semaphore, #tpu.memory_space<semaphore_mem>>)
        %dma_wait3A = arith.constant 0 : i32
        %dma_wait3A_24 = tpu.memref_slice %arg8[%mul3A_20, %dma_wait3A] : memref<10240x128xf32, #tpu.memory_space<hbm>> -> memref<640x128xf32, #tpu.memory_space<hbm>>
        %dma_wait3A_25 = arith.constant 0 : i32
        %dma_wait3A_26 = tpu.memref_slice %arg12[%mul3A_18, %dma_wait3A_25] : memref<10240x128xf32, #tpu.memory_space<vmem_shared>> -> memref<640x128xf32, #tpu.memory_space<vmem_shared>>
        tpu.wait_dma2 semaphore(%run_scoped3A : memref<!tpu.dma_semaphore, #tpu.memory_space<semaphore_mem>>) src(%dma_wait3A_26 : memref<640x128xf32, #tpu.memory_space<vmem_shared>>) dst(%dma_wait3A_24 : memref<640x128xf32, #tpu.memory_space<hbm>>)
        tpu.yield
      }) : () -> ()
    } else {
    }
    return
  }
}

#map = affine_map<(d0, d1) -> (0, 0)>
#map1 = affine_map<(d0, d1) -> (0)>
module attributes {stable_mosaic.version = 14 : i64} {
  func.func @k(%arg0: i32, %arg1: i32, %arg2: memref<10000x128xf32, #tpu.memory_space<hbm>>, %arg3: memref<10000x128xf32, #tpu.memory_space<hbm>>, %arg4: memref<163840xi32, #tpu.memory_space<hbm>>, %arg5: memref<163840xi32, #tpu.memory_space<hbm>>, %arg6: memref<10240x128xf32, #tpu.memory_space<hbm>>, %arg7: memref<10240x128xf32, #tpu.memory_space<hbm>>, %arg8: memref<10240x128xf32, #tpu.memory_space<hbm>>, %arg9: memref<128xi32, #tpu.memory_space<vmem>>, %arg10: memref<128xi32, #tpu.memory_space<vmem>>, %arg11: memref<128x128xf32, #tpu.memory_space<vmem>>, %arg12: memref<10240x128xf32, #tpu.memory_space<vmem_shared>>, %arg13: memref<!tpu.dma_semaphore, #tpu.memory_space<semaphore_mem>>) attributes {dimension_semantics = [#tpu.dimension_semantics<core_parallel>, #tpu.dimension_semantics<subcore_parallel>], iteration_bounds = array<i64: 2, 16>, scalar_prefetch = 0 : i64, scratch_operands = 5 : i64, tpu.core_type = #tpu.core_type<sc_vector_subcore>, window_params = [{transform_indices = #map}, {transform_indices = #map}, {transform_indices = #map1}, {transform_indices = #map1}, {transform_indices = #map}, {transform_indices = #map}, {transform_indices = #map}]} {
    %mul3A = arith.constant 640 : i32
    %mul3A_0 = arith.muli %arg1, %mul3A : i32
    %mul3A_1 = arith.constant 640 : i32
    %mul3A_2 = arith.muli %arg1, %mul3A_1 : i32
    "tpu.region"() ({
      %run_scoped3A = tpu.sem_alloc : memref<!tpu.dma_semaphore, #tpu.memory_space<semaphore_mem>>
      %dma_start3A = arith.constant 0 : i32
      %dma_start3A_17 = tpu.memref_slice %arg12[%mul3A_2, %dma_start3A] : memref<10240x128xf32, #tpu.memory_space<vmem_shared>> -> memref<640x128xf32, #tpu.memory_space<vmem_shared>>
      %dma_start3A_18 = arith.constant 0 : i32
      %dma_start3A_19 = tpu.memref_slice %arg6[%mul3A_0, %dma_start3A_18] : memref<10240x128xf32, #tpu.memory_space<hbm>> -> memref<640x128xf32, #tpu.memory_space<hbm>>
      tpu.enqueue_dma source(%dma_start3A_19 : memref<640x128xf32, #tpu.memory_space<hbm>>) target(%dma_start3A_17 : memref<640x128xf32, #tpu.memory_space<vmem_shared>>) target_semaphore(%run_scoped3A : memref<!tpu.dma_semaphore, #tpu.memory_space<semaphore_mem>>)
      %dma_wait3A = arith.constant 0 : i32
      %dma_wait3A_20 = tpu.memref_slice %arg12[%mul3A_2, %dma_wait3A] : memref<10240x128xf32, #tpu.memory_space<vmem_shared>> -> memref<640x128xf32, #tpu.memory_space<vmem_shared>>
      %dma_wait3A_21 = arith.constant 0 : i32
      %dma_wait3A_22 = tpu.memref_slice %arg6[%mul3A_0, %dma_wait3A_21] : memref<10240x128xf32, #tpu.memory_space<hbm>> -> memref<640x128xf32, #tpu.memory_space<hbm>>
      tpu.wait_dma2 semaphore(%run_scoped3A : memref<!tpu.dma_semaphore, #tpu.memory_space<semaphore_mem>>) src(%dma_wait3A_22 : memref<640x128xf32, #tpu.memory_space<hbm>>) dst(%dma_wait3A_20 : memref<640x128xf32, #tpu.memory_space<vmem_shared>>)
      tpu.yield
    }) : () -> ()
    %barrier3A = arith.constant 0 : index
    tpu.barrier barrier_id(%barrier3A)
    %mul3A_3 = arith.constant 10240 : i32
    %mul3A_4 = arith.muli %arg1, %mul3A_3 : i32
    %scan3A = arith.constant 0 : i32
    %scan3A_5 = arith.constant 80 : i32
    %scan3A_6 = arith.addi %scan3A, %scan3A_5 : i32
    %scan3A_7 = arith.constant 1 : i32
    scf.for %scan3A_17 = %scan3A to %scan3A_6 step %scan3A_7  : i32 {
      %mul3A_18 = arith.constant 1 : i32
      %mul3A_19 = arith.muli %scan3A_17, %mul3A_18 : i32
      %add3A = arith.constant 0 : i32
      %add3A_20 = arith.addi %add3A, %mul3A_19 : i32
      %mul3A_21 = arith.constant 128 : i32
      %mul3A_22 = arith.muli %add3A_20, %mul3A_21 : i32
      %add3A_23 = arith.addi %mul3A_4, %mul3A_22 : i32
      "tpu.region"() ({
        %run_scoped3A = tpu.sem_alloc : memref<!tpu.dma_semaphore, #tpu.memory_space<semaphore_mem>>
        %dma_start3A = tpu.memref_slice %arg4[%add3A_23] : memref<163840xi32, #tpu.memory_space<hbm>> -> memref<128xi32, #tpu.memory_space<hbm>>
        %dma_start3A_34 = tpu.memref_slice %arg4[%add3A_23] : memref<163840xi32, #tpu.memory_space<hbm>> -> memref<128xi32, #tpu.memory_space<hbm>>
        tpu.enqueue_dma source(%dma_start3A_34 : memref<128xi32, #tpu.memory_space<hbm>>) target(%arg9 : memref<128xi32, #tpu.memory_space<vmem>>) target_semaphore(%run_scoped3A : memref<!tpu.dma_semaphore, #tpu.memory_space<semaphore_mem>>)
        %dma_wait3A = tpu.memref_slice %arg4[%add3A_23] : memref<163840xi32, #tpu.memory_space<hbm>> -> memref<128xi32, #tpu.memory_space<hbm>>
        %dma_wait3A_35 = tpu.memref_slice %arg4[%add3A_23] : memref<163840xi32, #tpu.memory_space<hbm>> -> memref<128xi32, #tpu.memory_space<hbm>>
        tpu.wait_dma2 semaphore(%run_scoped3A : memref<!tpu.dma_semaphore, #tpu.memory_space<semaphore_mem>>) src(%dma_wait3A_35 : memref<128xi32, #tpu.memory_space<hbm>>) dst(%arg9 : memref<128xi32, #tpu.memory_space<vmem>>)
        tpu.yield
      }) : () -> ()
      "tpu.region"() ({
        %run_scoped3A = tpu.sem_alloc : memref<!tpu.dma_semaphore, #tpu.memory_space<semaphore_mem>>
        %dma_start3A = tpu.memref_slice %arg5[%add3A_23] : memref<163840xi32, #tpu.memory_space<hbm>> -> memref<128xi32, #tpu.memory_space<hbm>>
        %dma_start3A_34 = tpu.memref_slice %arg5[%add3A_23] : memref<163840xi32, #tpu.memory_space<hbm>> -> memref<128xi32, #tpu.memory_space<hbm>>
        tpu.enqueue_dma source(%dma_start3A_34 : memref<128xi32, #tpu.memory_space<hbm>>) target(%arg10 : memref<128xi32, #tpu.memory_space<vmem>>) target_semaphore(%run_scoped3A : memref<!tpu.dma_semaphore, #tpu.memory_space<semaphore_mem>>)
        %dma_wait3A = tpu.memref_slice %arg5[%add3A_23] : memref<163840xi32, #tpu.memory_space<hbm>> -> memref<128xi32, #tpu.memory_space<hbm>>
        %dma_wait3A_35 = tpu.memref_slice %arg5[%add3A_23] : memref<163840xi32, #tpu.memory_space<hbm>> -> memref<128xi32, #tpu.memory_space<hbm>>
        tpu.wait_dma2 semaphore(%run_scoped3A : memref<!tpu.dma_semaphore, #tpu.memory_space<semaphore_mem>>) src(%dma_wait3A_35 : memref<128xi32, #tpu.memory_space<hbm>>) dst(%arg10 : memref<128xi32, #tpu.memory_space<vmem>>)
        tpu.yield
      }) : () -> ()
      %eq3A_24 = arith.constant 0 : i32
      %eq3A_25 = arith.cmpi eq, %arg0, %eq3A_24 : i32
      %convert_element_type3A_26 = arith.extui %eq3A_25 : i1 to i32
      %cond3A_27 = arith.constant 0 : i32
      %cond3A_28 = arith.cmpi ne, %convert_element_type3A_26, %cond3A_27 : i32
      scf.if %cond3A_28 {
        %dma_start3A = arith.constant 0 : i32
        %dma_start3A_34 = arith.constant 0 : i32
        %dma_start3A_35 = tpu.memref_slice %arg2[%dma_start3A, %dma_start3A_34] : memref<10000x128xf32, #tpu.memory_space<hbm>> -> memref<10000x128xf32, #tpu.memory_space<hbm>>
        tpu.enqueue_indirect_dma source(%dma_start3A_35 : memref<10000x128xf32, #tpu.memory_space<hbm>>) target(%arg11 : memref<128x128xf32, #tpu.memory_space<vmem>>) offsets(%arg9 : memref<128xi32, #tpu.memory_space<vmem>>) semaphore(%arg13 : memref<!tpu.dma_semaphore, #tpu.memory_space<semaphore_mem>>)
        %dma_wait3A = arith.constant 0 : i32
        %dma_wait3A_36 = arith.constant 0 : i32
        %dma_wait3A_37 = tpu.memref_slice %arg2[%dma_wait3A, %dma_wait3A_36] : memref<10000x128xf32, #tpu.memory_space<hbm>> -> memref<10000x128xf32, #tpu.memory_space<hbm>>
        tpu.wait_indirect_dma semaphore(%arg13 : memref<!tpu.dma_semaphore, #tpu.memory_space<semaphore_mem>>) src(%dma_wait3A_37 : memref<10000x128xf32, #tpu.memory_space<hbm>>) dst(%arg11 : memref<128x128xf32, #tpu.memory_space<vmem>>)
      } else {
      }
      %eq3A_29 = arith.constant 1 : i32
      %eq3A_30 = arith.cmpi eq, %arg0, %eq3A_29 : i32
      %convert_element_type3A_31 = arith.extui %eq3A_30 : i1 to i32
      %cond3A_32 = arith.constant 0 : i32
      %cond3A_33 = arith.cmpi ne, %convert_element_type3A_31, %cond3A_32 : i32
      scf.if %cond3A_33 {
        %dma_start3A = arith.constant 0 : i32
        %dma_start3A_34 = arith.constant 0 : i32
        %dma_start3A_35 = tpu.memref_slice %arg3[%dma_start3A, %dma_start3A_34] : memref<10000x128xf32, #tpu.memory_space<hbm>> -> memref<10000x128xf32, #tpu.memory_space<hbm>>
        tpu.enqueue_indirect_dma source(%dma_start3A_35 : memref<10000x128xf32, #tpu.memory_space<hbm>>) target(%arg11 : memref<128x128xf32, #tpu.memory_space<vmem>>) offsets(%arg9 : memref<128xi32, #tpu.memory_space<vmem>>) semaphore(%arg13 : memref<!tpu.dma_semaphore, #tpu.memory_space<semaphore_mem>>)
        %dma_wait3A = arith.constant 0 : i32
        %dma_wait3A_36 = arith.constant 0 : i32
        %dma_wait3A_37 = tpu.memref_slice %arg3[%dma_wait3A, %dma_wait3A_36] : memref<10000x128xf32, #tpu.memory_space<hbm>> -> memref<10000x128xf32, #tpu.memory_space<hbm>>
        tpu.wait_indirect_dma semaphore(%arg13 : memref<!tpu.dma_semaphore, #tpu.memory_space<semaphore_mem>>) src(%dma_wait3A_37 : memref<10000x128xf32, #tpu.memory_space<hbm>>) dst(%arg11 : memref<128x128xf32, #tpu.memory_space<vmem>>)
      } else {
      }
      "tpu.region"() ({
        %run_scoped3A = tpu.sem_alloc : memref<!tpu.dma_semaphore, #tpu.memory_space<semaphore_mem>>
        %dma_start3A = arith.constant 0 : i32
        %dma_start3A_34 = arith.constant 0 : i32
        %dma_start3A_35 = tpu.memref_slice %arg12[%dma_start3A, %dma_start3A_34] : memref<10240x128xf32, #tpu.memory_space<vmem_shared>> -> memref<10240x128xf32, #tpu.memory_space<vmem_shared>>
        tpu.enqueue_indirect_dma source(%arg11 : memref<128x128xf32, #tpu.memory_space<vmem>>) target(%dma_start3A_35 : memref<10240x128xf32, #tpu.memory_space<vmem_shared>>) offsets(%arg10 : memref<128xi32, #tpu.memory_space<vmem>>) semaphore(%run_scoped3A : memref<!tpu.dma_semaphore, #tpu.memory_space<semaphore_mem>>) {add = true}
        %dma_wait3A = arith.constant 0 : i32
        %dma_wait3A_36 = arith.constant 0 : i32
        %dma_wait3A_37 = tpu.memref_slice %arg12[%dma_wait3A, %dma_wait3A_36] : memref<10240x128xf32, #tpu.memory_space<vmem_shared>> -> memref<10240x128xf32, #tpu.memory_space<vmem_shared>>
        tpu.wait_indirect_dma semaphore(%run_scoped3A : memref<!tpu.dma_semaphore, #tpu.memory_space<semaphore_mem>>) src(%arg11 : memref<128x128xf32, #tpu.memory_space<vmem>>) dst(%dma_wait3A_37 : memref<10240x128xf32, #tpu.memory_space<vmem_shared>>)
        tpu.yield
      }) : () -> ()
    }
    %scan3A_8 = arith.constant 80 : i32
    %barrier3A_9 = arith.constant 0 : index
    tpu.barrier barrier_id(%barrier3A_9)
    %eq3A = arith.constant 0 : i32
    %eq3A_10 = arith.cmpi eq, %arg0, %eq3A : i32
    %convert_element_type3A = arith.extui %eq3A_10 : i1 to i32
    %cond3A = arith.constant 0 : i32
    %cond3A_11 = arith.cmpi ne, %convert_element_type3A, %cond3A : i32
    scf.if %cond3A_11 {
      %mul3A_17 = arith.constant 640 : i32
      %mul3A_18 = arith.muli %arg1, %mul3A_17 : i32
      %mul3A_19 = arith.constant 640 : i32
      %mul3A_20 = arith.muli %arg1, %mul3A_19 : i32
      "tpu.region"() ({
        %run_scoped3A = tpu.sem_alloc : memref<!tpu.dma_semaphore, #tpu.memory_space<semaphore_mem>>
        %dma_start3A = arith.constant 0 : i32
        %dma_start3A_21 = tpu.memref_slice %arg7[%mul3A_20, %dma_start3A] : memref<10240x128xf32, #tpu.memory_space<hbm>> -> memref<640x128xf32, #tpu.memory_space<hbm>>
        %dma_start3A_22 = arith.constant 0 : i32
        %dma_start3A_23 = tpu.memref_slice %arg12[%mul3A_18, %dma_start3A_22] : memref<10240x128xf32, #tpu.memory_space<vmem_shared>> -> memref<640x128xf32, #tpu.memory_space<vmem_shared>>
        tpu.enqueue_dma source(%dma_start3A_23 : memref<640x128xf32, #tpu.memory_space<vmem_shared>>) target(%dma_start3A_21 : memref<640x128xf32, #tpu.memory_space<hbm>>) target_semaphore(%run_scoped3A : memref<!tpu.dma_semaphore, #tpu.memory_space<semaphore_mem>>)
        %dma_wait3A = arith.constant 0 : i32
        %dma_wait3A_24 = tpu.memref_slice %arg7[%mul3A_20, %dma_wait3A] : memref<10240x128xf32, #tpu.memory_space<hbm>> -> memref<640x128xf32, #tpu.memory_space<hbm>>
        %dma_wait3A_25 = arith.constant 0 : i32
        %dma_wait3A_26 = tpu.memref_slice %arg12[%mul3A_18, %dma_wait3A_25] : memref<10240x128xf32, #tpu.memory_space<vmem_shared>> -> memref<640x128xf32, #tpu.memory_space<vmem_shared>>
        tpu.wait_dma2 semaphore(%run_scoped3A : memref<!tpu.dma_semaphore, #tpu.memory_space<semaphore_mem>>) src(%dma_wait3A_26 : memref<640x128xf32, #tpu.memory_space<vmem_shared>>) dst(%dma_wait3A_24 : memref<640x128xf32, #tpu.memory_space<hbm>>)
        tpu.yield
      }) : () -> ()
    } else {
    }
    %eq3A_12 = arith.constant 1 : i32
    %eq3A_13 = arith.cmpi eq, %arg0, %eq3A_12 : i32
    %convert_element_type3A_14 = arith.extui %eq3A_13 : i1 to i32
    %cond3A_15 = arith.constant 0 : i32
    %cond3A_16 = arith.cmpi ne, %convert_element_type3A_14, %cond3A_15 : i32
    scf.if %cond3A_16 {
      %mul3A_17 = arith.constant 640 : i32
      %mul3A_18 = arith.muli %arg1, %mul3A_17 : i32
      %mul3A_19 = arith.constant 640 : i32
      %mul3A_20 = arith.muli %arg1, %mul3A_19 : i32
      "tpu.region"() ({
        %run_scoped3A = tpu.sem_alloc : memref<!tpu.dma_semaphore, #tpu.memory_space<semaphore_mem>>
        %dma_start3A = arith.constant 0 : i32
        %dma_start3A_21 = tpu.memref_slice %arg8[%mul3A_20, %dma_start3A] : memref<10240x128xf32, #tpu.memory_space<hbm>> -> memref<640x128xf32, #tpu.memory_space<hbm>>
        %dma_start3A_22 = arith.constant 0 : i32
        %dma_start3A_23 = tpu.memref_slice %arg12[%mul3A_18, %dma_start3A_22] : memref<10240x128xf32, #tpu.memory_space<vmem_shared>> -> memref<640x128xf32, #tpu.memory_space<vmem_shared>>
        tpu.enqueue_dma source(%dma_start3A_23 : memref<640x128xf32, #tpu.memory_space<vmem_shared>>) target(%dma_start3A_21 : memref<640x128xf32, #tpu.memory_space<hbm>>) target_semaphore(%run_scoped3A : memref<!tpu.dma_semaphore, #tpu.memory_space<semaphore_mem>>)
        %dma_wait3A = arith.constant 0 : i32
        %dma_wait3A_24 = tpu.memref_slice %arg8[%mul3A_20, %dma_wait3A] : memref<10240x128xf32, #tpu.memory_space<hbm>> -> memref<640x128xf32, #tpu.memory_space<hbm>>
        %dma_wait3A_25 = arith.constant 0 : i32
        %dma_wait3A_26 = tpu.memref_slice %arg12[%mul3A_18, %dma_wait3A_25] : memref<10240x128xf32, #tpu.memory_space<vmem_shared>> -> memref<640x128xf32, #tpu.memory_space<vmem_shared>>
        tpu.wait_dma2 semaphore(%run_scoped3A : memref<!tpu.dma_semaphore, #tpu.memory_space<semaphore_mem>>) src(%dma_wait3A_26 : memref<640x128xf32, #tpu.memory_space<vmem_shared>>) dst(%dma_wait3A_24 : memref<640x128xf32, #tpu.memory_space<hbm>>)
        tpu.yield
      }) : () -> ()
    } else {
    }
    return
  }
}

#map = affine_map<(d0, d1) -> (0, 0)>
#map1 = affine_map<(d0, d1) -> (0)>
module attributes {stable_mosaic.version = 14 : i64} {
  func.func @k(%arg0: i32, %arg1: i32, %arg2: memref<10000x256xi32, #tpu.memory_space<hbm>>, %arg3: memref<10000x256xi32, #tpu.memory_space<hbm>>, %arg4: memref<163840xi32, #tpu.memory_space<hbm>>, %arg5: memref<163840xi32, #tpu.memory_space<hbm>>, %arg6: memref<163840x256xi32, #tpu.memory_space<hbm>>, %arg7: memref<163840x256xi32, #tpu.memory_space<hbm>>, %arg8: memref<64xi32, #tpu.memory_space<vmem>>, %arg9: memref<64xi32, #tpu.memory_space<vmem>>, %arg10: memref<64x256xi32, #tpu.memory_space<vmem>>, %arg11: memref<64x256xi32, #tpu.memory_space<vmem>>, %arg12: memref<!tpu.dma_semaphore, #tpu.memory_space<semaphore_mem>>, %arg13: memref<!tpu.dma_semaphore, #tpu.memory_space<semaphore_mem>>) attributes {dimension_semantics = [#tpu.dimension_semantics<core_parallel>, #tpu.dimension_semantics<subcore_parallel>], iteration_bounds = array<i64: 2, 16>, scalar_prefetch = 0 : i64, scratch_operands = 6 : i64, tpu.core_type = #tpu.core_type<sc_vector_subcore>, window_params = [{transform_indices = #map}, {transform_indices = #map}, {transform_indices = #map1}, {transform_indices = #map1}, {transform_indices = #map}, {transform_indices = #map}]} {
    %mul3A = arith.constant 2 : i32
    %mul3A_0 = arith.muli %arg1, %mul3A : i32
    %add3A = arith.addi %mul3A_0, %arg0 : i32
    %mul3A_1 = arith.constant 5120 : i32
    %mul3A_2 = arith.muli %add3A, %mul3A_1 : i32
    %scan3A = arith.constant 0 : i32
    %scan3A_3 = arith.constant 80 : i32
    %scan3A_4 = arith.addi %scan3A, %scan3A_3 : i32
    %scan3A_5 = arith.constant 1 : i32
    scf.for %scan3A_7 = %scan3A to %scan3A_4 step %scan3A_5  : i32 {
      %mul3A_8 = arith.constant 1 : i32
      %mul3A_9 = arith.muli %scan3A_7, %mul3A_8 : i32
      %add3A_10 = arith.constant 0 : i32
      %add3A_11 = arith.addi %add3A_10, %mul3A_9 : i32
      %mul3A_12 = arith.constant 64 : i32
      %mul3A_13 = arith.muli %add3A_11, %mul3A_12 : i32
      %add3A_14 = arith.addi %mul3A_2, %mul3A_13 : i32
      "tpu.region"() ({
        %run_scoped3A = tpu.sem_alloc : memref<!tpu.dma_semaphore, #tpu.memory_space<semaphore_mem>>
        %dma_start3A_25 = tpu.memref_slice %arg4[%add3A_14] : memref<163840xi32, #tpu.memory_space<hbm>> -> memref<64xi32, #tpu.memory_space<hbm>>
        %dma_start3A_26 = tpu.memref_slice %arg4[%add3A_14] : memref<163840xi32, #tpu.memory_space<hbm>> -> memref<64xi32, #tpu.memory_space<hbm>>
        tpu.enqueue_dma source(%dma_start3A_26 : memref<64xi32, #tpu.memory_space<hbm>>) target(%arg8 : memref<64xi32, #tpu.memory_space<vmem>>) target_semaphore(%run_scoped3A : memref<!tpu.dma_semaphore, #tpu.memory_space<semaphore_mem>>)
        %dma_wait3A_27 = tpu.memref_slice %arg4[%add3A_14] : memref<163840xi32, #tpu.memory_space<hbm>> -> memref<64xi32, #tpu.memory_space<hbm>>
        %dma_wait3A_28 = tpu.memref_slice %arg4[%add3A_14] : memref<163840xi32, #tpu.memory_space<hbm>> -> memref<64xi32, #tpu.memory_space<hbm>>
        tpu.wait_dma2 semaphore(%run_scoped3A : memref<!tpu.dma_semaphore, #tpu.memory_space<semaphore_mem>>) src(%dma_wait3A_28 : memref<64xi32, #tpu.memory_space<hbm>>) dst(%arg8 : memref<64xi32, #tpu.memory_space<vmem>>)
        tpu.yield
      }) : () -> ()
      "tpu.region"() ({
        %run_scoped3A = tpu.sem_alloc : memref<!tpu.dma_semaphore, #tpu.memory_space<semaphore_mem>>
        %dma_start3A_25 = tpu.memref_slice %arg5[%add3A_14] : memref<163840xi32, #tpu.memory_space<hbm>> -> memref<64xi32, #tpu.memory_space<hbm>>
        %dma_start3A_26 = tpu.memref_slice %arg5[%add3A_14] : memref<163840xi32, #tpu.memory_space<hbm>> -> memref<64xi32, #tpu.memory_space<hbm>>
        tpu.enqueue_dma source(%dma_start3A_26 : memref<64xi32, #tpu.memory_space<hbm>>) target(%arg9 : memref<64xi32, #tpu.memory_space<vmem>>) target_semaphore(%run_scoped3A : memref<!tpu.dma_semaphore, #tpu.memory_space<semaphore_mem>>)
        %dma_wait3A_27 = tpu.memref_slice %arg5[%add3A_14] : memref<163840xi32, #tpu.memory_space<hbm>> -> memref<64xi32, #tpu.memory_space<hbm>>
        %dma_wait3A_28 = tpu.memref_slice %arg5[%add3A_14] : memref<163840xi32, #tpu.memory_space<hbm>> -> memref<64xi32, #tpu.memory_space<hbm>>
        tpu.wait_dma2 semaphore(%run_scoped3A : memref<!tpu.dma_semaphore, #tpu.memory_space<semaphore_mem>>) src(%dma_wait3A_28 : memref<64xi32, #tpu.memory_space<hbm>>) dst(%arg9 : memref<64xi32, #tpu.memory_space<vmem>>)
        tpu.yield
      }) : () -> ()
      %dma_start3A = arith.constant 0 : i32
      %dma_start3A_15 = arith.constant 0 : i32
      %dma_start3A_16 = tpu.memref_slice %arg2[%dma_start3A, %dma_start3A_15] : memref<10000x256xi32, #tpu.memory_space<hbm>> -> memref<10000x256xi32, #tpu.memory_space<hbm>>
      tpu.enqueue_indirect_dma source(%dma_start3A_16 : memref<10000x256xi32, #tpu.memory_space<hbm>>) target(%arg10 : memref<64x256xi32, #tpu.memory_space<vmem>>) offsets(%arg8 : memref<64xi32, #tpu.memory_space<vmem>>) semaphore(%arg12 : memref<!tpu.dma_semaphore, #tpu.memory_space<semaphore_mem>>)
      %dma_start3A_17 = arith.constant 0 : i32
      %dma_start3A_18 = arith.constant 0 : i32
      %dma_start3A_19 = tpu.memref_slice %arg3[%dma_start3A_17, %dma_start3A_18] : memref<10000x256xi32, #tpu.memory_space<hbm>> -> memref<10000x256xi32, #tpu.memory_space<hbm>>
      tpu.enqueue_indirect_dma source(%dma_start3A_19 : memref<10000x256xi32, #tpu.memory_space<hbm>>) target(%arg11 : memref<64x256xi32, #tpu.memory_space<vmem>>) offsets(%arg9 : memref<64xi32, #tpu.memory_space<vmem>>) semaphore(%arg13 : memref<!tpu.dma_semaphore, #tpu.memory_space<semaphore_mem>>)
      %dma_wait3A = arith.constant 0 : i32
      %dma_wait3A_20 = arith.constant 0 : i32
      %dma_wait3A_21 = tpu.memref_slice %arg2[%dma_wait3A, %dma_wait3A_20] : memref<10000x256xi32, #tpu.memory_space<hbm>> -> memref<10000x256xi32, #tpu.memory_space<hbm>>
      tpu.wait_indirect_dma semaphore(%arg12 : memref<!tpu.dma_semaphore, #tpu.memory_space<semaphore_mem>>) src(%dma_wait3A_21 : memref<10000x256xi32, #tpu.memory_space<hbm>>) dst(%arg10 : memref<64x256xi32, #tpu.memory_space<vmem>>)
      "tpu.region"() ({
        %run_scoped3A = tpu.sem_alloc : memref<!tpu.dma_semaphore, #tpu.memory_space<semaphore_mem>>
        %dma_start3A_25 = arith.constant 0 : i32
        %dma_start3A_26 = tpu.memref_slice %arg6[%add3A_14, %dma_start3A_25] : memref<163840x256xi32, #tpu.memory_space<hbm>> -> memref<64x256xi32, #tpu.memory_space<hbm>>
        %dma_start3A_27 = arith.constant 0 : i32
        %dma_start3A_28 = tpu.memref_slice %arg6[%add3A_14, %dma_start3A_27] : memref<163840x256xi32, #tpu.memory_space<hbm>> -> memref<64x256xi32, #tpu.memory_space<hbm>>
        tpu.enqueue_dma source(%arg10 : memref<64x256xi32, #tpu.memory_space<vmem>>) target(%dma_start3A_28 : memref<64x256xi32, #tpu.memory_space<hbm>>) target_semaphore(%run_scoped3A : memref<!tpu.dma_semaphore, #tpu.memory_space<semaphore_mem>>)
        %dma_wait3A_29 = arith.constant 0 : i32
        %dma_wait3A_30 = tpu.memref_slice %arg6[%add3A_14, %dma_wait3A_29] : memref<163840x256xi32, #tpu.memory_space<hbm>> -> memref<64x256xi32, #tpu.memory_space<hbm>>
        %dma_wait3A_31 = arith.constant 0 : i32
        %dma_wait3A_32 = tpu.memref_slice %arg6[%add3A_14, %dma_wait3A_31] : memref<163840x256xi32, #tpu.memory_space<hbm>> -> memref<64x256xi32, #tpu.memory_space<hbm>>
        tpu.wait_dma2 semaphore(%run_scoped3A : memref<!tpu.dma_semaphore, #tpu.memory_space<semaphore_mem>>) src(%arg10 : memref<64x256xi32, #tpu.memory_space<vmem>>) dst(%dma_wait3A_32 : memref<64x256xi32, #tpu.memory_space<hbm>>)
        tpu.yield
      }) : () -> ()
      %dma_wait3A_22 = arith.constant 0 : i32
      %dma_wait3A_23 = arith.constant 0 : i32
      %dma_wait3A_24 = tpu.memref_slice %arg3[%dma_wait3A_22, %dma_wait3A_23] : memref<10000x256xi32, #tpu.memory_space<hbm>> -> memref<10000x256xi32, #tpu.memory_space<hbm>>
      tpu.wait_indirect_dma semaphore(%arg13 : memref<!tpu.dma_semaphore, #tpu.memory_space<semaphore_mem>>) src(%dma_wait3A_24 : memref<10000x256xi32, #tpu.memory_space<hbm>>) dst(%arg11 : memref<64x256xi32, #tpu.memory_space<vmem>>)
      "tpu.region"() ({
        %run_scoped3A = tpu.sem_alloc : memref<!tpu.dma_semaphore, #tpu.memory_space<semaphore_mem>>
        %dma_start3A_25 = arith.constant 0 : i32
        %dma_start3A_26 = tpu.memref_slice %arg7[%add3A_14, %dma_start3A_25] : memref<163840x256xi32, #tpu.memory_space<hbm>> -> memref<64x256xi32, #tpu.memory_space<hbm>>
        %dma_start3A_27 = arith.constant 0 : i32
        %dma_start3A_28 = tpu.memref_slice %arg7[%add3A_14, %dma_start3A_27] : memref<163840x256xi32, #tpu.memory_space<hbm>> -> memref<64x256xi32, #tpu.memory_space<hbm>>
        tpu.enqueue_dma source(%arg11 : memref<64x256xi32, #tpu.memory_space<vmem>>) target(%dma_start3A_28 : memref<64x256xi32, #tpu.memory_space<hbm>>) target_semaphore(%run_scoped3A : memref<!tpu.dma_semaphore, #tpu.memory_space<semaphore_mem>>)
        %dma_wait3A_29 = arith.constant 0 : i32
        %dma_wait3A_30 = tpu.memref_slice %arg7[%add3A_14, %dma_wait3A_29] : memref<163840x256xi32, #tpu.memory_space<hbm>> -> memref<64x256xi32, #tpu.memory_space<hbm>>
        %dma_wait3A_31 = arith.constant 0 : i32
        %dma_wait3A_32 = tpu.memref_slice %arg7[%add3A_14, %dma_wait3A_31] : memref<163840x256xi32, #tpu.memory_space<hbm>> -> memref<64x256xi32, #tpu.memory_space<hbm>>
        tpu.wait_dma2 semaphore(%run_scoped3A : memref<!tpu.dma_semaphore, #tpu.memory_space<semaphore_mem>>) src(%arg11 : memref<64x256xi32, #tpu.memory_space<vmem>>) dst(%dma_wait3A_32 : memref<64x256xi32, #tpu.memory_space<hbm>>)
        tpu.yield
      }) : () -> ()
    }
    %scan3A_6 = arith.constant 80 : i32
    return
  }
}

module attributes {stable_mosaic.version = 14 : i64} {
  func.func @body(%arg0: i32, %arg1: memref<1000x256xf32, #tpu.memory_space<vmem>>, %arg2: memref<256x256xf32, #tpu.memory_space<vmem>>, %arg3: memref<1x256xf32, #tpu.memory_space<vmem>>, %arg4: memref<256x256xf32, #tpu.memory_space<vmem>>, %arg5: memref<1x256xf32, #tpu.memory_space<vmem>>, %arg6: memref<1x256xf32, #tpu.memory_space<vmem>>, %arg7: memref<1x256xf32, #tpu.memory_space<vmem>>, %arg8: memref<1000x256xf32, #tpu.memory_space<vmem>>) attributes {dimension_semantics = [#tpu.dimension_semantics<arbitrary>], iteration_bounds = array<i64: 10>, scalar_prefetch = 0 : i64, scratch_operands = 0 : i64, tpu.core_type = #tpu.core_type<tc>, window_params = [{transform_indices = @transform_0, window_bounds = array<i64: 1000, 256>}, {pipeline_mode = #tpu.pipeline_mode<synchronous>, transform_indices = @transform_1, window_bounds = array<i64: 256, 256>}, {pipeline_mode = #tpu.pipeline_mode<synchronous>, transform_indices = @transform_2, window_bounds = array<i64: 1, 256>}, {pipeline_mode = #tpu.pipeline_mode<synchronous>, transform_indices = @transform_3, window_bounds = array<i64: 256, 256>}, {pipeline_mode = #tpu.pipeline_mode<synchronous>, transform_indices = @transform_4, window_bounds = array<i64: 1, 256>}, {pipeline_mode = #tpu.pipeline_mode<synchronous>, transform_indices = @transform_5, window_bounds = array<i64: 1, 256>}, {pipeline_mode = #tpu.pipeline_mode<synchronous>, transform_indices = @transform_6, window_bounds = array<i64: 1, 256>}, {transform_indices = @transform_7, window_bounds = array<i64: 1000, 256>}]} {
    %get3A = arith.constant 0 : index
    %get3A_0 = arith.constant 0 : index
    %get3A_1 = vector.load %arg1[%get3A, %get3A_0] : memref<1000x256xf32, #tpu.memory_space<vmem>>, vector<1000x256xf32>
    %get3A_2 = arith.constant 0 : index
    %get3A_3 = arith.constant 0 : index
    %get3A_4 = vector.load %arg2[%get3A_2, %get3A_3] : memref<256x256xf32, #tpu.memory_space<vmem>>, vector<256x256xf32>
    %dot_general3A = arith.constant dense<0.000000e+00> : vector<1000x256xf32>
    %dot_general3A_5 = tpu.matmul %get3A_1, %get3A_4, %dot_general3A {dimension_numbers = #tpu.dot_dimension_numbers<[1], [0], [0], [1], [0, 0, 1, 1], [], []>, transpose_lhs_hint = false} : vector<1000x256xf32>, vector<256x256xf32>, vector<1000x256xf32> -> vector<1000x256xf32>
    %get3A_6 = arith.constant 0 : index
    %get3A_7 = arith.constant 0 : index
    %get3A_8 = vector.load %arg3[%get3A_6, %get3A_7] : memref<1x256xf32, #tpu.memory_space<vmem>>, vector<1x256xf32>
    %add3A = vector.broadcast %get3A_8 : vector<1x256xf32> to vector<1000x256xf32>
    %add3A_9 = arith.addf %dot_general3A_5, %add3A : vector<1000x256xf32>
    %max3A = arith.constant 0.000000e+00 : f32
    %max3A_10 = vector.broadcast %max3A : f32 to vector<1000x256xf32>
    %max3A_11 = arith.maximumf %add3A_9, %max3A_10 : vector<1000x256xf32>
    %get3A_12 = arith.constant 0 : index
    %get3A_13 = arith.constant 0 : index
    %get3A_14 = vector.load %arg4[%get3A_12, %get3A_13] : memref<256x256xf32, #tpu.memory_space<vmem>>, vector<256x256xf32>
    %dot_general3A_15 = arith.constant dense<0.000000e+00> : vector<1000x256xf32>
    %dot_general3A_16 = tpu.matmul %max3A_11, %get3A_14, %dot_general3A_15 {dimension_numbers = #tpu.dot_dimension_numbers<[1], [0], [0], [1], [0, 0, 1, 1], [], []>, transpose_lhs_hint = false} : vector<1000x256xf32>, vector<256x256xf32>, vector<1000x256xf32> -> vector<1000x256xf32>
    %get3A_17 = arith.constant 0 : index
    %get3A_18 = arith.constant 0 : index
    %get3A_19 = vector.load %arg5[%get3A_17, %get3A_18] : memref<1x256xf32, #tpu.memory_space<vmem>>, vector<1x256xf32>
    %add3A_20 = vector.broadcast %get3A_19 : vector<1x256xf32> to vector<1000x256xf32>
    %add3A_21 = arith.addf %dot_general3A_16, %add3A_20 : vector<1000x256xf32>
    %get3A_22 = arith.constant 0 : index
    %get3A_23 = arith.constant 0 : index
    %get3A_24 = vector.load %arg6[%get3A_22, %get3A_23] : memref<1x256xf32, #tpu.memory_space<vmem>>, vector<1x256xf32>
    %get3A_25 = arith.constant 0 : index
    %get3A_26 = arith.constant 0 : index
    %get3A_27 = vector.load %arg7[%get3A_25, %get3A_26] : memref<1x256xf32, #tpu.memory_space<vmem>>, vector<1x256xf32>
    %reduce_sum3A = arith.constant dense<0.000000e+00> : vector<1000xf32>
    %reduce_sum3A_28 = vector.multi_reduction <add>, %add3A_21, %reduce_sum3A [1] : vector<1000x256xf32> to vector<1000xf32>
    %broadcast_in_dim3A = vector.shape_cast %reduce_sum3A_28 : vector<1000xf32> to vector<1000x1xf32>
    %div3A = arith.constant 2.560000e+02 : f32
    %div3A_29 = vector.broadcast %div3A : f32 to vector<1000x1xf32>
    %div3A_30 = arith.divf %broadcast_in_dim3A, %div3A_29 : vector<1000x1xf32>
    %sub3A = vector.broadcast %div3A_30 : vector<1000x1xf32> to vector<1000x256xf32>
    %sub3A_31 = arith.subf %add3A_21, %sub3A : vector<1000x256xf32>
    %sub3A_32 = vector.broadcast %div3A_30 : vector<1000x1xf32> to vector<1000x256xf32>
    %sub3A_33 = arith.subf %add3A_21, %sub3A_32 : vector<1000x256xf32>
    %mul3A = arith.mulf %sub3A_31, %sub3A_33 : vector<1000x256xf32>
    %reduce_sum3A_34 = arith.constant dense<0.000000e+00> : vector<1000xf32>
    %reduce_sum3A_35 = vector.multi_reduction <add>, %mul3A, %reduce_sum3A_34 [1] : vector<1000x256xf32> to vector<1000xf32>
    %broadcast_in_dim3A_36 = vector.shape_cast %reduce_sum3A_35 : vector<1000xf32> to vector<1000x1xf32>
    %div3A_37 = arith.constant 2.560000e+02 : f32
    %div3A_38 = vector.broadcast %div3A_37 : f32 to vector<1000x1xf32>
    %div3A_39 = arith.divf %broadcast_in_dim3A_36, %div3A_38 : vector<1000x1xf32>
    %sub3A_40 = vector.broadcast %div3A_30 : vector<1000x1xf32> to vector<1000x256xf32>
    %sub3A_41 = arith.subf %add3A_21, %sub3A_40 : vector<1000x256xf32>
    %add3A_42 = arith.constant 9.99999974E-6 : f32
    %add3A_43 = vector.broadcast %add3A_42 : f32 to vector<1000x1xf32>
    %add3A_44 = arith.addf %div3A_39, %add3A_43 : vector<1000x1xf32>
    %rsqrt3A = math.rsqrt %add3A_44 : vector<1000x1xf32>
    %mul3A_45 = vector.broadcast %rsqrt3A : vector<1000x1xf32> to vector<1000x256xf32>
    %mul3A_46 = arith.mulf %sub3A_41, %mul3A_45 : vector<1000x256xf32>
    %mul3A_47 = vector.broadcast %get3A_24 : vector<1x256xf32> to vector<1000x256xf32>
    %mul3A_48 = arith.mulf %mul3A_46, %mul3A_47 : vector<1000x256xf32>
    %add3A_49 = vector.broadcast %get3A_27 : vector<1x256xf32> to vector<1000x256xf32>
    %add3A_50 = arith.addf %mul3A_48, %add3A_49 : vector<1000x256xf32>
    %swap3A = arith.constant 0 : index
    %swap3A_51 = arith.constant 0 : index
    %swap3A_52 = vector.load %arg8[%swap3A, %swap3A_51] : memref<1000x256xf32, #tpu.memory_space<vmem>>, vector<1000x256xf32>
    tpu.vector_store %arg8[%swap3A, %swap3A_51], %add3A_50 {strides = array<i32>} : memref<1000x256xf32, #tpu.memory_space<vmem>>, vector<1000x256xf32>,
    return
  }
  func.func @transform_0(%arg0: i32) -> (i32, i32) {
    %c0_i32 = arith.constant 0 : i32
    %c0_i32_0 = arith.constant 0 : i32
    return %arg0, %c0_i32 : i32, i32
  }
  func.func @transform_1(%arg0: i32) -> (i32, i32) {
    %c0_i32 = arith.constant 0 : i32
    %c0_i32_0 = arith.constant 0 : i32
    %c0_i32_1 = arith.constant 0 : i32
    return %c0_i32, %c0_i32_0 : i32, i32
  }
  func.func @transform_2(%arg0: i32) -> (i32, i32) {
    %c0_i32 = arith.constant 0 : i32
    %c0_i32_0 = arith.constant 0 : i32
    %c0_i32_1 = arith.constant 0 : i32
    return %c0_i32, %c0_i32_0 : i32, i32
  }
  func.func @transform_3(%arg0: i32) -> (i32, i32) {
    %c0_i32 = arith.constant 0 : i32
    %c0_i32_0 = arith.constant 0 : i32
    %c0_i32_1 = arith.constant 0 : i32
    return %c0_i32, %c0_i32_0 : i32, i32
  }
  func.func @transform_4(%arg0: i32) -> (i32, i32) {
    %c0_i32 = arith.constant 0 : i32
    %c0_i32_0 = arith.constant 0 : i32
    %c0_i32_1 = arith.constant 0 : i32
    return %c0_i32, %c0_i32_0 : i32, i32
  }
  func.func @transform_5(%arg0: i32) -> (i32, i32) {
    %c0_i32 = arith.constant 0 : i32
    %c0_i32_0 = arith.constant 0 : i32
    %c0_i32_1 = arith.constant 0 : i32
    return %c0_i32, %c0_i32_0 : i32, i32
  }
  func.func @transform_6(%arg0: i32) -> (i32, i32) {
    %c0_i32 = arith.constant 0 : i32
    %c0_i32_0 = arith.constant 0 : i32
    %c0_i32_1 = arith.constant 0 : i32
    return %c0_i32, %c0_i32_0 : i32, i32
  }
  func.func @transform_7(%arg0: i32) -> (i32, i32) {
    %c0_i32 = arith.constant 0 : i32
    %c0_i32_0 = arith.constant 0 : i32
    return %arg0, %c0_i32 : i32, i32
  }
}

module attributes {stable_mosaic.version = 14 : i64} {
  func.func @body(%arg0: i32, %arg1: memref<1000x256xf32, #tpu.memory_space<vmem>>, %arg2: memref<256x256xf32, #tpu.memory_space<vmem>>, %arg3: memref<1000x1xf32, #tpu.memory_space<vmem>>, %arg4: memref<1000x1xf32, #tpu.memory_space<vmem>>, %arg5: memref<1000x1xf32, #tpu.memory_space<vmem>>, %arg6: memref<1000x128xf32, #tpu.memory_space<vmem>>, %arg7: memref<1000x128xf32, #tpu.memory_space<vmem>>) attributes {dimension_semantics = [#tpu.dimension_semantics<arbitrary>], iteration_bounds = array<i64: 10>, scalar_prefetch = 0 : i64, scratch_operands = 0 : i64, tpu.core_type = #tpu.core_type<tc>, window_params = [{transform_indices = @transform_0, window_bounds = array<i64: 1000, 256>}, {pipeline_mode = #tpu.pipeline_mode<synchronous>, transform_indices = @transform_1, window_bounds = array<i64: 256, 256>}, {transform_indices = @transform_2, window_bounds = array<i64: 1000, 1>}, {transform_indices = @transform_3, window_bounds = array<i64: 1000, 1>}, {transform_indices = @transform_4, window_bounds = array<i64: 1000, 1>}, {transform_indices = @transform_5, window_bounds = array<i64: 1000, 128>}, {transform_indices = @transform_6, window_bounds = array<i64: 1000, 128>}]} {
    %get3A = arith.constant 0 : index
    %get3A_0 = arith.constant 0 : index
    %get3A_1 = vector.load %arg3[%get3A, %get3A_0] : memref<1000x1xf32, #tpu.memory_space<vmem>>, vector<1000x1xf32>
    %get3A_2 = arith.constant 0 : index
    %get3A_3 = arith.constant 0 : index
    %get3A_4 = vector.load %arg4[%get3A_2, %get3A_3] : memref<1000x1xf32, #tpu.memory_space<vmem>>, vector<1000x1xf32>
    %add3A = arith.addf %get3A_1, %get3A_4 : vector<1000x1xf32>
    %add3A_5 = arith.constant 1.000000e+00 : f32
    %add3A_6 = vector.broadcast %add3A_5 : f32 to vector<1000x1xf32>
    %add3A_7 = arith.addf %add3A, %add3A_6 : vector<1000x1xf32>
    %rsqrt3A = math.rsqrt %add3A_7 : vector<1000x1xf32>
    %swap3A = arith.constant 0 : index
    %swap3A_8 = arith.constant 0 : index
    %swap3A_9 = vector.load %arg5[%swap3A, %swap3A_8] : memref<1000x1xf32, #tpu.memory_space<vmem>>, vector<1000x1xf32>
    tpu.vector_store %arg5[%swap3A, %swap3A_8], %rsqrt3A {strides = array<i32>} : memref<1000x1xf32, #tpu.memory_space<vmem>>, vector<1000x1xf32>,
    %get3A_10 = arith.constant 0 : index
    %get3A_11 = arith.constant 0 : index
    %get3A_12 = vector.load %arg1[%get3A_10, %get3A_11] : memref<1000x256xf32, #tpu.memory_space<vmem>>, vector<1000x256xf32>
    %get3A_13 = arith.constant 0 : index
    %get3A_14 = arith.constant 0 : index
    %get3A_15 = vector.load %arg2[%get3A_13, %get3A_14] : memref<256x256xf32, #tpu.memory_space<vmem>>, vector<256x256xf32>
    %dot_general3A = arith.constant dense<0.000000e+00> : vector<1000x256xf32>
    %dot_general3A_16 = tpu.matmul %get3A_12, %get3A_15, %dot_general3A {dimension_numbers = #tpu.dot_dimension_numbers<[1], [0], [0], [1], [0, 0, 1, 1], [], []>, transpose_lhs_hint = false} : vector<1000x256xf32>, vector<256x256xf32>, vector<1000x256xf32> -> vector<1000x256xf32>
    %mul3A = vector.broadcast %rsqrt3A : vector<1000x1xf32> to vector<1000x256xf32>
    %mul3A_17 = arith.mulf %dot_general3A_16, %mul3A : vector<1000x256xf32>
    %slice3A = vector.extract_strided_slice %mul3A_17 {offsets = [0, 0], sizes = [1000, 128], strides = [1, 1]} : vector<1000x256xf32> to vector<1000x128xf32>
    %swap3A_18 = arith.constant 0 : index
    %swap3A_19 = arith.constant 0 : index
    %swap3A_20 = vector.load %arg6[%swap3A_18, %swap3A_19] : memref<1000x128xf32, #tpu.memory_space<vmem>>, vector<1000x128xf32>
    tpu.vector_store %arg6[%swap3A_18, %swap3A_19], %slice3A {strides = array<i32>} : memref<1000x128xf32, #tpu.memory_space<vmem>>, vector<1000x128xf32>,
    %slice3A_21 = vector.extract_strided_slice %mul3A_17 {offsets = [0, 128], sizes = [1000, 128], strides = [1, 1]} : vector<1000x256xf32> to vector<1000x128xf32>
    %swap3A_22 = arith.constant 0 : index
    %swap3A_23 = arith.constant 0 : index
    %swap3A_24 = vector.load %arg7[%swap3A_22, %swap3A_23] : memref<1000x128xf32, #tpu.memory_space<vmem>>, vector<1000x128xf32>
    tpu.vector_store %arg7[%swap3A_22, %swap3A_23], %slice3A_21 {strides = array<i32>} : memref<1000x128xf32, #tpu.memory_space<vmem>>, vector<1000x128xf32>,
    return
  }
  func.func @transform_0(%arg0: i32) -> (i32, i32) {
    %c0_i32 = arith.constant 0 : i32
    %c0_i32_0 = arith.constant 0 : i32
    return %arg0, %c0_i32 : i32, i32
  }
  func.func @transform_1(%arg0: i32) -> (i32, i32) {
    %c0_i32 = arith.constant 0 : i32
    %c0_i32_0 = arith.constant 0 : i32
    %c0_i32_1 = arith.constant 0 : i32
    return %c0_i32, %c0_i32_0 : i32, i32
  }
  func.func @transform_2(%arg0: i32) -> (i32, i32) {
    %c0_i32 = arith.constant 0 : i32
    %c0_i32_0 = arith.constant 0 : i32
    return %arg0, %c0_i32 : i32, i32
  }
  func.func @transform_3(%arg0: i32) -> (i32, i32) {
    %c0_i32 = arith.constant 0 : i32
    %c0_i32_0 = arith.constant 0 : i32
    return %arg0, %c0_i32 : i32, i32
  }
  func.func @transform_4(%arg0: i32) -> (i32, i32) {
    %c0_i32 = arith.constant 0 : i32
    %c0_i32_0 = arith.constant 0 : i32
    return %arg0, %c0_i32 : i32, i32
  }
  func.func @transform_5(%arg0: i32) -> (i32, i32) {
    %c0_i32 = arith.constant 0 : i32
    %c0_i32_0 = arith.constant 0 : i32
    return %arg0, %c0_i32 : i32, i32
  }
  func.func @transform_6(%arg0: i32) -> (i32, i32) {
    %c0_i32 = arith.constant 0 : i32
    %c0_i32_0 = arith.constant 0 : i32
    return %arg0, %c0_i32 : i32, i32
  }
}

module attributes {stable_mosaic.version = 14 : i64} {
  func.func @body(%arg0: i32, %arg1: memref<1000x128xf32, #tpu.memory_space<vmem>>, %arg2: memref<1000x128xf32, #tpu.memory_space<vmem>>, %arg3: memref<1000x128xf32, #tpu.memory_space<vmem>>, %arg4: memref<1000x128xf32, #tpu.memory_space<vmem>>, %arg5: memref<1000x1xf32, #tpu.memory_space<vmem>>, %arg6: memref<1x256xf32, #tpu.memory_space<vmem>>, %arg7: memref<256x256xf32, #tpu.memory_space<vmem>>, %arg8: memref<1000x128xf32, #tpu.memory_space<vmem>>, %arg9: memref<1000x128xf32, #tpu.memory_space<vmem>>) attributes {dimension_semantics = [#tpu.dimension_semantics<arbitrary>], iteration_bounds = array<i64: 10>, scalar_prefetch = 0 : i64, scratch_operands = 0 : i64, tpu.core_type = #tpu.core_type<tc>, window_params = [{transform_indices = @transform_0, window_bounds = array<i64: 1000, 128>}, {transform_indices = @transform_1, window_bounds = array<i64: 1000, 128>}, {transform_indices = @transform_2, window_bounds = array<i64: 1000, 128>}, {transform_indices = @transform_3, window_bounds = array<i64: 1000, 128>}, {transform_indices = @transform_4, window_bounds = array<i64: 1000, 1>}, {pipeline_mode = #tpu.pipeline_mode<synchronous>, transform_indices = @transform_5, window_bounds = array<i64: 1, 256>}, {pipeline_mode = #tpu.pipeline_mode<synchronous>, transform_indices = @transform_6, window_bounds = array<i64: 256, 256>}, {transform_indices = @transform_7, window_bounds = array<i64: 1000, 128>}, {transform_indices = @transform_8, window_bounds = array<i64: 1000, 128>}]} {
    %get3A = arith.constant 0 : index
    %get3A_0 = arith.constant 0 : index
    %get3A_1 = vector.load %arg5[%get3A, %get3A_0] : memref<1000x1xf32, #tpu.memory_space<vmem>>, vector<1000x1xf32>
    %get3A_2 = arith.constant 0 : index
    %get3A_3 = arith.constant 0 : index
    %get3A_4 = vector.load %arg1[%get3A_2, %get3A_3] : memref<1000x128xf32, #tpu.memory_space<vmem>>, vector<1000x128xf32>
    %get3A_5 = arith.constant 0 : index
    %get3A_6 = arith.constant 0 : index
    %get3A_7 = vector.load %arg3[%get3A_5, %get3A_6] : memref<1000x128xf32, #tpu.memory_space<vmem>>, vector<1000x128xf32>
    %add3A = arith.addf %get3A_4, %get3A_7 : vector<1000x128xf32>
    %get3A_8 = arith.constant 0 : index
    %get3A_9 = arith.constant 0 : index
    %get3A_10 = vector.load %arg2[%get3A_8, %get3A_9] : memref<1000x128xf32, #tpu.memory_space<vmem>>, vector<1000x128xf32>
    %get3A_11 = arith.constant 0 : index
    %get3A_12 = arith.constant 0 : index
    %get3A_13 = vector.load %arg4[%get3A_11, %get3A_12] : memref<1000x128xf32, #tpu.memory_space<vmem>>, vector<1000x128xf32>
    %add3A_14 = arith.addf %get3A_10, %get3A_13 : vector<1000x128xf32>
    %concatenate3A = tpu.concatenate %add3A, %add3A_14 in 1 : vector<1000x128xf32>, vector<1000x128xf32> -> vector<1000x256xf32>
    %mul3A = vector.broadcast %get3A_1 : vector<1000x1xf32> to vector<1000x256xf32>
    %mul3A_15 = arith.mulf %concatenate3A, %mul3A : vector<1000x256xf32>
    %get3A_16 = arith.constant 0 : index
    %get3A_17 = arith.constant 0 : index
    %get3A_18 = vector.load %arg6[%get3A_16, %get3A_17] : memref<1x256xf32, #tpu.memory_space<vmem>>, vector<1x256xf32>
    %add3A_19 = vector.broadcast %get3A_18 : vector<1x256xf32> to vector<1000x256xf32>
    %add3A_20 = arith.addf %mul3A_15, %add3A_19 : vector<1000x256xf32>
    %gt3A = arith.constant 0.000000e+00 : f32
    %gt3A_21 = vector.broadcast %gt3A : f32 to vector<1000x256xf32>
    %gt3A_22 = arith.cmpf ogt, %add3A_20, %gt3A_21 : vector<1000x256xf32>
    %mul3A_23 = arith.constant 1.000000e-01 : f32
    %mul3A_24 = vector.broadcast %mul3A_23 : f32 to vector<1000x256xf32>
    %mul3A_25 = arith.mulf %mul3A_24, %add3A_20 : vector<1000x256xf32>
    %select_n3A = arith.select %gt3A_22, %add3A_20, %mul3A_25 : vector<1000x256xi1>, vector<1000x256xf32>
    %get3A_26 = arith.constant 0 : index
    %get3A_27 = arith.constant 0 : index
    %get3A_28 = vector.load %arg7[%get3A_26, %get3A_27] : memref<256x256xf32, #tpu.memory_space<vmem>>, vector<256x256xf32>
    %dot_general3A = arith.constant dense<0.000000e+00> : vector<1000x256xf32>
    %dot_general3A_29 = tpu.matmul %select_n3A, %get3A_28, %dot_general3A {dimension_numbers = #tpu.dot_dimension_numbers<[1], [0], [0], [1], [0, 0, 1, 1], [], []>, transpose_lhs_hint = false} : vector<1000x256xf32>, vector<256x256xf32>, vector<1000x256xf32> -> vector<1000x256xf32>
    %mul3A_30 = vector.broadcast %get3A_1 : vector<1000x1xf32> to vector<1000x256xf32>
    %mul3A_31 = arith.mulf %dot_general3A_29, %mul3A_30 : vector<1000x256xf32>
    %slice3A = vector.extract_strided_slice %mul3A_31 {offsets = [0, 0], sizes = [1000, 128], strides = [1, 1]} : vector<1000x256xf32> to vector<1000x128xf32>
    %swap3A = arith.constant 0 : index
    %swap3A_32 = arith.constant 0 : index
    %swap3A_33 = vector.load %arg8[%swap3A, %swap3A_32] : memref<1000x128xf32, #tpu.memory_space<vmem>>, vector<1000x128xf32>
    tpu.vector_store %arg8[%swap3A, %swap3A_32], %slice3A {strides = array<i32>} : memref<1000x128xf32, #tpu.memory_space<vmem>>, vector<1000x128xf32>,
    %slice3A_34 = vector.extract_strided_slice %mul3A_31 {offsets = [0, 128], sizes = [1000, 128], strides = [1, 1]} : vector<1000x256xf32> to vector<1000x128xf32>
    %swap3A_35 = arith.constant 0 : index
    %swap3A_36 = arith.constant 0 : index
    %swap3A_37 = vector.load %arg9[%swap3A_35, %swap3A_36] : memref<1000x128xf32, #tpu.memory_space<vmem>>, vector<1000x128xf32>
    tpu.vector_store %arg9[%swap3A_35, %swap3A_36], %slice3A_34 {strides = array<i32>} : memref<1000x128xf32, #tpu.memory_space<vmem>>, vector<1000x128xf32>,
    return
  }
  func.func @transform_0(%arg0: i32) -> (i32, i32) {
    %c0_i32 = arith.constant 0 : i32
    %c0_i32_0 = arith.constant 0 : i32
    return %arg0, %c0_i32 : i32, i32
  }
  func.func @transform_1(%arg0: i32) -> (i32, i32) {
    %c0_i32 = arith.constant 0 : i32
    %c0_i32_0 = arith.constant 0 : i32
    return %arg0, %c0_i32 : i32, i32
  }
  func.func @transform_2(%arg0: i32) -> (i32, i32) {
    %c0_i32 = arith.constant 0 : i32
    %c0_i32_0 = arith.constant 0 : i32
    return %arg0, %c0_i32 : i32, i32
  }
  func.func @transform_3(%arg0: i32) -> (i32, i32) {
    %c0_i32 = arith.constant 0 : i32
    %c0_i32_0 = arith.constant 0 : i32
    return %arg0, %c0_i32 : i32, i32
  }
  func.func @transform_4(%arg0: i32) -> (i32, i32) {
    %c0_i32 = arith.constant 0 : i32
    %c0_i32_0 = arith.constant 0 : i32
    return %arg0, %c0_i32 : i32, i32
  }
  func.func @transform_5(%arg0: i32) -> (i32, i32) {
    %c0_i32 = arith.constant 0 : i32
    %c0_i32_0 = arith.constant 0 : i32
    %c0_i32_1 = arith.constant 0 : i32
    return %c0_i32, %c0_i32_0 : i32, i32
  }
  func.func @transform_6(%arg0: i32) -> (i32, i32) {
    %c0_i32 = arith.constant 0 : i32
    %c0_i32_0 = arith.constant 0 : i32
    %c0_i32_1 = arith.constant 0 : i32
    return %c0_i32, %c0_i32_0 : i32, i32
  }
  func.func @transform_7(%arg0: i32) -> (i32, i32) {
    %c0_i32 = arith.constant 0 : i32
    %c0_i32_0 = arith.constant 0 : i32
    return %arg0, %c0_i32 : i32, i32
  }
  func.func @transform_8(%arg0: i32) -> (i32, i32) {
    %c0_i32 = arith.constant 0 : i32
    %c0_i32_0 = arith.constant 0 : i32
    return %arg0, %c0_i32 : i32, i32
  }
}

module attributes {stable_mosaic.version = 14 : i64} {
  func.func @body(%arg0: i32, %arg1: memref<1000x128xf32, #tpu.memory_space<vmem>>, %arg2: memref<1000x128xf32, #tpu.memory_space<vmem>>, %arg3: memref<1000x128xf32, #tpu.memory_space<vmem>>, %arg4: memref<1000x128xf32, #tpu.memory_space<vmem>>, %arg5: memref<1000x1xf32, #tpu.memory_space<vmem>>, %arg6: memref<1x256xf32, #tpu.memory_space<vmem>>, %arg7: memref<1000x1xi32, #tpu.memory_space<vmem>>, %arg8: memref<1000x256xf32, #tpu.memory_space<vmem>>, %arg9: memref<8x256xf32, #tpu.memory_space<vmem>>, %arg10: memref<8x128xf32, #tpu.memory_space<vmem>>) attributes {dimension_semantics = [#tpu.dimension_semantics<arbitrary>], iteration_bounds = array<i64: 10>, scalar_prefetch = 0 : i64, scratch_operands = 0 : i64, tpu.core_type = #tpu.core_type<tc>, window_params = [{transform_indices = @transform_0, window_bounds = array<i64: 1000, 128>}, {transform_indices = @transform_1, window_bounds = array<i64: 1000, 128>}, {transform_indices = @transform_2, window_bounds = array<i64: 1000, 128>}, {transform_indices = @transform_3, window_bounds = array<i64: 1000, 128>}, {transform_indices = @transform_4, window_bounds = array<i64: 1000, 1>}, {pipeline_mode = #tpu.pipeline_mode<synchronous>, transform_indices = @transform_5, window_bounds = array<i64: 1, 256>}, {transform_indices = @transform_6, window_bounds = array<i64: 1000, 1>}, {transform_indices = @transform_7, window_bounds = array<i64: 1000, 256>}, {pipeline_mode = #tpu.pipeline_mode<synchronous>, transform_indices = @transform_8, window_bounds = array<i64: 8, 256>}, {pipeline_mode = #tpu.pipeline_mode<synchronous>, transform_indices = @transform_9, window_bounds = array<i64: 8, 128>}]} {
    %get3A = arith.constant 0 : index
    %get3A_0 = arith.constant 0 : index
    %get3A_1 = vector.load %arg1[%get3A, %get3A_0] : memref<1000x128xf32, #tpu.memory_space<vmem>>, vector<1000x128xf32>
    %get3A_2 = arith.constant 0 : index
    %get3A_3 = arith.constant 0 : index
    %get3A_4 = vector.load %arg3[%get3A_2, %get3A_3] : memref<1000x128xf32, #tpu.memory_space<vmem>>, vector<1000x128xf32>
    %add3A = arith.addf %get3A_1, %get3A_4 : vector<1000x128xf32>
    %get3A_5 = arith.constant 0 : index
    %get3A_6 = arith.constant 0 : index
    %get3A_7 = vector.load %arg2[%get3A_5, %get3A_6] : memref<1000x128xf32, #tpu.memory_space<vmem>>, vector<1000x128xf32>
    %get3A_8 = arith.constant 0 : index
    %get3A_9 = arith.constant 0 : index
    %get3A_10 = vector.load %arg4[%get3A_8, %get3A_9] : memref<1000x128xf32, #tpu.memory_space<vmem>>, vector<1000x128xf32>
    %add3A_11 = arith.addf %get3A_7, %get3A_10 : vector<1000x128xf32>
    %concatenate3A = tpu.concatenate %add3A, %add3A_11 in 1 : vector<1000x128xf32>, vector<1000x128xf32> -> vector<1000x256xf32>
    %get3A_12 = arith.constant 0 : index
    %get3A_13 = arith.constant 0 : index
    %get3A_14 = vector.load %arg5[%get3A_12, %get3A_13] : memref<1000x1xf32, #tpu.memory_space<vmem>>, vector<1000x1xf32>
    %mul3A = vector.broadcast %get3A_14 : vector<1000x1xf32> to vector<1000x256xf32>
    %mul3A_15 = arith.mulf %concatenate3A, %mul3A : vector<1000x256xf32>
    %get3A_16 = arith.constant 0 : index
    %get3A_17 = arith.constant 0 : index
    %get3A_18 = vector.load %arg6[%get3A_16, %get3A_17] : memref<1x256xf32, #tpu.memory_space<vmem>>, vector<1x256xf32>
    %add3A_19 = vector.broadcast %get3A_18 : vector<1x256xf32> to vector<1000x256xf32>
    %add3A_20 = arith.addf %mul3A_15, %add3A_19 : vector<1000x256xf32>
    %swap3A = arith.constant 0 : index
    %swap3A_21 = arith.constant 0 : index
    %swap3A_22 = vector.load %arg8[%swap3A, %swap3A_21] : memref<1000x256xf32, #tpu.memory_space<vmem>>, vector<1000x256xf32>
    tpu.vector_store %arg8[%swap3A, %swap3A_21], %add3A_20 {strides = array<i32>} : memref<1000x256xf32, #tpu.memory_space<vmem>>, vector<1000x256xf32>,
    %eq3A = arith.constant 0 : i32
    %eq3A_23 = arith.cmpi eq, %arg0, %eq3A : i32
    %convert_element_type3A = arith.extui %eq3A_23 : i1 to i32
    %cond3A = arith.constant 0 : i32
    %cond3A_24 = arith.cmpi ne, %convert_element_type3A, %cond3A : i32
    scf.if %cond3A_24 {
      %broadcast_in_dim3A_194 = arith.constant 0.000000e+00 : f32
      %broadcast_in_dim3A_195 = vector.broadcast %broadcast_in_dim3A_194 : f32 to vector<8x256xf32>
      %swap3A_196 = arith.constant 0 : index
      %swap3A_197 = arith.constant 0 : index
      %swap3A_198 = vector.load %arg9[%swap3A_196, %swap3A_197] : memref<8x256xf32, #tpu.memory_space<vmem>>, vector<8x256xf32>
      tpu.vector_store %arg9[%swap3A_196, %swap3A_197], %broadcast_in_dim3A_195 {strides = array<i32>} : memref<8x256xf32, #tpu.memory_space<vmem>>, vector<8x256xf32>,
      %broadcast_in_dim3A_199 = arith.constant 0.000000e+00 : f32
      %broadcast_in_dim3A_200 = vector.broadcast %broadcast_in_dim3A_199 : f32 to vector<8x128xf32>
      %swap3A_201 = arith.constant 0 : index
      %swap3A_202 = arith.constant 0 : index
      %swap3A_203 = vector.load %arg10[%swap3A_201, %swap3A_202] : memref<8x128xf32, #tpu.memory_space<vmem>>, vector<8x128xf32>
      tpu.vector_store %arg10[%swap3A_201, %swap3A_202], %broadcast_in_dim3A_200 {strides = array<i32>} : memref<8x128xf32, #tpu.memory_space<vmem>>, vector<8x128xf32>,
    } else {
    }
    %get3A_25 = arith.constant 0 : index
    %get3A_26 = arith.constant 0 : index
    %get3A_27 = vector.load %arg7[%get3A_25, %get3A_26] : memref<1000x1xi32, #tpu.memory_space<vmem>>, vector<1000x1xi32>
    %eq3A_28 = arith.constant 0 : i32
    %eq3A_29 = vector.broadcast %eq3A_28 : i32 to vector<1000x1xi32>
    %eq3A_30 = arith.cmpi eq, %get3A_27, %eq3A_29 : vector<1000x1xi32>
    %convert_element_type3A_31 = arith.extui %eq3A_30 : vector<1000x1xi1> to vector<1000x1xi32>
    %convert_element_type3A_32 = arith.sitofp %convert_element_type3A_31 : vector<1000x1xi32> to vector<1000x1xf32>
    %mul3A_33 = vector.broadcast %convert_element_type3A_32 : vector<1000x1xf32> to vector<1000x256xf32>
    %mul3A_34 = arith.mulf %add3A_20, %mul3A_33 : vector<1000x256xf32>
    %reduce_sum3A = arith.constant dense<0.000000e+00> : vector<256xf32>
    %reduce_sum3A_35 = vector.multi_reduction <add>, %mul3A_34, %reduce_sum3A [0] : vector<1000x256xf32> to vector<256xf32>
    %broadcast_in_dim3A = vector.shape_cast %reduce_sum3A_35 : vector<256xf32> to vector<1x256xf32>
    %reduce_sum3A_36 = vector.shape_cast %convert_element_type3A_32 : vector<1000x1xf32> to vector<1x1000x1xf32>
    %reduce_sum3A_37 = arith.constant dense<0.000000e+00> : vector<1xf32>
    %reduce_sum3A_38 = vector.multi_reduction <add>, %reduce_sum3A_36, %reduce_sum3A_37 [1, 2] : vector<1x1000x1xf32> to vector<1xf32>
    %reduce_sum3A_39 = vector.shape_cast %reduce_sum3A_38 : vector<1xf32> to vector<1x1x1xf32>
    %reduce_sum3A_40 = vector.extract %reduce_sum3A_39[0, 0, 0] : f32 from vector<1x1x1xf32>
    %broadcast_in_dim3A_41 = arith.constant 1.000000e+00 : f32
    %broadcast_in_dim3A_42 = vector.broadcast %broadcast_in_dim3A_41 : f32 to vector<1x128xf32>
    %mul3A_43 = vector.broadcast %reduce_sum3A_40 : f32 to vector<1x128xf32>
    %mul3A_44 = arith.mulf %mul3A_43, %broadcast_in_dim3A_42 : vector<1x128xf32>
    %eq3A_45 = arith.constant 1 : i32
    %eq3A_46 = vector.broadcast %eq3A_45 : i32 to vector<1000x1xi32>
    %eq3A_47 = arith.cmpi eq, %get3A_27, %eq3A_46 : vector<1000x1xi32>
    %convert_element_type3A_48 = arith.extui %eq3A_47 : vector<1000x1xi1> to vector<1000x1xi32>
    %convert_element_type3A_49 = arith.sitofp %convert_element_type3A_48 : vector<1000x1xi32> to vector<1000x1xf32>
    %mul3A_50 = vector.broadcast %convert_element_type3A_49 : vector<1000x1xf32> to vector<1000x256xf32>
    %mul3A_51 = arith.mulf %add3A_20, %mul3A_50 : vector<1000x256xf32>
    %reduce_sum3A_52 = arith.constant dense<0.000000e+00> : vector<256xf32>
    %reduce_sum3A_53 = vector.multi_reduction <add>, %mul3A_51, %reduce_sum3A_52 [0] : vector<1000x256xf32> to vector<256xf32>
    %broadcast_in_dim3A_54 = vector.shape_cast %reduce_sum3A_53 : vector<256xf32> to vector<1x256xf32>
    %reduce_sum3A_55 = vector.shape_cast %convert_element_type3A_49 : vector<1000x1xf32> to vector<1x1000x1xf32>
    %reduce_sum3A_56 = arith.constant dense<0.000000e+00> : vector<1xf32>
    %reduce_sum3A_57 = vector.multi_reduction <add>, %reduce_sum3A_55, %reduce_sum3A_56 [1, 2] : vector<1x1000x1xf32> to vector<1xf32>
    %reduce_sum3A_58 = vector.shape_cast %reduce_sum3A_57 : vector<1xf32> to vector<1x1x1xf32>
    %reduce_sum3A_59 = vector.extract %reduce_sum3A_58[0, 0, 0] : f32 from vector<1x1x1xf32>
    %broadcast_in_dim3A_60 = arith.constant 1.000000e+00 : f32
    %broadcast_in_dim3A_61 = vector.broadcast %broadcast_in_dim3A_60 : f32 to vector<1x128xf32>
    %mul3A_62 = vector.broadcast %reduce_sum3A_59 : f32 to vector<1x128xf32>
    %mul3A_63 = arith.mulf %mul3A_62, %broadcast_in_dim3A_61 : vector<1x128xf32>
    %eq3A_64 = arith.constant 2 : i32
    %eq3A_65 = vector.broadcast %eq3A_64 : i32 to vector<1000x1xi32>
    %eq3A_66 = arith.cmpi eq, %get3A_27, %eq3A_65 : vector<1000x1xi32>
    %convert_element_type3A_67 = arith.extui %eq3A_66 : vector<1000x1xi1> to vector<1000x1xi32>
    %convert_element_type3A_68 = arith.sitofp %convert_element_type3A_67 : vector<1000x1xi32> to vector<1000x1xf32>
    %mul3A_69 = vector.broadcast %convert_element_type3A_68 : vector<1000x1xf32> to vector<1000x256xf32>
    %mul3A_70 = arith.mulf %add3A_20, %mul3A_69 : vector<1000x256xf32>
    %reduce_sum3A_71 = arith.constant dense<0.000000e+00> : vector<256xf32>
    %reduce_sum3A_72 = vector.multi_reduction <add>, %mul3A_70, %reduce_sum3A_71 [0] : vector<1000x256xf32> to vector<256xf32>
    %broadcast_in_dim3A_73 = vector.shape_cast %reduce_sum3A_72 : vector<256xf32> to vector<1x256xf32>
    %reduce_sum3A_74 = vector.shape_cast %convert_element_type3A_68 : vector<1000x1xf32> to vector<1x1000x1xf32>
    %reduce_sum3A_75 = arith.constant dense<0.000000e+00> : vector<1xf32>
    %reduce_sum3A_76 = vector.multi_reduction <add>, %reduce_sum3A_74, %reduce_sum3A_75 [1, 2] : vector<1x1000x1xf32> to vector<1xf32>
    %reduce_sum3A_77 = vector.shape_cast %reduce_sum3A_76 : vector<1xf32> to vector<1x1x1xf32>
    %reduce_sum3A_78 = vector.extract %reduce_sum3A_77[0, 0, 0] : f32 from vector<1x1x1xf32>
    %broadcast_in_dim3A_79 = arith.constant 1.000000e+00 : f32
    %broadcast_in_dim3A_80 = vector.broadcast %broadcast_in_dim3A_79 : f32 to vector<1x128xf32>
    %mul3A_81 = vector.broadcast %reduce_sum3A_78 : f32 to vector<1x128xf32>
    %mul3A_82 = arith.mulf %mul3A_81, %broadcast_in_dim3A_80 : vector<1x128xf32>
    %eq3A_83 = arith.constant 3 : i32
    %eq3A_84 = vector.broadcast %eq3A_83 : i32 to vector<1000x1xi32>
    %eq3A_85 = arith.cmpi eq, %get3A_27, %eq3A_84 : vector<1000x1xi32>
    %convert_element_type3A_86 = arith.extui %eq3A_85 : vector<1000x1xi1> to vector<1000x1xi32>
    %convert_element_type3A_87 = arith.sitofp %convert_element_type3A_86 : vector<1000x1xi32> to vector<1000x1xf32>
    %mul3A_88 = vector.broadcast %convert_element_type3A_87 : vector<1000x1xf32> to vector<1000x256xf32>
    %mul3A_89 = arith.mulf %add3A_20, %mul3A_88 : vector<1000x256xf32>
    %reduce_sum3A_90 = arith.constant dense<0.000000e+00> : vector<256xf32>
    %reduce_sum3A_91 = vector.multi_reduction <add>, %mul3A_89, %reduce_sum3A_90 [0] : vector<1000x256xf32> to vector<256xf32>
    %broadcast_in_dim3A_92 = vector.shape_cast %reduce_sum3A_91 : vector<256xf32> to vector<1x256xf32>
    %reduce_sum3A_93 = vector.shape_cast %convert_element_type3A_87 : vector<1000x1xf32> to vector<1x1000x1xf32>
    %reduce_sum3A_94 = arith.constant dense<0.000000e+00> : vector<1xf32>
    %reduce_sum3A_95 = vector.multi_reduction <add>, %reduce_sum3A_93, %reduce_sum3A_94 [1, 2] : vector<1x1000x1xf32> to vector<1xf32>
    %reduce_sum3A_96 = vector.shape_cast %reduce_sum3A_95 : vector<1xf32> to vector<1x1x1xf32>
    %reduce_sum3A_97 = vector.extract %reduce_sum3A_96[0, 0, 0] : f32 from vector<1x1x1xf32>
    %broadcast_in_dim3A_98 = arith.constant 1.000000e+00 : f32
    %broadcast_in_dim3A_99 = vector.broadcast %broadcast_in_dim3A_98 : f32 to vector<1x128xf32>
    %mul3A_100 = vector.broadcast %reduce_sum3A_97 : f32 to vector<1x128xf32>
    %mul3A_101 = arith.mulf %mul3A_100, %broadcast_in_dim3A_99 : vector<1x128xf32>
    %eq3A_102 = arith.constant 4 : i32
    %eq3A_103 = vector.broadcast %eq3A_102 : i32 to vector<1000x1xi32>
    %eq3A_104 = arith.cmpi eq, %get3A_27, %eq3A_103 : vector<1000x1xi32>
    %convert_element_type3A_105 = arith.extui %eq3A_104 : vector<1000x1xi1> to vector<1000x1xi32>
    %convert_element_type3A_106 = arith.sitofp %convert_element_type3A_105 : vector<1000x1xi32> to vector<1000x1xf32>
    %mul3A_107 = vector.broadcast %convert_element_type3A_106 : vector<1000x1xf32> to vector<1000x256xf32>
    %mul3A_108 = arith.mulf %add3A_20, %mul3A_107 : vector<1000x256xf32>
    %reduce_sum3A_109 = arith.constant dense<0.000000e+00> : vector<256xf32>
    %reduce_sum3A_110 = vector.multi_reduction <add>, %mul3A_108, %reduce_sum3A_109 [0] : vector<1000x256xf32> to vector<256xf32>
    %broadcast_in_dim3A_111 = vector.shape_cast %reduce_sum3A_110 : vector<256xf32> to vector<1x256xf32>
    %reduce_sum3A_112 = vector.shape_cast %convert_element_type3A_106 : vector<1000x1xf32> to vector<1x1000x1xf32>
    %reduce_sum3A_113 = arith.constant dense<0.000000e+00> : vector<1xf32>
    %reduce_sum3A_114 = vector.multi_reduction <add>, %reduce_sum3A_112, %reduce_sum3A_113 [1, 2] : vector<1x1000x1xf32> to vector<1xf32>
    %reduce_sum3A_115 = vector.shape_cast %reduce_sum3A_114 : vector<1xf32> to vector<1x1x1xf32>
    %reduce_sum3A_116 = vector.extract %reduce_sum3A_115[0, 0, 0] : f32 from vector<1x1x1xf32>
    %broadcast_in_dim3A_117 = arith.constant 1.000000e+00 : f32
    %broadcast_in_dim3A_118 = vector.broadcast %broadcast_in_dim3A_117 : f32 to vector<1x128xf32>
    %mul3A_119 = vector.broadcast %reduce_sum3A_116 : f32 to vector<1x128xf32>
    %mul3A_120 = arith.mulf %mul3A_119, %broadcast_in_dim3A_118 : vector<1x128xf32>
    %eq3A_121 = arith.constant 5 : i32
    %eq3A_122 = vector.broadcast %eq3A_121 : i32 to vector<1000x1xi32>
    %eq3A_123 = arith.cmpi eq, %get3A_27, %eq3A_122 : vector<1000x1xi32>
    %convert_element_type3A_124 = arith.extui %eq3A_123 : vector<1000x1xi1> to vector<1000x1xi32>
    %convert_element_type3A_125 = arith.sitofp %convert_element_type3A_124 : vector<1000x1xi32> to vector<1000x1xf32>
    %mul3A_126 = vector.broadcast %convert_element_type3A_125 : vector<1000x1xf32> to vector<1000x256xf32>
    %mul3A_127 = arith.mulf %add3A_20, %mul3A_126 : vector<1000x256xf32>
    %reduce_sum3A_128 = arith.constant dense<0.000000e+00> : vector<256xf32>
    %reduce_sum3A_129 = vector.multi_reduction <add>, %mul3A_127, %reduce_sum3A_128 [0] : vector<1000x256xf32> to vector<256xf32>
    %broadcast_in_dim3A_130 = vector.shape_cast %reduce_sum3A_129 : vector<256xf32> to vector<1x256xf32>
    %reduce_sum3A_131 = vector.shape_cast %convert_element_type3A_125 : vector<1000x1xf32> to vector<1x1000x1xf32>
    %reduce_sum3A_132 = arith.constant dense<0.000000e+00> : vector<1xf32>
    %reduce_sum3A_133 = vector.multi_reduction <add>, %reduce_sum3A_131, %reduce_sum3A_132 [1, 2] : vector<1x1000x1xf32> to vector<1xf32>
    %reduce_sum3A_134 = vector.shape_cast %reduce_sum3A_133 : vector<1xf32> to vector<1x1x1xf32>
    %reduce_sum3A_135 = vector.extract %reduce_sum3A_134[0, 0, 0] : f32 from vector<1x1x1xf32>
    %broadcast_in_dim3A_136 = arith.constant 1.000000e+00 : f32
    %broadcast_in_dim3A_137 = vector.broadcast %broadcast_in_dim3A_136 : f32 to vector<1x128xf32>
    %mul3A_138 = vector.broadcast %reduce_sum3A_135 : f32 to vector<1x128xf32>
    %mul3A_139 = arith.mulf %mul3A_138, %broadcast_in_dim3A_137 : vector<1x128xf32>
    %eq3A_140 = arith.constant 6 : i32
    %eq3A_141 = vector.broadcast %eq3A_140 : i32 to vector<1000x1xi32>
    %eq3A_142 = arith.cmpi eq, %get3A_27, %eq3A_141 : vector<1000x1xi32>
    %convert_element_type3A_143 = arith.extui %eq3A_142 : vector<1000x1xi1> to vector<1000x1xi32>
    %convert_element_type3A_144 = arith.sitofp %convert_element_type3A_143 : vector<1000x1xi32> to vector<1000x1xf32>
    %mul3A_145 = vector.broadcast %convert_element_type3A_144 : vector<1000x1xf32> to vector<1000x256xf32>
    %mul3A_146 = arith.mulf %add3A_20, %mul3A_145 : vector<1000x256xf32>
    %reduce_sum3A_147 = arith.constant dense<0.000000e+00> : vector<256xf32>
    %reduce_sum3A_148 = vector.multi_reduction <add>, %mul3A_146, %reduce_sum3A_147 [0] : vector<1000x256xf32> to vector<256xf32>
    %broadcast_in_dim3A_149 = vector.shape_cast %reduce_sum3A_148 : vector<256xf32> to vector<1x256xf32>
    %reduce_sum3A_150 = vector.shape_cast %convert_element_type3A_144 : vector<1000x1xf32> to vector<1x1000x1xf32>
    %reduce_sum3A_151 = arith.constant dense<0.000000e+00> : vector<1xf32>
    %reduce_sum3A_152 = vector.multi_reduction <add>, %reduce_sum3A_150, %reduce_sum3A_151 [1, 2] : vector<1x1000x1xf32> to vector<1xf32>
    %reduce_sum3A_153 = vector.shape_cast %reduce_sum3A_152 : vector<1xf32> to vector<1x1x1xf32>
    %reduce_sum3A_154 = vector.extract %reduce_sum3A_153[0, 0, 0] : f32 from vector<1x1x1xf32>
    %broadcast_in_dim3A_155 = arith.constant 1.000000e+00 : f32
    %broadcast_in_dim3A_156 = vector.broadcast %broadcast_in_dim3A_155 : f32 to vector<1x128xf32>
    %mul3A_157 = vector.broadcast %reduce_sum3A_154 : f32 to vector<1x128xf32>
    %mul3A_158 = arith.mulf %mul3A_157, %broadcast_in_dim3A_156 : vector<1x128xf32>
    %eq3A_159 = arith.constant 7 : i32
    %eq3A_160 = vector.broadcast %eq3A_159 : i32 to vector<1000x1xi32>
    %eq3A_161 = arith.cmpi eq, %get3A_27, %eq3A_160 : vector<1000x1xi32>
    %convert_element_type3A_162 = arith.extui %eq3A_161 : vector<1000x1xi1> to vector<1000x1xi32>
    %convert_element_type3A_163 = arith.sitofp %convert_element_type3A_162 : vector<1000x1xi32> to vector<1000x1xf32>
    %mul3A_164 = vector.broadcast %convert_element_type3A_163 : vector<1000x1xf32> to vector<1000x256xf32>
    %mul3A_165 = arith.mulf %add3A_20, %mul3A_164 : vector<1000x256xf32>
    %reduce_sum3A_166 = arith.constant dense<0.000000e+00> : vector<256xf32>
    %reduce_sum3A_167 = vector.multi_reduction <add>, %mul3A_165, %reduce_sum3A_166 [0] : vector<1000x256xf32> to vector<256xf32>
    %broadcast_in_dim3A_168 = vector.shape_cast %reduce_sum3A_167 : vector<256xf32> to vector<1x256xf32>
    %reduce_sum3A_169 = vector.shape_cast %convert_element_type3A_163 : vector<1000x1xf32> to vector<1x1000x1xf32>
    %reduce_sum3A_170 = arith.constant dense<0.000000e+00> : vector<1xf32>
    %reduce_sum3A_171 = vector.multi_reduction <add>, %reduce_sum3A_169, %reduce_sum3A_170 [1, 2] : vector<1x1000x1xf32> to vector<1xf32>
    %reduce_sum3A_172 = vector.shape_cast %reduce_sum3A_171 : vector<1xf32> to vector<1x1x1xf32>
    %reduce_sum3A_173 = vector.extract %reduce_sum3A_172[0, 0, 0] : f32 from vector<1x1x1xf32>
    %broadcast_in_dim3A_174 = arith.constant 1.000000e+00 : f32
    %broadcast_in_dim3A_175 = vector.broadcast %broadcast_in_dim3A_174 : f32 to vector<1x128xf32>
    %mul3A_176 = vector.broadcast %reduce_sum3A_173 : f32 to vector<1x128xf32>
    %mul3A_177 = arith.mulf %mul3A_176, %broadcast_in_dim3A_175 : vector<1x128xf32>
    %get3A_178 = arith.constant 0 : index
    %get3A_179 = arith.constant 0 : index
    %get3A_180 = vector.load %arg9[%get3A_178, %get3A_179] : memref<8x256xf32, #tpu.memory_space<vmem>>, vector<8x256xf32>
    %concatenate3A_181 = tpu.concatenate %broadcast_in_dim3A, %broadcast_in_dim3A_54, %broadcast_in_dim3A_73, %broadcast_in_dim3A_92, %broadcast_in_dim3A_111, %broadcast_in_dim3A_130, %broadcast_in_dim3A_149, %broadcast_in_dim3A_168 in 0 : vector<1x256xf32>, vector<1x256xf32>, vector<1x256xf32>, vector<1x256xf32>, vector<1x256xf32>, vector<1x256xf32>, vector<1x256xf32>, vector<1x256xf32> -> vector<8x256xf32>
    %add3A_182 = arith.addf %get3A_180, %concatenate3A_181 : vector<8x256xf32>
    %swap3A_183 = arith.constant 0 : index
    %swap3A_184 = arith.constant 0 : index
    %swap3A_185 = vector.load %arg9[%swap3A_183, %swap3A_184] : memref<8x256xf32, #tpu.memory_space<vmem>>, vector<8x256xf32>
    tpu.vector_store %arg9[%swap3A_183, %swap3A_184], %add3A_182 {strides = array<i32>} : memref<8x256xf32, #tpu.memory_space<vmem>>, vector<8x256xf32>,
    %get3A_186 = arith.constant 0 : index
    %get3A_187 = arith.constant 0 : index
    %get3A_188 = vector.load %arg10[%get3A_186, %get3A_187] : memref<8x128xf32, #tpu.memory_space<vmem>>, vector<8x128xf32>
    %concatenate3A_189 = tpu.concatenate %mul3A_44, %mul3A_63, %mul3A_82, %mul3A_101, %mul3A_120, %mul3A_139, %mul3A_158, %mul3A_177 in 0 : vector<1x128xf32>, vector<1x128xf32>, vector<1x128xf32>, vector<1x128xf32>, vector<1x128xf32>, vector<1x128xf32>, vector<1x128xf32>, vector<1x128xf32> -> vector<8x128xf32>
    %add3A_190 = arith.addf %get3A_188, %concatenate3A_189 : vector<8x128xf32>
    %swap3A_191 = arith.constant 0 : index
    %swap3A_192 = arith.constant 0 : index
    %swap3A_193 = vector.load %arg10[%swap3A_191, %swap3A_192] : memref<8x128xf32, #tpu.memory_space<vmem>>, vector<8x128xf32>
    tpu.vector_store %arg10[%swap3A_191, %swap3A_192], %add3A_190 {strides = array<i32>} : memref<8x128xf32, #tpu.memory_space<vmem>>, vector<8x128xf32>,
    return
  }
  func.func @transform_0(%arg0: i32) -> (i32, i32) {
    %c0_i32 = arith.constant 0 : i32
    %c0_i32_0 = arith.constant 0 : i32
    return %arg0, %c0_i32 : i32, i32
  }
  func.func @transform_1(%arg0: i32) -> (i32, i32) {
    %c0_i32 = arith.constant 0 : i32
    %c0_i32_0 = arith.constant 0 : i32
    return %arg0, %c0_i32 : i32, i32
  }
  func.func @transform_2(%arg0: i32) -> (i32, i32) {
    %c0_i32 = arith.constant 0 : i32
    %c0_i32_0 = arith.constant 0 : i32
    return %arg0, %c0_i32 : i32, i32
  }
  func.func @transform_3(%arg0: i32) -> (i32, i32) {
    %c0_i32 = arith.constant 0 : i32
    %c0_i32_0 = arith.constant 0 : i32
    return %arg0, %c0_i32 : i32, i32
  }
  func.func @transform_4(%arg0: i32) -> (i32, i32) {
    %c0_i32 = arith.constant 0 : i32
    %c0_i32_0 = arith.constant 0 : i32
    return %arg0, %c0_i32 : i32, i32
  }
  func.func @transform_5(%arg0: i32) -> (i32, i32) {
    %c0_i32 = arith.constant 0 : i32
    %c0_i32_0 = arith.constant 0 : i32
    %c0_i32_1 = arith.constant 0 : i32
    return %c0_i32, %c0_i32_0 : i32, i32
  }
  func.func @transform_6(%arg0: i32) -> (i32, i32) {
    %c0_i32 = arith.constant 0 : i32
    %c0_i32_0 = arith.constant 0 : i32
    return %arg0, %c0_i32 : i32, i32
  }
  func.func @transform_7(%arg0: i32) -> (i32, i32) {
    %c0_i32 = arith.constant 0 : i32
    %c0_i32_0 = arith.constant 0 : i32
    return %arg0, %c0_i32 : i32, i32
  }
  func.func @transform_8(%arg0: i32) -> (i32, i32) {
    %c0_i32 = arith.constant 0 : i32
    %c0_i32_0 = arith.constant 0 : i32
    %c0_i32_1 = arith.constant 0 : i32
    return %c0_i32, %c0_i32_0 : i32, i32
  }
  func.func @transform_9(%arg0: i32) -> (i32, i32) {
    %c0_i32 = arith.constant 0 : i32
    %c0_i32_0 = arith.constant 0 : i32
    %c0_i32_1 = arith.constant 0 : i32
    return %c0_i32, %c0_i32_0 : i32, i32
  }
}

module attributes {stable_mosaic.version = 14 : i64} {
  func.func @body(%arg0: i32, %arg1: memref<8x256xf32, #tpu.memory_space<vmem>>, %arg2: memref<8x128xf32, #tpu.memory_space<vmem>>, %arg3: memref<256x256xf32, #tpu.memory_space<vmem>>, %arg4: memref<1x256xf32, #tpu.memory_space<vmem>>, %arg5: memref<1x256xf32, #tpu.memory_space<vmem>>, %arg6: memref<1x256xf32, #tpu.memory_space<vmem>>, %arg7: memref<256x512xf32, #tpu.memory_space<vmem>>, %arg8: memref<1x512xf32, #tpu.memory_space<vmem>>, %arg9: memref<8x512xf32, #tpu.memory_space<vmem>>) attributes {dimension_semantics = [#tpu.dimension_semantics<arbitrary>], iteration_bounds = array<i64: 1>, scalar_prefetch = 0 : i64, scratch_operands = 0 : i64, tpu.core_type = #tpu.core_type<tc>, window_params = [{pipeline_mode = #tpu.pipeline_mode<synchronous>, transform_indices = @transform_0, window_bounds = array<i64: 8, 256>}, {pipeline_mode = #tpu.pipeline_mode<synchronous>, transform_indices = @transform_1, window_bounds = array<i64: 8, 128>}, {pipeline_mode = #tpu.pipeline_mode<synchronous>, transform_indices = @transform_2, window_bounds = array<i64: 256, 256>}, {pipeline_mode = #tpu.pipeline_mode<synchronous>, transform_indices = @transform_3, window_bounds = array<i64: 1, 256>}, {pipeline_mode = #tpu.pipeline_mode<synchronous>, transform_indices = @transform_4, window_bounds = array<i64: 1, 256>}, {pipeline_mode = #tpu.pipeline_mode<synchronous>, transform_indices = @transform_5, window_bounds = array<i64: 1, 256>}, {pipeline_mode = #tpu.pipeline_mode<synchronous>, transform_indices = @transform_6, window_bounds = array<i64: 256, 512>}, {pipeline_mode = #tpu.pipeline_mode<synchronous>, transform_indices = @transform_7, window_bounds = array<i64: 1, 512>}, {pipeline_mode = #tpu.pipeline_mode<synchronous>, transform_indices = @transform_8, window_bounds = array<i64: 8, 512>}]} {
    %get3A = arith.constant 0 : index
    %get3A_0 = arith.constant 0 : index
    %get3A_1 = vector.load %arg1[%get3A, %get3A_0] : memref<8x256xf32, #tpu.memory_space<vmem>>, vector<8x256xf32>
    %get3A_2 = arith.constant 0 : index
    %get3A_3 = arith.constant 0 : index
    %get3A_4 = vector.load %arg2[%get3A_2, %get3A_3] : memref<8x128xf32, #tpu.memory_space<vmem>>, vector<8x1xf32>
    %max3A = arith.constant 1.000000e+00 : f32
    %max3A_5 = vector.broadcast %max3A : f32 to vector<8x1xf32>
    %max3A_6 = arith.maximumf %get3A_4, %max3A_5 : vector<8x1xf32>
    %div3A = vector.broadcast %max3A_6 : vector<8x1xf32> to vector<8x256xf32>
    %div3A_7 = arith.divf %get3A_1, %div3A : vector<8x256xf32>
    %get3A_8 = arith.constant 0 : index
    %get3A_9 = arith.constant 0 : index
    %get3A_10 = vector.load %arg3[%get3A_8, %get3A_9] : memref<256x256xf32, #tpu.memory_space<vmem>>, vector<256x256xf32>
    %dot_general3A = arith.constant dense<0.000000e+00> : vector<8x256xf32>
    %dot_general3A_11 = tpu.matmul %div3A_7, %get3A_10, %dot_general3A {dimension_numbers = #tpu.dot_dimension_numbers<[1], [0], [0], [1], [0, 0, 1, 1], [], []>, transpose_lhs_hint = false} : vector<8x256xf32>, vector<256x256xf32>, vector<8x256xf32> -> vector<8x256xf32>
    %get3A_12 = arith.constant 0 : index
    %get3A_13 = arith.constant 0 : index
    %get3A_14 = vector.load %arg4[%get3A_12, %get3A_13] : memref<1x256xf32, #tpu.memory_space<vmem>>, vector<1x256xf32>
    %add3A = vector.broadcast %get3A_14 : vector<1x256xf32> to vector<8x256xf32>
    %add3A_15 = arith.addf %dot_general3A_11, %add3A : vector<8x256xf32>
    %max3A_16 = arith.constant 0.000000e+00 : f32
    %max3A_17 = vector.broadcast %max3A_16 : f32 to vector<8x256xf32>
    %max3A_18 = arith.maximumf %add3A_15, %max3A_17 : vector<8x256xf32>
    %get3A_19 = arith.constant 0 : index
    %get3A_20 = arith.constant 0 : index
    %get3A_21 = vector.load %arg5[%get3A_19, %get3A_20] : memref<1x256xf32, #tpu.memory_space<vmem>>, vector<1x256xf32>
    %get3A_22 = arith.constant 0 : index
    %get3A_23 = arith.constant 0 : index
    %get3A_24 = vector.load %arg6[%get3A_22, %get3A_23] : memref<1x256xf32, #tpu.memory_space<vmem>>, vector<1x256xf32>
    %reduce_sum3A = arith.constant dense<0.000000e+00> : vector<8xf32>
    %reduce_sum3A_25 = vector.multi_reduction <add>, %max3A_18, %reduce_sum3A [1] : vector<8x256xf32> to vector<8xf32>
    %broadcast_in_dim3A = vector.shape_cast %reduce_sum3A_25 : vector<8xf32> to vector<8x1xf32>
    %div3A_26 = arith.constant 2.560000e+02 : f32
    %div3A_27 = vector.broadcast %div3A_26 : f32 to vector<8x1xf32>
    %div3A_28 = arith.divf %broadcast_in_dim3A, %div3A_27 : vector<8x1xf32>
    %sub3A = vector.broadcast %div3A_28 : vector<8x1xf32> to vector<8x256xf32>
    %sub3A_29 = arith.subf %max3A_18, %sub3A : vector<8x256xf32>
    %sub3A_30 = vector.broadcast %div3A_28 : vector<8x1xf32> to vector<8x256xf32>
    %sub3A_31 = arith.subf %max3A_18, %sub3A_30 : vector<8x256xf32>
    %mul3A = arith.mulf %sub3A_29, %sub3A_31 : vector<8x256xf32>
    %reduce_sum3A_32 = arith.constant dense<0.000000e+00> : vector<8xf32>
    %reduce_sum3A_33 = vector.multi_reduction <add>, %mul3A, %reduce_sum3A_32 [1] : vector<8x256xf32> to vector<8xf32>
    %broadcast_in_dim3A_34 = vector.shape_cast %reduce_sum3A_33 : vector<8xf32> to vector<8x1xf32>
    %div3A_35 = arith.constant 2.560000e+02 : f32
    %div3A_36 = vector.broadcast %div3A_35 : f32 to vector<8x1xf32>
    %div3A_37 = arith.divf %broadcast_in_dim3A_34, %div3A_36 : vector<8x1xf32>
    %sub3A_38 = vector.broadcast %div3A_28 : vector<8x1xf32> to vector<8x256xf32>
    %sub3A_39 = arith.subf %max3A_18, %sub3A_38 : vector<8x256xf32>
    %add3A_40 = arith.constant 9.99999974E-6 : f32
    %add3A_41 = vector.broadcast %add3A_40 : f32 to vector<8x1xf32>
    %add3A_42 = arith.addf %div3A_37, %add3A_41 : vector<8x1xf32>
    %rsqrt3A = math.rsqrt %add3A_42 : vector<8x1xf32>
    %mul3A_43 = vector.broadcast %rsqrt3A : vector<8x1xf32> to vector<8x256xf32>
    %mul3A_44 = arith.mulf %sub3A_39, %mul3A_43 : vector<8x256xf32>
    %mul3A_45 = vector.broadcast %get3A_21 : vector<1x256xf32> to vector<8x256xf32>
    %mul3A_46 = arith.mulf %mul3A_44, %mul3A_45 : vector<8x256xf32>
    %add3A_47 = vector.broadcast %get3A_24 : vector<1x256xf32> to vector<8x256xf32>
    %add3A_48 = arith.addf %mul3A_46, %add3A_47 : vector<8x256xf32>
    %get3A_49 = arith.constant 0 : index
    %get3A_50 = arith.constant 0 : index
    %get3A_51 = vector.load %arg7[%get3A_49, %get3A_50] : memref<256x512xf32, #tpu.memory_space<vmem>>, vector<256x512xf32>
    %dot_general3A_52 = arith.constant dense<0.000000e+00> : vector<8x512xf32>
    %dot_general3A_53 = tpu.matmul %add3A_48, %get3A_51, %dot_general3A_52 {dimension_numbers = #tpu.dot_dimension_numbers<[1], [0], [0], [1], [0, 0, 1, 1], [], []>, transpose_lhs_hint = false} : vector<8x256xf32>, vector<256x512xf32>, vector<8x512xf32> -> vector<8x512xf32>
    %get3A_54 = arith.constant 0 : index
    %get3A_55 = arith.constant 0 : index
    %get3A_56 = vector.load %arg8[%get3A_54, %get3A_55] : memref<1x512xf32, #tpu.memory_space<vmem>>, vector<1x512xf32>
    %add3A_57 = vector.broadcast %get3A_56 : vector<1x512xf32> to vector<8x512xf32>
    %add3A_58 = arith.addf %dot_general3A_53, %add3A_57 : vector<8x512xf32>
    %swap3A = arith.constant 0 : index
    %swap3A_59 = arith.constant 0 : index
    %swap3A_60 = vector.load %arg9[%swap3A, %swap3A_59] : memref<8x512xf32, #tpu.memory_space<vmem>>, vector<8x512xf32>
    tpu.vector_store %arg9[%swap3A, %swap3A_59], %add3A_58 {strides = array<i32>} : memref<8x512xf32, #tpu.memory_space<vmem>>, vector<8x512xf32>,
    return
  }
  func.func @transform_0(%arg0: i32) -> (i32, i32) {
    %c0_i32 = arith.constant 0 : i32
    %c0_i32_0 = arith.constant 0 : i32
    %c0_i32_1 = arith.constant 0 : i32
    return %c0_i32, %c0_i32_0 : i32, i32
  }
  func.func @transform_1(%arg0: i32) -> (i32, i32) {
    %c0_i32 = arith.constant 0 : i32
    %c0_i32_0 = arith.constant 0 : i32
    %c0_i32_1 = arith.constant 0 : i32
    return %c0_i32, %c0_i32_0 : i32, i32
  }
  func.func @transform_2(%arg0: i32) -> (i32, i32) {
    %c0_i32 = arith.constant 0 : i32
    %c0_i32_0 = arith.constant 0 : i32
    %c0_i32_1 = arith.constant 0 : i32
    return %c0_i32, %c0_i32_0 : i32, i32
  }
  func.func @transform_3(%arg0: i32) -> (i32, i32) {
    %c0_i32 = arith.constant 0 : i32
    %c0_i32_0 = arith.constant 0 : i32
    %c0_i32_1 = arith.constant 0 : i32
    return %c0_i32, %c0_i32_0 : i32, i32
  }
  func.func @transform_4(%arg0: i32) -> (i32, i32) {
    %c0_i32 = arith.constant 0 : i32
    %c0_i32_0 = arith.constant 0 : i32
    %c0_i32_1 = arith.constant 0 : i32
    return %c0_i32, %c0_i32_0 : i32, i32
  }
  func.func @transform_5(%arg0: i32) -> (i32, i32) {
    %c0_i32 = arith.constant 0 : i32
    %c0_i32_0 = arith.constant 0 : i32
    %c0_i32_1 = arith.constant 0 : i32
    return %c0_i32, %c0_i32_0 : i32, i32
  }
  func.func @transform_6(%arg0: i32) -> (i32, i32) {
    %c0_i32 = arith.constant 0 : i32
    %c0_i32_0 = arith.constant 0 : i32
    %c0_i32_1 = arith.constant 0 : i32
    return %c0_i32, %c0_i32_0 : i32, i32
  }
  func.func @transform_7(%arg0: i32) -> (i32, i32) {
    %c0_i32 = arith.constant 0 : i32
    %c0_i32_0 = arith.constant 0 : i32
    %c0_i32_1 = arith.constant 0 : i32
    return %c0_i32, %c0_i32_0 : i32, i32
  }
  func.func @transform_8(%arg0: i32) -> (i32, i32) {
    %c0_i32 = arith.constant 0 : i32
    %c0_i32_0 = arith.constant 0 : i32
    %c0_i32_1 = arith.constant 0 : i32
    return %c0_i32, %c0_i32_0 : i32, i32
  }
}

module attributes {stable_mosaic.version = 14 : i64} {
  func.func @body(%arg0: i32, %arg1: memref<1000x256xf32, #tpu.memory_space<vmem>>, %arg2: memref<1000x1xi32, #tpu.memory_space<vmem>>, %arg3: memref<8x512xf32, #tpu.memory_space<vmem>>, %arg4: memref<256x1024xf32, #tpu.memory_space<vmem>>, %arg5: memref<1000x512xbf16, #tpu.memory_space<vmem>>, %arg6: memref<1000x512xbf16, #tpu.memory_space<vmem>>) attributes {dimension_semantics = [#tpu.dimension_semantics<arbitrary>], iteration_bounds = array<i64: 10>, scalar_prefetch = 0 : i64, scratch_operands = 0 : i64, tpu.core_type = #tpu.core_type<tc>, window_params = [{transform_indices = @transform_0, window_bounds = array<i64: 1000, 256>}, {transform_indices = @transform_1, window_bounds = array<i64: 1000, 1>}, {pipeline_mode = #tpu.pipeline_mode<synchronous>, transform_indices = @transform_2, window_bounds = array<i64: 8, 512>}, {pipeline_mode = #tpu.pipeline_mode<synchronous>, transform_indices = @transform_3, window_bounds = array<i64: 256, 1024>}, {transform_indices = @transform_4, window_bounds = array<i64: 1000, 512>}, {transform_indices = @transform_5, window_bounds = array<i64: 1000, 512>}]} {
    %get3A = arith.constant 0 : index
    %get3A_0 = arith.constant 0 : index
    %get3A_1 = vector.load %arg1[%get3A, %get3A_0] : memref<1000x256xf32, #tpu.memory_space<vmem>>, vector<1000x256xf32>
    %get3A_2 = arith.constant 0 : index
    %get3A_3 = arith.constant 0 : index
    %get3A_4 = vector.load %arg4[%get3A_2, %get3A_3] : memref<256x1024xf32, #tpu.memory_space<vmem>>, vector<256x1024xf32>
    %dot_general3A = arith.constant dense<0.000000e+00> : vector<1000x1024xf32>
    %dot_general3A_5 = tpu.matmul %get3A_1, %get3A_4, %dot_general3A {dimension_numbers = #tpu.dot_dimension_numbers<[1], [0], [0], [1], [0, 0, 1, 1], [], []>, transpose_lhs_hint = false} : vector<1000x256xf32>, vector<256x1024xf32>, vector<1000x1024xf32> -> vector<1000x1024xf32>
    %slice3A = vector.extract_strided_slice %dot_general3A_5 {offsets = [0, 0], sizes = [1000, 512], strides = [1, 1]} : vector<1000x1024xf32> to vector<1000x512xf32>
    %get3A_6 = arith.constant 0 : index
    %get3A_7 = arith.constant 0 : index
    %get3A_8 = vector.load %arg2[%get3A_6, %get3A_7] : memref<1000x1xi32, #tpu.memory_space<vmem>>, vector<1000x1xi32>
    %eq3A = arith.constant 0 : i32
    %eq3A_9 = vector.broadcast %eq3A : i32 to vector<1000x1xi32>
    %eq3A_10 = arith.cmpi eq, %get3A_8, %eq3A_9 : vector<1000x1xi32>
    %convert_element_type3A = arith.extui %eq3A_10 : vector<1000x1xi1> to vector<1000x1xi32>
    %convert_element_type3A_11 = arith.sitofp %convert_element_type3A : vector<1000x1xi32> to vector<1000x1xf32>
    %get3A_12 = arith.constant 0 : index
    %get3A_13 = arith.constant 0 : index
    %get3A_14 = vector.load %arg3[%get3A_12, %get3A_13] : memref<8x512xf32, #tpu.memory_space<vmem>>, vector<1x512xf32>
    %mul3A = vector.broadcast %convert_element_type3A_11 : vector<1000x1xf32> to vector<1000x512xf32>
    %mul3A_15 = vector.broadcast %get3A_14 : vector<1x512xf32> to vector<1000x512xf32>
    %mul3A_16 = arith.mulf %mul3A, %mul3A_15 : vector<1000x512xf32>
    %add3A = arith.addf %slice3A, %mul3A_16 : vector<1000x512xf32>
    %eq3A_17 = arith.constant 1 : i32
    %eq3A_18 = vector.broadcast %eq3A_17 : i32 to vector<1000x1xi32>
    %eq3A_19 = arith.cmpi eq, %get3A_8, %eq3A_18 : vector<1000x1xi32>
    %convert_element_type3A_20 = arith.extui %eq3A_19 : vector<1000x1xi1> to vector<1000x1xi32>
    %convert_element_type3A_21 = arith.sitofp %convert_element_type3A_20 : vector<1000x1xi32> to vector<1000x1xf32>
    %get3A_22 = arith.constant 1 : index
    %get3A_23 = arith.constant 0 : index
    %get3A_24 = vector.load %arg3[%get3A_22, %get3A_23] : memref<8x512xf32, #tpu.memory_space<vmem>>, vector<1x512xf32>
    %mul3A_25 = vector.broadcast %convert_element_type3A_21 : vector<1000x1xf32> to vector<1000x512xf32>
    %mul3A_26 = vector.broadcast %get3A_24 : vector<1x512xf32> to vector<1000x512xf32>
    %mul3A_27 = arith.mulf %mul3A_25, %mul3A_26 : vector<1000x512xf32>
    %add3A_28 = arith.addf %add3A, %mul3A_27 : vector<1000x512xf32>
    %eq3A_29 = arith.constant 2 : i32
    %eq3A_30 = vector.broadcast %eq3A_29 : i32 to vector<1000x1xi32>
    %eq3A_31 = arith.cmpi eq, %get3A_8, %eq3A_30 : vector<1000x1xi32>
    %convert_element_type3A_32 = arith.extui %eq3A_31 : vector<1000x1xi1> to vector<1000x1xi32>
    %convert_element_type3A_33 = arith.sitofp %convert_element_type3A_32 : vector<1000x1xi32> to vector<1000x1xf32>
    %get3A_34 = arith.constant 2 : index
    %get3A_35 = arith.constant 0 : index
    %get3A_36 = vector.load %arg3[%get3A_34, %get3A_35] : memref<8x512xf32, #tpu.memory_space<vmem>>, vector<1x512xf32>
    %mul3A_37 = vector.broadcast %convert_element_type3A_33 : vector<1000x1xf32> to vector<1000x512xf32>
    %mul3A_38 = vector.broadcast %get3A_36 : vector<1x512xf32> to vector<1000x512xf32>
    %mul3A_39 = arith.mulf %mul3A_37, %mul3A_38 : vector<1000x512xf32>
    %add3A_40 = arith.addf %add3A_28, %mul3A_39 : vector<1000x512xf32>
    %eq3A_41 = arith.constant 3 : i32
    %eq3A_42 = vector.broadcast %eq3A_41 : i32 to vector<1000x1xi32>
    %eq3A_43 = arith.cmpi eq, %get3A_8, %eq3A_42 : vector<1000x1xi32>
    %convert_element_type3A_44 = arith.extui %eq3A_43 : vector<1000x1xi1> to vector<1000x1xi32>
    %convert_element_type3A_45 = arith.sitofp %convert_element_type3A_44 : vector<1000x1xi32> to vector<1000x1xf32>
    %get3A_46 = arith.constant 3 : index
    %get3A_47 = arith.constant 0 : index
    %get3A_48 = vector.load %arg3[%get3A_46, %get3A_47] : memref<8x512xf32, #tpu.memory_space<vmem>>, vector<1x512xf32>
    %mul3A_49 = vector.broadcast %convert_element_type3A_45 : vector<1000x1xf32> to vector<1000x512xf32>
    %mul3A_50 = vector.broadcast %get3A_48 : vector<1x512xf32> to vector<1000x512xf32>
    %mul3A_51 = arith.mulf %mul3A_49, %mul3A_50 : vector<1000x512xf32>
    %add3A_52 = arith.addf %add3A_40, %mul3A_51 : vector<1000x512xf32>
    %eq3A_53 = arith.constant 4 : i32
    %eq3A_54 = vector.broadcast %eq3A_53 : i32 to vector<1000x1xi32>
    %eq3A_55 = arith.cmpi eq, %get3A_8, %eq3A_54 : vector<1000x1xi32>
    %convert_element_type3A_56 = arith.extui %eq3A_55 : vector<1000x1xi1> to vector<1000x1xi32>
    %convert_element_type3A_57 = arith.sitofp %convert_element_type3A_56 : vector<1000x1xi32> to vector<1000x1xf32>
    %get3A_58 = arith.constant 4 : index
    %get3A_59 = arith.constant 0 : index
    %get3A_60 = vector.load %arg3[%get3A_58, %get3A_59] : memref<8x512xf32, #tpu.memory_space<vmem>>, vector<1x512xf32>
    %mul3A_61 = vector.broadcast %convert_element_type3A_57 : vector<1000x1xf32> to vector<1000x512xf32>
    %mul3A_62 = vector.broadcast %get3A_60 : vector<1x512xf32> to vector<1000x512xf32>
    %mul3A_63 = arith.mulf %mul3A_61, %mul3A_62 : vector<1000x512xf32>
    %add3A_64 = arith.addf %add3A_52, %mul3A_63 : vector<1000x512xf32>
    %eq3A_65 = arith.constant 5 : i32
    %eq3A_66 = vector.broadcast %eq3A_65 : i32 to vector<1000x1xi32>
    %eq3A_67 = arith.cmpi eq, %get3A_8, %eq3A_66 : vector<1000x1xi32>
    %convert_element_type3A_68 = arith.extui %eq3A_67 : vector<1000x1xi1> to vector<1000x1xi32>
    %convert_element_type3A_69 = arith.sitofp %convert_element_type3A_68 : vector<1000x1xi32> to vector<1000x1xf32>
    %get3A_70 = arith.constant 5 : index
    %get3A_71 = arith.constant 0 : index
    %get3A_72 = vector.load %arg3[%get3A_70, %get3A_71] : memref<8x512xf32, #tpu.memory_space<vmem>>, vector<1x512xf32>
    %mul3A_73 = vector.broadcast %convert_element_type3A_69 : vector<1000x1xf32> to vector<1000x512xf32>
    %mul3A_74 = vector.broadcast %get3A_72 : vector<1x512xf32> to vector<1000x512xf32>
    %mul3A_75 = arith.mulf %mul3A_73, %mul3A_74 : vector<1000x512xf32>
    %add3A_76 = arith.addf %add3A_64, %mul3A_75 : vector<1000x512xf32>
    %eq3A_77 = arith.constant 6 : i32
    %eq3A_78 = vector.broadcast %eq3A_77 : i32 to vector<1000x1xi32>
    %eq3A_79 = arith.cmpi eq, %get3A_8, %eq3A_78 : vector<1000x1xi32>
    %convert_element_type3A_80 = arith.extui %eq3A_79 : vector<1000x1xi1> to vector<1000x1xi32>
    %convert_element_type3A_81 = arith.sitofp %convert_element_type3A_80 : vector<1000x1xi32> to vector<1000x1xf32>
    %get3A_82 = arith.constant 6 : index
    %get3A_83 = arith.constant 0 : index
    %get3A_84 = vector.load %arg3[%get3A_82, %get3A_83] : memref<8x512xf32, #tpu.memory_space<vmem>>, vector<1x512xf32>
    %mul3A_85 = vector.broadcast %convert_element_type3A_81 : vector<1000x1xf32> to vector<1000x512xf32>
    %mul3A_86 = vector.broadcast %get3A_84 : vector<1x512xf32> to vector<1000x512xf32>
    %mul3A_87 = arith.mulf %mul3A_85, %mul3A_86 : vector<1000x512xf32>
    %add3A_88 = arith.addf %add3A_76, %mul3A_87 : vector<1000x512xf32>
    %eq3A_89 = arith.constant 7 : i32
    %eq3A_90 = vector.broadcast %eq3A_89 : i32 to vector<1000x1xi32>
    %eq3A_91 = arith.cmpi eq, %get3A_8, %eq3A_90 : vector<1000x1xi32>
    %convert_element_type3A_92 = arith.extui %eq3A_91 : vector<1000x1xi1> to vector<1000x1xi32>
    %convert_element_type3A_93 = arith.sitofp %convert_element_type3A_92 : vector<1000x1xi32> to vector<1000x1xf32>
    %get3A_94 = arith.constant 7 : index
    %get3A_95 = arith.constant 0 : index
    %get3A_96 = vector.load %arg3[%get3A_94, %get3A_95] : memref<8x512xf32, #tpu.memory_space<vmem>>, vector<1x512xf32>
    %mul3A_97 = vector.broadcast %convert_element_type3A_93 : vector<1000x1xf32> to vector<1000x512xf32>
    %mul3A_98 = vector.broadcast %get3A_96 : vector<1x512xf32> to vector<1000x512xf32>
    %mul3A_99 = arith.mulf %mul3A_97, %mul3A_98 : vector<1000x512xf32>
    %add3A_100 = arith.addf %add3A_88, %mul3A_99 : vector<1000x512xf32>
    %convert_element_type3A_101 = arith.truncf %add3A_100 : vector<1000x512xf32> to vector<1000x512xbf16>
    %swap3A = arith.constant 0 : index
    %swap3A_102 = arith.constant 0 : index
    %swap3A_103 = vector.load %arg5[%swap3A, %swap3A_102] : memref<1000x512xbf16, #tpu.memory_space<vmem>>, vector<1000x512xbf16>
    tpu.vector_store %arg5[%swap3A, %swap3A_102], %convert_element_type3A_101 {strides = array<i32>} : memref<1000x512xbf16, #tpu.memory_space<vmem>>, vector<1000x512xbf16>,
    %slice3A_104 = vector.extract_strided_slice %dot_general3A_5 {offsets = [0, 512], sizes = [1000, 512], strides = [1, 1]} : vector<1000x1024xf32> to vector<1000x512xf32>
    %convert_element_type3A_105 = arith.truncf %slice3A_104 : vector<1000x512xf32> to vector<1000x512xbf16>
    %swap3A_106 = arith.constant 0 : index
    %swap3A_107 = arith.constant 0 : index
    %swap3A_108 = vector.load %arg6[%swap3A_106, %swap3A_107] : memref<1000x512xbf16, #tpu.memory_space<vmem>>, vector<1000x512xbf16>
    tpu.vector_store %arg6[%swap3A_106, %swap3A_107], %convert_element_type3A_105 {strides = array<i32>} : memref<1000x512xbf16, #tpu.memory_space<vmem>>, vector<1000x512xbf16>,
    return
  }
  func.func @transform_0(%arg0: i32) -> (i32, i32) {
    %c0_i32 = arith.constant 0 : i32
    %c0_i32_0 = arith.constant 0 : i32
    return %arg0, %c0_i32 : i32, i32
  }
  func.func @transform_1(%arg0: i32) -> (i32, i32) {
    %c0_i32 = arith.constant 0 : i32
    %c0_i32_0 = arith.constant 0 : i32
    return %arg0, %c0_i32 : i32, i32
  }
  func.func @transform_2(%arg0: i32) -> (i32, i32) {
    %c0_i32 = arith.constant 0 : i32
    %c0_i32_0 = arith.constant 0 : i32
    %c0_i32_1 = arith.constant 0 : i32
    return %c0_i32, %c0_i32_0 : i32, i32
  }
  func.func @transform_3(%arg0: i32) -> (i32, i32) {
    %c0_i32 = arith.constant 0 : i32
    %c0_i32_0 = arith.constant 0 : i32
    %c0_i32_1 = arith.constant 0 : i32
    return %c0_i32, %c0_i32_0 : i32, i32
  }
  func.func @transform_4(%arg0: i32) -> (i32, i32) {
    %c0_i32 = arith.constant 0 : i32
    %c0_i32_0 = arith.constant 0 : i32
    return %arg0, %c0_i32 : i32, i32
  }
  func.func @transform_5(%arg0: i32) -> (i32, i32) {
    %c0_i32 = arith.constant 0 : i32
    %c0_i32_0 = arith.constant 0 : i32
    return %arg0, %c0_i32 : i32, i32
  }
}

module attributes {stable_mosaic.version = 14 : i64} {
  func.func @body(%arg0: i32, %arg1: memref<1280x512xbf16, #tpu.memory_space<vmem>>, %arg2: memref<1280x512xbf16, #tpu.memory_space<vmem>>, %arg3: memref<1280x16xf32, #tpu.memory_space<vmem>>, %arg4: memref<16x256xf32, #tpu.memory_space<vmem>>, %arg5: memref<1x256xf32, #tpu.memory_space<vmem>>, %arg6: memref<256x256xbf16, #tpu.memory_space<vmem>>, %arg7: memref<1x256xf32, #tpu.memory_space<vmem>>, %arg8: memref<1x256xf32, #tpu.memory_space<vmem>>, %arg9: memref<1x256xf32, #tpu.memory_space<vmem>>, %arg10: memref<256x512xbf16, #tpu.memory_space<vmem>>, %arg11: memref<512x256xbf16, #tpu.memory_space<vmem>>, %arg12: memref<1x256xf32, #tpu.memory_space<vmem>>, %arg13: memref<256x1xf32, #tpu.memory_space<vmem>>, %arg14: memref<1x1xf32, #tpu.memory_space<vmem>>, %arg15: memref<1280x1xf32, #tpu.memory_space<vmem>>) attributes {dimension_semantics = [#tpu.dimension_semantics<arbitrary>], iteration_bounds = array<i64: 125>, scalar_prefetch = 0 : i64, scratch_operands = 0 : i64, tpu.core_type = #tpu.core_type<tc>, window_params = [{transform_indices = @transform_0, window_bounds = array<i64: 1280, 512>}, {transform_indices = @transform_1, window_bounds = array<i64: 1280, 512>}, {transform_indices = @transform_2, window_bounds = array<i64: 1280, 16>}, {pipeline_mode = #tpu.pipeline_mode<synchronous>, transform_indices = @transform_3, window_bounds = array<i64: 16, 256>}, {pipeline_mode = #tpu.pipeline_mode<synchronous>, transform_indices = @transform_4, window_bounds = array<i64: 1, 256>}, {pipeline_mode = #tpu.pipeline_mode<synchronous>, transform_indices = @transform_5, window_bounds = array<i64: 256, 256>}, {pipeline_mode = #tpu.pipeline_mode<synchronous>, transform_indices = @transform_6, window_bounds = array<i64: 1, 256>}, {pipeline_mode = #tpu.pipeline_mode<synchronous>, transform_indices = @transform_7, window_bounds = array<i64: 1, 256>}, {pipeline_mode = #tpu.pipeline_mode<synchronous>, transform_indices = @transform_8, window_bounds = array<i64: 1, 256>}, {pipeline_mode = #tpu.pipeline_mode<synchronous>, transform_indices = @transform_9, window_bounds = array<i64: 256, 512>}, {pipeline_mode = #tpu.pipeline_mode<synchronous>, transform_indices = @transform_10, window_bounds = array<i64: 512, 256>}, {pipeline_mode = #tpu.pipeline_mode<synchronous>, transform_indices = @transform_11, window_bounds = array<i64: 1, 256>}, {pipeline_mode = #tpu.pipeline_mode<synchronous>, transform_indices = @transform_12, window_bounds = array<i64: 256, 1>}, {pipeline_mode = #tpu.pipeline_mode<synchronous>, transform_indices = @transform_13, window_bounds = array<i64: 1, 1>}, {transform_indices = @transform_14, window_bounds = array<i64: 1280, 1>}]} {
    %get3A = arith.constant 0 : index
    %get3A_0 = arith.constant 0 : index
    %get3A_1 = vector.load %arg3[%get3A, %get3A_0] : memref<1280x16xf32, #tpu.memory_space<vmem>>, vector<1280x16xf32>
    %get3A_2 = arith.constant 0 : index
    %get3A_3 = arith.constant 0 : index
    %get3A_4 = vector.load %arg4[%get3A_2, %get3A_3] : memref<16x256xf32, #tpu.memory_space<vmem>>, vector<16x256xf32>
    %dot_general3A = arith.constant dense<0.000000e+00> : vector<1280x256xf32>
    %dot_general3A_5 = tpu.matmul %get3A_1, %get3A_4, %dot_general3A {dimension_numbers = #tpu.dot_dimension_numbers<[1], [0], [0], [1], [0, 0, 1, 1], [], []>, transpose_lhs_hint = false} : vector<1280x16xf32>, vector<16x256xf32>, vector<1280x256xf32> -> vector<1280x256xf32>
    %get3A_6 = arith.constant 0 : index
    %get3A_7 = arith.constant 0 : index
    %get3A_8 = vector.load %arg5[%get3A_6, %get3A_7] : memref<1x256xf32, #tpu.memory_space<vmem>>, vector<1x256xf32>
    %add3A = vector.broadcast %get3A_8 : vector<1x256xf32> to vector<1280x256xf32>
    %add3A_9 = arith.addf %dot_general3A_5, %add3A : vector<1280x256xf32>
    %max3A = arith.constant 0.000000e+00 : f32
    %max3A_10 = vector.broadcast %max3A : f32 to vector<1280x256xf32>
    %max3A_11 = arith.maximumf %add3A_9, %max3A_10 : vector<1280x256xf32>
    %convert_element_type3A = arith.truncf %max3A_11 : vector<1280x256xf32> to vector<1280x256xbf16>
    %get3A_12 = arith.constant 0 : index
    %get3A_13 = arith.constant 0 : index
    %get3A_14 = vector.load %arg6[%get3A_12, %get3A_13] : memref<256x256xbf16, #tpu.memory_space<vmem>>, vector<256x256xbf16>
    %dot_general3A_15 = arith.constant dense<0.000000e+00> : vector<1280x256xf32>
    %dot_general3A_16 = tpu.matmul %convert_element_type3A, %get3A_14, %dot_general3A_15 {dimension_numbers = #tpu.dot_dimension_numbers<[1], [0], [0], [1], [0, 0, 1, 1], [], []>, transpose_lhs_hint = false} : vector<1280x256xbf16>, vector<256x256xbf16>, vector<1280x256xf32> -> vector<1280x256xf32>
    %get3A_17 = arith.constant 0 : index
    %get3A_18 = arith.constant 0 : index
    %get3A_19 = vector.load %arg7[%get3A_17, %get3A_18] : memref<1x256xf32, #tpu.memory_space<vmem>>, vector<1x256xf32>
    %add3A_20 = vector.broadcast %get3A_19 : vector<1x256xf32> to vector<1280x256xf32>
    %add3A_21 = arith.addf %dot_general3A_16, %add3A_20 : vector<1280x256xf32>
    %get3A_22 = arith.constant 0 : index
    %get3A_23 = arith.constant 0 : index
    %get3A_24 = vector.load %arg8[%get3A_22, %get3A_23] : memref<1x256xf32, #tpu.memory_space<vmem>>, vector<1x256xf32>
    %get3A_25 = arith.constant 0 : index
    %get3A_26 = arith.constant 0 : index
    %get3A_27 = vector.load %arg9[%get3A_25, %get3A_26] : memref<1x256xf32, #tpu.memory_space<vmem>>, vector<1x256xf32>
    %reduce_sum3A = arith.constant dense<0.000000e+00> : vector<1280xf32>
    %reduce_sum3A_28 = vector.multi_reduction <add>, %add3A_21, %reduce_sum3A [1] : vector<1280x256xf32> to vector<1280xf32>
    %broadcast_in_dim3A = vector.shape_cast %reduce_sum3A_28 : vector<1280xf32> to vector<1280x1xf32>
    %div3A = arith.constant 2.560000e+02 : f32
    %div3A_29 = vector.broadcast %div3A : f32 to vector<1280x1xf32>
    %div3A_30 = arith.divf %broadcast_in_dim3A, %div3A_29 : vector<1280x1xf32>
    %sub3A = vector.broadcast %div3A_30 : vector<1280x1xf32> to vector<1280x256xf32>
    %sub3A_31 = arith.subf %add3A_21, %sub3A : vector<1280x256xf32>
    %sub3A_32 = vector.broadcast %div3A_30 : vector<1280x1xf32> to vector<1280x256xf32>
    %sub3A_33 = arith.subf %add3A_21, %sub3A_32 : vector<1280x256xf32>
    %mul3A = arith.mulf %sub3A_31, %sub3A_33 : vector<1280x256xf32>
    %reduce_sum3A_34 = arith.constant dense<0.000000e+00> : vector<1280xf32>
    %reduce_sum3A_35 = vector.multi_reduction <add>, %mul3A, %reduce_sum3A_34 [1] : vector<1280x256xf32> to vector<1280xf32>
    %broadcast_in_dim3A_36 = vector.shape_cast %reduce_sum3A_35 : vector<1280xf32> to vector<1280x1xf32>
    %div3A_37 = arith.constant 2.560000e+02 : f32
    %div3A_38 = vector.broadcast %div3A_37 : f32 to vector<1280x1xf32>
    %div3A_39 = arith.divf %broadcast_in_dim3A_36, %div3A_38 : vector<1280x1xf32>
    %sub3A_40 = vector.broadcast %div3A_30 : vector<1280x1xf32> to vector<1280x256xf32>
    %sub3A_41 = arith.subf %add3A_21, %sub3A_40 : vector<1280x256xf32>
    %add3A_42 = arith.constant 9.99999974E-6 : f32
    %add3A_43 = vector.broadcast %add3A_42 : f32 to vector<1280x1xf32>
    %add3A_44 = arith.addf %div3A_39, %add3A_43 : vector<1280x1xf32>
    %rsqrt3A = math.rsqrt %add3A_44 : vector<1280x1xf32>
    %mul3A_45 = vector.broadcast %rsqrt3A : vector<1280x1xf32> to vector<1280x256xf32>
    %mul3A_46 = arith.mulf %sub3A_41, %mul3A_45 : vector<1280x256xf32>
    %mul3A_47 = vector.broadcast %get3A_24 : vector<1x256xf32> to vector<1280x256xf32>
    %mul3A_48 = arith.mulf %mul3A_46, %mul3A_47 : vector<1280x256xf32>
    %add3A_49 = vector.broadcast %get3A_27 : vector<1x256xf32> to vector<1280x256xf32>
    %add3A_50 = arith.addf %mul3A_48, %add3A_49 : vector<1280x256xf32>
    %convert_element_type3A_51 = arith.truncf %add3A_50 : vector<1280x256xf32> to vector<1280x256xbf16>
    %get3A_52 = arith.constant 0 : index
    %get3A_53 = arith.constant 0 : index
    %get3A_54 = vector.load %arg10[%get3A_52, %get3A_53] : memref<256x512xbf16, #tpu.memory_space<vmem>>, vector<256x512xbf16>
    %dot_general3A_55 = arith.constant dense<0.000000e+00> : vector<1280x512xf32>
    %dot_general3A_56 = tpu.matmul %convert_element_type3A_51, %get3A_54, %dot_general3A_55 {dimension_numbers = #tpu.dot_dimension_numbers<[1], [0], [0], [1], [0, 0, 1, 1], [], []>, transpose_lhs_hint = false} : vector<1280x256xbf16>, vector<256x512xbf16>, vector<1280x512xf32> -> vector<1280x512xf32>
    %get3A_57 = arith.constant 0 : index
    %get3A_58 = arith.constant 0 : index
    %get3A_59 = vector.load %arg1[%get3A_57, %get3A_58] : memref<1280x512xbf16, #tpu.memory_space<vmem>>, vector<1280x512xbf16>
    %convert_element_type3A_60 = arith.extf %get3A_59 : vector<1280x512xbf16> to vector<1280x512xf32>
    %get3A_61 = arith.constant 0 : index
    %get3A_62 = arith.constant 0 : index
    %get3A_63 = vector.load %arg2[%get3A_61, %get3A_62] : memref<1280x512xbf16, #tpu.memory_space<vmem>>, vector<1280x512xbf16>
    %convert_element_type3A_64 = arith.extf %get3A_63 : vector<1280x512xbf16> to vector<1280x512xf32>
    %add3A_65 = arith.addf %convert_element_type3A_60, %convert_element_type3A_64 : vector<1280x512xf32>
    %add3A_66 = arith.addf %add3A_65, %dot_general3A_56 : vector<1280x512xf32>
    %tanh3A = math.tanh %add3A_66 : vector<1280x512xf32>
    %convert_element_type3A_67 = arith.truncf %tanh3A : vector<1280x512xf32> to vector<1280x512xbf16>
    %get3A_68 = arith.constant 0 : index
    %get3A_69 = arith.constant 0 : index
    %get3A_70 = vector.load %arg11[%get3A_68, %get3A_69] : memref<512x256xbf16, #tpu.memory_space<vmem>>, vector<512x256xbf16>
    %dot_general3A_71 = arith.constant dense<0.000000e+00> : vector<1280x256xf32>
    %dot_general3A_72 = tpu.matmul %convert_element_type3A_67, %get3A_70, %dot_general3A_71 {dimension_numbers = #tpu.dot_dimension_numbers<[1], [0], [0], [1], [0, 0, 1, 1], [], []>, transpose_lhs_hint = false} : vector<1280x512xbf16>, vector<512x256xbf16>, vector<1280x256xf32> -> vector<1280x256xf32>
    %get3A_73 = arith.constant 0 : index
    %get3A_74 = arith.constant 0 : index
    %get3A_75 = vector.load %arg12[%get3A_73, %get3A_74] : memref<1x256xf32, #tpu.memory_space<vmem>>, vector<1x256xf32>
    %add3A_76 = vector.broadcast %get3A_75 : vector<1x256xf32> to vector<1280x256xf32>
    %add3A_77 = arith.addf %dot_general3A_72, %add3A_76 : vector<1280x256xf32>
    %tanh3A_78 = math.tanh %add3A_77 : vector<1280x256xf32>
    %get3A_79 = arith.constant 0 : index
    %get3A_80 = arith.constant 0 : index
    %get3A_81 = vector.load %arg13[%get3A_79, %get3A_80] : memref<256x1xf32, #tpu.memory_space<vmem>>, vector<256x1xf32>
    %dot_general3A_82 = arith.constant dense<0.000000e+00> : vector<1280x1xf32>
    %dot_general3A_83 = tpu.matmul %tanh3A_78, %get3A_81, %dot_general3A_82 {dimension_numbers = #tpu.dot_dimension_numbers<[1], [0], [0], [1], [0, 0, 1, 1], [], []>, transpose_lhs_hint = false} : vector<1280x256xf32>, vector<256x1xf32>, vector<1280x1xf32> -> vector<1280x1xf32>
    %get3A_84 = arith.constant 0 : index
    %get3A_85 = arith.constant 0 : index
    %get3A_86 = vector.load %arg14[%get3A_84, %get3A_85] : memref<1x1xf32, #tpu.memory_space<vmem>>, vector<1x1xf32>
    %add3A_87 = vector.broadcast %get3A_86 : vector<1x1xf32> to vector<1280x1xf32>
    %add3A_88 = arith.addf %dot_general3A_83, %add3A_87 : vector<1280x1xf32>
    %logistic3A = arith.negf %add3A_88 : vector<1280x1xf32>
    %logistic3A_89 = math.exp %logistic3A : vector<1280x1xf32>
    %logistic3A_90 = arith.constant 1.000000e+00 : f32
    %logistic3A_91 = vector.broadcast %logistic3A_90 : f32 to vector<1280x1xf32>
    %logistic3A_92 = arith.addf %logistic3A_91, %logistic3A_89 : vector<1280x1xf32>
    %logistic3A_93 = arith.divf %logistic3A_91, %logistic3A_92 : vector<1280x1xf32>
    %swap3A = arith.constant 0 : index
    %swap3A_94 = arith.constant 0 : index
    %swap3A_95 = vector.load %arg15[%swap3A, %swap3A_94] : memref<1280x1xf32, #tpu.memory_space<vmem>>, vector<1280x1xf32>
    tpu.vector_store %arg15[%swap3A, %swap3A_94], %logistic3A_93 {strides = array<i32>} : memref<1280x1xf32, #tpu.memory_space<vmem>>, vector<1280x1xf32>,
    return
  }
  func.func @transform_0(%arg0: i32) -> (i32, i32) {
    %c0_i32 = arith.constant 0 : i32
    %c0_i32_0 = arith.constant 0 : i32
    return %arg0, %c0_i32 : i32, i32
  }
  func.func @transform_1(%arg0: i32) -> (i32, i32) {
    %c0_i32 = arith.constant 0 : i32
    %c0_i32_0 = arith.constant 0 : i32
    return %arg0, %c0_i32 : i32, i32
  }
  func.func @transform_2(%arg0: i32) -> (i32, i32) {
    %c0_i32 = arith.constant 0 : i32
    %c0_i32_0 = arith.constant 0 : i32
    return %arg0, %c0_i32 : i32, i32
  }
  func.func @transform_3(%arg0: i32) -> (i32, i32) {
    %c0_i32 = arith.constant 0 : i32
    %c0_i32_0 = arith.constant 0 : i32
    %c0_i32_1 = arith.constant 0 : i32
    return %c0_i32, %c0_i32_0 : i32, i32
  }
  func.func @transform_4(%arg0: i32) -> (i32, i32) {
    %c0_i32 = arith.constant 0 : i32
    %c0_i32_0 = arith.constant 0 : i32
    %c0_i32_1 = arith.constant 0 : i32
    return %c0_i32, %c0_i32_0 : i32, i32
  }
  func.func @transform_5(%arg0: i32) -> (i32, i32) {
    %c0_i32 = arith.constant 0 : i32
    %c0_i32_0 = arith.constant 0 : i32
    %c0_i32_1 = arith.constant 0 : i32
    return %c0_i32, %c0_i32_0 : i32, i32
  }
  func.func @transform_6(%arg0: i32) -> (i32, i32) {
    %c0_i32 = arith.constant 0 : i32
    %c0_i32_0 = arith.constant 0 : i32
    %c0_i32_1 = arith.constant 0 : i32
    return %c0_i32, %c0_i32_0 : i32, i32
  }
  func.func @transform_7(%arg0: i32) -> (i32, i32) {
    %c0_i32 = arith.constant 0 : i32
    %c0_i32_0 = arith.constant 0 : i32
    %c0_i32_1 = arith.constant 0 : i32
    return %c0_i32, %c0_i32_0 : i32, i32
  }
  func.func @transform_8(%arg0: i32) -> (i32, i32) {
    %c0_i32 = arith.constant 0 : i32
    %c0_i32_0 = arith.constant 0 : i32
    %c0_i32_1 = arith.constant 0 : i32
    return %c0_i32, %c0_i32_0 : i32, i32
  }
  func.func @transform_9(%arg0: i32) -> (i32, i32) {
    %c0_i32 = arith.constant 0 : i32
    %c0_i32_0 = arith.constant 0 : i32
    %c0_i32_1 = arith.constant 0 : i32
    return %c0_i32, %c0_i32_0 : i32, i32
  }
  func.func @transform_10(%arg0: i32) -> (i32, i32) {
    %c0_i32 = arith.constant 0 : i32
    %c0_i32_0 = arith.constant 0 : i32
    %c0_i32_1 = arith.constant 0 : i32
    return %c0_i32, %c0_i32_0 : i32, i32
  }
  func.func @transform_11(%arg0: i32) -> (i32, i32) {
    %c0_i32 = arith.constant 0 : i32
    %c0_i32_0 = arith.constant 0 : i32
    %c0_i32_1 = arith.constant 0 : i32
    return %c0_i32, %c0_i32_0 : i32, i32
  }
  func.func @transform_12(%arg0: i32) -> (i32, i32) {
    %c0_i32 = arith.constant 0 : i32
    %c0_i32_0 = arith.constant 0 : i32
    %c0_i32_1 = arith.constant 0 : i32
    return %c0_i32, %c0_i32_0 : i32, i32
  }
  func.func @transform_13(%arg0: i32) -> (i32, i32) {
    %c0_i32 = arith.constant 0 : i32
    %c0_i32_0 = arith.constant 0 : i32
    %c0_i32_1 = arith.constant 0 : i32
    return %c0_i32, %c0_i32_0 : i32, i32
  }
  func.func @transform_14(%arg0: i32) -> (i32, i32) {
    %c0_i32 = arith.constant 0 : i32
    %c0_i32_0 = arith.constant 0 : i32
    return %arg0, %c0_i32 : i32, i32
  }
}

</mosaic_0001>

<sc_bundles>
// kernel: kernel.13.cloned.1.call-start
scs
__scs_entry_jumppad:
0x0: {  	(pc) =	sbr.rel $0x88, $3  }
0x1: {  	(tag) =	ssettag $0x0;
	lr =	simm.s32 $0x1  }
0x2: {  	[smem:$0x3F83] =	sst lr;
	_ =	strace $0xD0000000  }
0x3: {  	_ = 	snop  }
0x4: {  	_ = 	snop  }
0x5: {  	_ = 	snop  }
0x6: {  	_ = 	snop  }
0x7: {  	_ = 	snop  }
__scs_overlays_trampoline_lowered:
0x8: {  	[smem:$0x3F92] =	sst s0  }
0x9: {  	[smem:$0x3F93] =	sst s1  }
0xa: {  	[smem:$0x3F94] =	sst s2  }
0xb: {  	[smem:$0x3F95] =	sst s3  }
0xc: {  	[smem:$0x3F96] =	sst s4  }
0xd: {  	[smem:$0x3F97] =	sst s5  }
0xe: {  	[smem:$0x3F98] =	sst s6  }
0xf: {  	[smem:$0x3F99] =	sst s7  }
0x10: {  	[smem:$0x3F9A] =	sst s8  }
0x11: {  	[smem:$0x3F9B] =	sst s9;
	s0 =	simm.s32 @!p0 $0x0  }
0x12: {  	s1 =	sld [smem:$0x3F81];
	s0 =	simm.s32 @p0 $0x1  }
0x13: {  	[smem:$0x3F9C] =	sst s0;
	s0 =	simm.s32 @!p1 $0x0  }
0x14: {  	s2 =	sld [smem:$0x3F80];
	s0 =	simm.s32 @p1 $0x1  }
0x15: {  	[smem:$0x3F9D] =	sst s0;
	s0 =	simm.s32 @!p2 $0x0  }
0x16: {  	s3 =	sld [smem:$0x3FDB];
	s0 =	simm.s32 @p2 $0x1  }
0x17: {  	s4 =	simm.s32 $0x1BF5;
	[smem:$0x3F9F] =	sst s0  }
0x18: {  	s0 =	sld [smem:$0x3F82];
	_ =	swait.ge [sflag:s4], $0x0  }
0x19: {  	s7 =	sld [smem:$0x3F83]  }
0x1a: {  	s8 =	sadd.s32 $0xFFFFE003, lr  }
0x1b: {  	s9 =	sadd.s32 $0xFFFFFEF7, lr;
	s5 =	simm.s32 $0xFFFFFFFF;
	p2 =	slt.u32 s8, $0xFFFFF086  }
0x1c: {  	p1 =	slt.u32 s9, $0xF7A;
	s5 =	simm.s32 @!p2 $0x0  }
0x1d: {  	s5 =	simm.s32 @p1 $0x1;
	p0 =	seq.s32 s7, s2  }
0x1e: {  	s7 =	smul.u32 @!p0 $0xF7A, s2;
	p2 =	seq.s32 @!p0 s5, $0x0  }
0x1f: {  	s9 =	smul.u32 $0xF7A, s1;
	s8 =	simm.s32 @!p0 $0x1BF5;
	p2 =	por !p2, p0  }
0x20: {  	[sflag:s8] =	ssyncset.s32 @!p0 $0xFFFFF086;
	s6 =	sadd.s32 @!p0 s3, s7;
	s7 =	simm.s32 @!p0 $0x108  }
0x21: {  	s3 =	sadd.s32 s3, s9;
	s6 =	sadd.s32 @!p0 $0x88, s6;
	s7 =	simm.s32 @p2 $0x1082  }
0x22: {  	[simem:s7], [sflag:s8] =	dma.local @!p0 [hbm:s6], $0xF7A  }
0x23: {  	s9 =	sor.u32 $0xD0000000, s2;
	s6 =	simm.s32 $0x108;
	_ =	swait.ge @!p0 [sflag:s8], $0x0  }
0x24: {  	s3 =	sadd.s32 $0x88, s3;
	s6 =	simm.s32 @!p1 $0x1082;
	[sflag:s4] =	ssyncset.s32 $0xFFFFF086  }
0x25: {  	[simem:s6], [sflag:s4] =	dma.local [hbm:s3], $0xF7A  }
0x26: {  	[smem:$0x3F83] =	sst s1;
	(tag) =	ssettag s2;
	_ =	strace s9  }
0x27: {  	s1 =	sld [smem:$0x3F93]  }
0x28: {  	s2 =	sld [smem:$0x3F94]  }
0x29: {  	s4 =	sld [smem:$0x3F96]  }
0x2a: {  	p0 =	seq.s32 s5, $0x0;
	s5 =	sld [smem:$0x3F97]  }
0x2b: {  	s6 =	sld [smem:$0x3F98]  }
0x2c: {  	s7 =	sld [smem:$0x3F99]  }
0x2d: {  	s3 =	simm.s32 $0x108;
	s8 =	sld [smem:$0x3F9A]  }
0x2e: {  	s3 =	simm.s32 @!p0 $0x1082;
	s9 =	sld [smem:$0x3F9B]  }
0x2f: {  	lr =	sadd.s32 s0, s3;
	s0 =	sld [smem:$0x3F92]  }
0x30: {  	s3 =	sld [smem:$0x3F95]  }
0x31: {  	[smem:$0x3F9E] =	sst s10  }
0x32: {  	s10 =	sld [smem:$0x3F9C];
	_ =	sdelay $0x3  }
0x33: {  	p0 =	seq.s32 s10, $0x1;
	s10 =	sld [smem:$0x3F9E];
	_ =	sdelay $0x3  }
0x34: {  	[smem:$0x3F9E] =	sst s10  }
0x35: {  	s10 =	sld [smem:$0x3F9D];
	_ =	sdelay $0x3  }
0x36: {  	p1 =	seq.s32 s10, $0x1;
	s10 =	sld [smem:$0x3F9E];
	_ =	sdelay $0x3  }
0x37: {  	[smem:$0x3F9E] =	sst s10  }
0x38: {  	s10 =	sld [smem:$0x3F9F]  }
0x39: {  	_ = 	snop;
	(pc) =	sbr.ind lr, $3  }
0x3a: {  	_ = 	snop  }
0x3b: {  	_ = 	snop  }
0x3c: {  	p2 =	seq.s32 s10, $0x1;
	s10 =	sld [smem:$0x3F9E]  }
0x3d: {  	_ =	shalt  }
0x3e: {  	_ =	shalt  }
0x3f: {  	_ =	shalt  }
0x40: {  	_ =	shalt  }
0x41: {  	_ =	shalt  }
0x42: {  	_ =	shalt  }
0x43: {  	_ =	shalt  }
0x44: {  	_ =	shalt  }
0x45: {  	_ =	shalt  }
0x46: {  	_ =	shalt  }
0x47: {  	_ =	shalt  }
0x48: {  	_ =	shalt  }
0x49: {  	_ =	shalt  }
0x4a: {  	_ =	shalt  }
0x4b: {  	_ =	shalt  }
0x4c: {  	_ =	shalt  }
0x4d: {  	_ =	shalt  }
0x4e: {  	_ =	shalt  }
0x4f: {  	_ =	shalt  }
0x50: {  	_ =	shalt  }
0x51: {  	_ =	shalt  }
0x52: {  	_ =	shalt  }
0x53: {  	_ =	shalt  }
0x54: {  	_ =	shalt  }
0x55: {  	_ =	shalt  }
0x56: {  	_ =	shalt  }
0x57: {  	_ =	shalt  }
0x58: {  	_ =	shalt  }
0x59: {  	_ =	shalt  }
0x5a: {  	_ =	shalt  }
0x5b: {  	_ =	shalt  }
0x5c: {  	_ =	shalt  }
0x5d: {  	_ =	shalt  }
0x5e: {  	_ =	shalt  }
0x5f: {  	_ =	shalt  }
0x60: {  	_ =	shalt  }
0x61: {  	_ =	shalt  }
0x62: {  	_ =	shalt  }
0x63: {  	_ =	shalt  }
0x64: {  	_ =	shalt  }
0x65: {  	_ =	shalt  }
0x66: {  	_ =	shalt  }
0x67: {  	_ =	shalt  }
0x68: {  	_ =	shalt  }
0x69: {  	_ =	shalt  }
0x6a: {  	_ =	shalt  }
0x6b: {  	_ =	shalt  }
0x6c: {  	_ =	shalt  }
0x6d: {  	_ =	shalt  }
0x6e: {  	_ =	shalt  }
0x6f: {  	_ =	shalt  }
0x70: {  	_ =	shalt  }
0x71: {  	_ =	shalt  }
0x72: {  	_ =	shalt  }
0x73: {  	_ =	shalt  }
0x74: {  	_ =	shalt  }
0x75: {  	_ =	shalt  }
0x76: {  	_ =	shalt  }
0x77: {  	_ =	shalt  }
0x78: {  	_ =	shalt  }
0x79: {  	_ =	shalt  }
0x7a: {  	_ =	shalt  }
0x7b: {  	_ =	shalt  }
0x7c: {  	_ =	shalt  }
0x7d: {  	_ =	shalt  }
0x7e: {  	_ =	shalt  }
0x7f: {  	_ =	shalt  }
0x80: {  	_ =	shalt  }
0x81: {  	_ =	shalt  }
0x82: {  	_ =	shalt  }
0x83: {  	_ =	shalt  }
0x84: {  	_ =	shalt  }
0x85: {  	_ =	shalt  }
0x86: {  	_ =	shalt  }
0x87: {  	_ =	shalt  }
.Lfunc_end0:
.L_simem_size_0:
called_computation.4_lowered:
.L_overlay_start_0:
0x88: {  	s2 =	sld [smem:$0x3FD9]  }
0x89: {  	s3 =	sld [smem:$0x3FFE];
	_ =	sdelay $0x1  }
0x8a: {  	s1 =	srdreg.scid  }
0x8b: {  	s0 =	sand.u32 $0x1, s1  }
0x8c: {  	s17 =	sshll.u32 s0, $0xA;
	s2 =	sadd.s32 s3, s2  }
0x8d: {  	s2 =	sadd.s32 s2, s17  }
0x8e: {  	[smem:$0x3FAA] =	sst s2  }
0x8f: {  	_ = 	snop  }
0x90: {  	s2 =	sld [smem:$0x3FD0];
	(tm) =	ssettm $0x1  }
0x91: {  	s18 =	sld [smem:$0x3FFB];
	_ =	sdelay $0x3  }
0x92: {  	_ =	strace s18  }
0x93: {  	s3 =	sld [smem:$0x3FFC];
	_ =	sdelay $0x3  }
0x94: {  	_ =	strace s3  }
0x95: {  	s3 =	sld [smem:$0x3FFD];
	_ =	sdelay $0x3  }
0x96: {  	_ =	strace s3  }
0x97: {  	_ =	strace $0x8FFFFFFF  }
0x98: {  	s19 =	sld [smem:$0x3FDB];
	_ =	sdelay $0x1  }
0x99: {  	s4 =	simm.s32 $_scs_section_size  }
0x9a: {  	s5 =	simm.s32 $_size__tile_overlayer_lowered;
	s6 =	simm.s32 $_tile_overlayer_lowered  }
0x9b: {  	s22 =	simm.s32 $0x1BFF;
	s21 =	sshll.u32 s6, $0x1;
	s3 =	sadd.s32 s4, s19  }
0x9c: {  	s7 =	simm.s32 $0x0;
	s20 =	sshll.u32 s5, $0x1;
	s5 =	sadd.s32 s21, s3  }
0x9d: {  	[timem:s7], [sflag:s22] =	dma.local [hbm:s5], s20  }
0x9e: {  	_ =	swait.ge [sflag:s22], s20  }
0x9f: {  	s4 =	ssub.s32 $0x0, s20;
	[sflag:s22] =	ssyncset.done $0x0  }
0xa0: {  	[sflag:s22] =	ssyncadd.s32 s4;
	_ =	sdelay $0x1  }
0xa1: {  	s23 =	simm.s32 $0x1B8B  }
0xa2: {  	_ =	swait.ge [sflag:s23], $0x1  }
0xa3: {  	[sflag:s23] =	ssyncset.done $0x0  }
0xa4: {  	s25 =	simm.s32 $0x1B8E;
	s24 =	sld [smem:$0x3FFE];
	[sflag:s23] =	ssyncadd.s32 $0xFFFFFFFF  }
0xa5: {  	s26 =	simm.s32 $execute0_lowered;
	[smem:$0x3FD2] =	sst s25  }
0xa6: {  	s5 =	sshll.u32 s26, $0x1;
	_ =	strace $0x80000046;
	[dreg:$0x1] =	wrdreg $0xFFFFFFFF  }
0xa7: {  	s28 =	simm.s32 $_size_execute0_lowered;
	s3 =	sadd.s32 s3, s5;
	[dreg:$0x0] =	wrdreg $0x0  }
0xa8: {  	s5 =	sshll.u32 s28, $0x1;
	[dreg:$0x2] =	wrdreg s3  }
0xa9: {  	[dreg:$0x3] =	wrdreg s5  }
0xaa: {  	[dreg:$0x4] =	wrdreg $0xC0  }
0xab: {  	_ =	task [dreg:s7], $0x5FFFF  }
0xac: {  	[dreg:$0x1] =	wrdreg $0xFFFFFFFF  }
0xad: {  	[dreg:$0x0] =	wrdreg $0x60  }
0xae: {  	[dreg:$0x2] =	wrdreg s24  }
0xaf: {  	[dreg:$0x3] =	wrdreg s2  }
0xb0: {  	[dreg:$0x4] =	wrdreg $0x40800  }
0xb1: {  	[dreg:$0x5] =	wrdreg $0x9  }
0xb2: {  	_ =	task.clear_ibuf [dreg:s7], $0x6FFFF;
	_ =	strace $0x90000046  }
0xb3: {  	s29 =	simm.s32 $0x9;
	_ =	strace $0x80000048  }
0xb4: {  	_ =	swait.ge [sflag:s29], $0x1  }
0xb5: {  	[sflag:s29] =	ssyncadd.s32 $0xFFFFFFFF  }
0xb6: {  	_ =	strace $0x90000048  }
0xb7: {  	_ =	sfence  }
0xb8: {  	s30 =	sld [smem:$0x0];
	_ =	sdelay $0x2  }
0xb9: {  	s31 =	sshll.u32 s1, $0xD;
	s1 =	sshrl.u32 s1, $0x2  }
0xba: {  	s3 =	sand.u32 $0x4000, s31;
	s1 =	sadd.s32 s1, s30  }
0xbb: {  	s0 =	sor.u32 s3, s0;
	s1 =	sshll.u32 s1, $0x11  }
0xbc: {  	s0 =	sor.u32 s1, s0  }
0xbd: {  	s0 =	sadd.s32 $0x8F2B, s0  }
0xbe: {  	[sflag:s0] =	ssyncadd.remote.s32 $0x1  }
0xbf: {  	_ =	sfence.sel $0xFFFF  }
0xc0: {  	[dreg:$0x0] =	wrdreg $0xFFFFFFFF;
	(pc) =	sbr.abs _section_cstart, $3  }
0xc1: {  	[dreg:$0x1] =	wrdreg $0xFFFFFFFF  }
0xc2: {  	_ =	task.clear_ibuf [dreg:s7], $0x2FFFF;
	_ =	strace $0x9FFFFFFF  }
0xc3: {  	(tm) =	ssettm $0x7FFFFFFF  }
tec
execute0_lowered:
.L_overlay_start_1:
0x0: {  	(tag) =	ssettag $0x1  }
0x1: {  	s5 =	rddreg [dreg:$0x0]  }
0x2: {  	s2 =	rddreg [dreg:$0x1]  }
0x3: {  	s3 =	rddreg [dreg:$0x2]  }
0x4: {  	s0 =	rddreg [dreg:$0x3];
	s1 =	stileid.u32  }
0x5: {  	s4 =	simm.s32 $0x0;
	s7 =	srdreg.scid;
	s6 =	smul.u32 $0x500, s1  }
0x6: {  	s13 =	simm.s32 $0x63200;
	[smem:$0x7FF] =	sst s4;
	s8 =	smul.u32 $0x50000, s1  }
0x7: {  	s7 =	sand.u32 $0x1, s7;
	s9 =	smul.u32 $0x2800, s1;
	s29 =	sshll.u32 s1, $0x6  }
0x8: {  	_ =	strace $0x80000047;
	s10 =	ssub.s32 $0x2, s7;
	s30 =	smul.u32 $0x280, s7  }
0x9: {  	p0 =	seq.s32 s7, $0x1;
	s11 =	sadd.s32 s6, s5;
	s28 =	sshrl.u32 s10, $0x1  }
0xa: {  	s8 =	sshrl.u32 s8, $0x2;
	s9 =	sadd.s32 s9, s5;
	s6 =	sor.u32 $0x1C01, s29  }
0xb: {  	s13 =	simm.s32 @!p0 $0x3B200;
	s10 =	ssub.s32 s10, s28;
	s12 =	sadd.s32 s8, s3  }
0xc: {  	s5 =	sadd.s32 $0x13200, s9;
	s31 =	sadd.s32 s30, s11;
	s8 =	sadd.s32 s13, s9  }
0xd: {  	s11 =	simm.s32 $0x1;
	s13 =	simm.s32 $0x0;
	s7 =	smax.u32 s10, $0x1  }
0xe: {  	s9 =	sadd.s32 $0x9200, s31;
	s10 =	sshrl.u32 s12, $0x3;
	s12 =	simm.s32 $0x80  }
.LBB2_1:
0xf: {  	[spmem:s10], [sflag:s6] =	dma.local [hbm:s5], $0x2800  }
0x10: {  	_ =	swait.ge [sflag:s11], $0x2800  }
0x11: {  	[sflag:s11] =	ssyncset.done $0x0  }
0x12: {  	[sflag:s11] =	ssyncadd.s32 $0xFFFFD800  }
0x13: {  	[tilespmem:s12], [sflag:$0x1] =	stream.linear.gather [hbm4b:s2+s4], $0x4000, $0x38;
	[tilespmem:$0x18080] =	vst v63  }
0x14: {  	_ =	swait.ge [sflag:s11], $0x4000  }
0x15: {  	[sflag:s11] =	ssyncset.done $0x0  }
0x16: {  	[sflag:s11] =	ssyncadd.s32 $0xFFFFC000  }
0x17: {  	s14 =	sadd.s32 $0x0, s9;
	[bflag:$0x0] =	sbarrier.arrive $0xFFFF  }
0x18: {  	[tilespmem:s4], [sflag:$0x1] =	stream.linear.gather [hbm4b:s14+s4], $0x80, $0x38;
	[tilespmem:$0x18080] =	vst v63  }
0x19: {  	_ =	swait.ge [sflag:s11], $0x80  }
0x1a: {  	[sflag:s11] =	ssyncset.done $0x0  }
0x1b: {  	[sflag:s11] =	ssyncadd.s32 $0xFFFFFF80  }
0x1c: {  	[spmem:s3] =	stream.indirect.scatter.add.f32 [tilespmem:s12], [sflag:$0x1], $0x80, s4, s12, $0xb8;
	[tilespmem:$0x18080] =	vst v63  }
0x1d: {  	_ =	swait.ge [sflag:s11], $0x4000  }
0x1e: {  	s15 =	simm.s32 $0x20;
	s14 =	simm.s32 $0x10;
	[sflag:s11] =	ssyncset.done $0x0  }
.LBB2_2:
0x1f: {  	s16 =	sadd.s32 s14, s9  }
0x20: {  	[sflag:s11] =	ssyncadd.s32 $0xFFFFC000;
	s14 =	smov.u32 s15;
	s17 =	sadd.s32 $0x10, s15  }
0x21: {  	[tilespmem:s4], [sflag:$0x1] =	stream.linear.gather [hbm4b:s16+s4], $0x80, $0x38;
	[tilespmem:$0x18080] =	vst v63  }
0x22: {  	p0 =	sne.s32 s15, $0x270;
	_ =	swait.ge [sflag:s11], $0x80  }
.Ltmp0:
0x23: {  	[sflag:s11] =	ssyncset.done $0x0;
	(pc) =	sbr.rel @p0 .LBB2_2-.Ltmp0, $4  }
0x24: {  	[sflag:s11] =	ssyncadd.s32 $0xFFFFFF80  }
0x25: {  	[spmem:s3] =	stream.indirect.scatter.add.f32 [tilespmem:s12], [sflag:$0x1], $0x80, s4, s12, $0xb8;
	[tilespmem:$0x18080] =	vst v63  }
0x26: {  	_ =	swait.ge [sflag:s11], $0x4000  }
0x27: {  	s15 =	smov.u32 s17;
	[sflag:s11] =	ssyncset.done $0x0  }
0x28: {  	s14 =	sadd.s32 s14, s9;
	[sflag:s11] =	ssyncadd.s32 $0xFFFFC000  }
0x29: {  	[tilespmem:s4], [sflag:$0x1] =	stream.linear.gather [hbm4b:s14+s4], $0x80, $0x38;
	[tilespmem:$0x18080] =	vst v63  }
0x2a: {  	_ =	swait.ge [sflag:s11], $0x80  }
0x2b: {  	[sflag:s11] =	ssyncset.done $0x0  }
0x2c: {  	[sflag:s11] =	ssyncadd.s32 $0xFFFFFF80  }
0x2d: {  	[spmem:s3] =	stream.indirect.scatter.add.f32 [tilespmem:s12], [sflag:$0x1], $0x80, s4, s12, $0xb8;
	[tilespmem:$0x18080] =	vst v63  }
0x2e: {  	_ =	swait.ge [sflag:s11], $0x4000  }
0x2f: {  	s13 =	sadd.s32 $0x1, s13;
	[sflag:s11] =	ssyncset.done $0x0  }
0x30: {  	p0 =	sne.s32 s13, s7;
	[sflag:s11] =	ssyncadd.s32 $0xFFFFC000  }
.Ltmp1:
0x31: {  	[bflag:$0x0] =	sbarrier.arrive $0xFFFF;
	(pc) =	sbr.rel @p0 .LBB2_1-.Ltmp1, $4  }
0x32: {  	[hbm:s8], [sflag:s6] =	dma.local [spmem:s10], $0x2800  }
0x33: {  	_ =	swait.ge [sflag:s11], $0x2800  }
0x34: {  	[sflag:s11] =	ssyncset.done $0x0  }
0x35: {  	[sflag:s11] =	ssyncadd.s32 $0xFFFFD800  }
0x36: {  	_ =	sfence.sel $0x180000  }
0x37: {  	[bflag:$0x0] =	sbarrier.arrive $0xFFFF  }
0x38: {  	p0 =	sne.s32 s1, $0x0;
	_ =	strace $0x90000047  }
0x39: {  	s0 =	sadd.s32 @!p0 $0x100000, s0;
	[bflag:$0x2] =	sbarrier.arrive $0xFFFF  }
0x3a: {  	[sflag:s0] =	ssyncadd.tile.s32 @!p0 $0x1;
	_ =	shalt  }
.Lfunc_end2:
_tile_overlayer_lowered:
.L_overlay_start_2:
0x3b: {  	(tag) =	ssettag $0x2  }
0x3c: {  	s0 =	rddreg [dreg:$0x0];
	s2 =	stileid.u32  }
0x3d: {  	s1 =	rddreg [dreg:$0x1];
	p0 =	sne.s32 s2, $0x0  }
0x3e: {  	s3 =	rddreg [dreg:$0x2];
	[bflag:$0x3] =	sbarrier.arrive $0xFFFF;
	s2 =	simm.s32 @!p0 $0x1C01  }
0x3f: {  	[timem:s3], [sflag:s2] =	dma.local @!p0 [hbm:s0], s1  }
0x40: {  	s0 =	simm.s32 @!p0 $0x1  }
0x41: {  	_ =	swait.ge @!p0 [sflag:s0], s1  }
0x42: {  	s1 =	ssub.s32 @!p0 $0x0, s1;
	[sflag:s0] =	ssyncset.done @!p0 $0x0  }
0x43: {  	[sflag:s0] =	ssyncadd.s32 @!p0 s1  }
0x44: {  	[bflag:$0x3] =	sbarrier.arrive $0xFFFF  }
0x45: {  	_ =	shalt  }

// kernel: kernel.16.cloned.1.call-start
scs
__scs_entry_jumppad:
0x0: {  	(pc) =	sbr.rel $0x88, $3  }
0x1: {  	(tag) =	ssettag $0x0;
	lr =	simm.s32 $0x1  }
0x2: {  	[smem:$0x3F83] =	sst lr;
	_ =	strace $0xD0000000  }
0x3: {  	_ = 	snop  }
0x4: {  	_ = 	snop  }
0x5: {  	_ = 	snop  }
0x6: {  	_ = 	snop  }
0x7: {  	_ = 	snop  }
__scs_overlays_trampoline_lowered:
0x8: {  	[smem:$0x3F92] =	sst s0  }
0x9: {  	[smem:$0x3F93] =	sst s1  }
0xa: {  	[smem:$0x3F94] =	sst s2  }
0xb: {  	[smem:$0x3F95] =	sst s3  }
0xc: {  	[smem:$0x3F96] =	sst s4  }
0xd: {  	[smem:$0x3F97] =	sst s5  }
0xe: {  	[smem:$0x3F98] =	sst s6  }
0xf: {  	[smem:$0x3F99] =	sst s7  }
0x10: {  	[smem:$0x3F9A] =	sst s8  }
0x11: {  	[smem:$0x3F9B] =	sst s9;
	s0 =	simm.s32 @!p0 $0x0  }
0x12: {  	s1 =	sld [smem:$0x3F81];
	s0 =	simm.s32 @p0 $0x1  }
0x13: {  	[smem:$0x3F9C] =	sst s0;
	s0 =	simm.s32 @!p1 $0x0  }
0x14: {  	s2 =	sld [smem:$0x3F80];
	s0 =	simm.s32 @p1 $0x1  }
0x15: {  	[smem:$0x3F9D] =	sst s0;
	s0 =	simm.s32 @!p2 $0x0  }
0x16: {  	s3 =	sld [smem:$0x3FDB];
	s0 =	simm.s32 @p2 $0x1  }
0x17: {  	s4 =	simm.s32 $0x1BF5;
	[smem:$0x3F9F] =	sst s0  }
0x18: {  	s0 =	sld [smem:$0x3F82];
	_ =	swait.ge [sflag:s4], $0x0  }
0x19: {  	s7 =	sld [smem:$0x3F83]  }
0x1a: {  	s8 =	sadd.s32 $0xFFFFE003, lr  }
0x1b: {  	s9 =	sadd.s32 $0xFFFFFEF7, lr;
	s5 =	simm.s32 $0xFFFFFFFF;
	p2 =	slt.u32 s8, $0xFFFFF086  }
0x1c: {  	p1 =	slt.u32 s9, $0xF7A;
	s5 =	simm.s32 @!p2 $0x0  }
0x1d: {  	s5 =	simm.s32 @p1 $0x1;
	p0 =	seq.s32 s7, s2  }
0x1e: {  	s7 =	smul.u32 @!p0 $0xF7A, s2;
	p2 =	seq.s32 @!p0 s5, $0x0  }
0x1f: {  	s9 =	smul.u32 $0xF7A, s1;
	s8 =	simm.s32 @!p0 $0x1BF5;
	p2 =	por !p2, p0  }
0x20: {  	[sflag:s8] =	ssyncset.s32 @!p0 $0xFFFFF086;
	s6 =	sadd.s32 @!p0 s3, s7;
	s7 =	simm.s32 @!p0 $0x108  }
0x21: {  	s3 =	sadd.s32 s3, s9;
	s6 =	sadd.s32 @!p0 $0x88, s6;
	s7 =	simm.s32 @p2 $0x1082  }
0x22: {  	[simem:s7], [sflag:s8] =	dma.local @!p0 [hbm:s6], $0xF7A  }
0x23: {  	s9 =	sor.u32 $0xD0000000, s2;
	s6 =	simm.s32 $0x108;
	_ =	swait.ge @!p0 [sflag:s8], $0x0  }
0x24: {  	s3 =	sadd.s32 $0x88, s3;
	s6 =	simm.s32 @!p1 $0x1082;
	[sflag:s4] =	ssyncset.s32 $0xFFFFF086  }
0x25: {  	[simem:s6], [sflag:s4] =	dma.local [hbm:s3], $0xF7A  }
0x26: {  	[smem:$0x3F83] =	sst s1;
	(tag) =	ssettag s2;
	_ =	strace s9  }
0x27: {  	s1 =	sld [smem:$0x3F93]  }
0x28: {  	s2 =	sld [smem:$0x3F94]  }
0x29: {  	s4 =	sld [smem:$0x3F96]  }
0x2a: {  	p0 =	seq.s32 s5, $0x0;
	s5 =	sld [smem:$0x3F97]  }
0x2b: {  	s6 =	sld [smem:$0x3F98]  }
0x2c: {  	s7 =	sld [smem:$0x3F99]  }
0x2d: {  	s3 =	simm.s32 $0x108;
	s8 =	sld [smem:$0x3F9A]  }
0x2e: {  	s3 =	simm.s32 @!p0 $0x1082;
	s9 =	sld [smem:$0x3F9B]  }
0x2f: {  	lr =	sadd.s32 s0, s3;
	s0 =	sld [smem:$0x3F92]  }
0x30: {  	s3 =	sld [smem:$0x3F95]  }
0x31: {  	[smem:$0x3F9E] =	sst s10  }
0x32: {  	s10 =	sld [smem:$0x3F9C];
	_ =	sdelay $0x3  }
0x33: {  	p0 =	seq.s32 s10, $0x1;
	s10 =	sld [smem:$0x3F9E];
	_ =	sdelay $0x3  }
0x34: {  	[smem:$0x3F9E] =	sst s10  }
0x35: {  	s10 =	sld [smem:$0x3F9D];
	_ =	sdelay $0x3  }
0x36: {  	p1 =	seq.s32 s10, $0x1;
	s10 =	sld [smem:$0x3F9E];
	_ =	sdelay $0x3  }
0x37: {  	[smem:$0x3F9E] =	sst s10  }
0x38: {  	s10 =	sld [smem:$0x3F9F]  }
0x39: {  	_ = 	snop;
	(pc) =	sbr.ind lr, $3  }
0x3a: {  	_ = 	snop  }
0x3b: {  	_ = 	snop  }
0x3c: {  	p2 =	seq.s32 s10, $0x1;
	s10 =	sld [smem:$0x3F9E]  }
0x3d: {  	_ =	shalt  }
0x3e: {  	_ =	shalt  }
0x3f: {  	_ =	shalt  }
0x40: {  	_ =	shalt  }
0x41: {  	_ =	shalt  }
0x42: {  	_ =	shalt  }
0x43: {  	_ =	shalt  }
0x44: {  	_ =	shalt  }
0x45: {  	_ =	shalt  }
0x46: {  	_ =	shalt  }
0x47: {  	_ =	shalt  }
0x48: {  	_ =	shalt  }
0x49: {  	_ =	shalt  }
0x4a: {  	_ =	shalt  }
0x4b: {  	_ =	shalt  }
0x4c: {  	_ =	shalt  }
0x4d: {  	_ =	shalt  }
0x4e: {  	_ =	shalt  }
0x4f: {  	_ =	shalt  }
0x50: {  	_ =	shalt  }
0x51: {  	_ =	shalt  }
0x52: {  	_ =	shalt  }
0x53: {  	_ =	shalt  }
0x54: {  	_ =	shalt  }
0x55: {  	_ =	shalt  }
0x56: {  	_ =	shalt  }
0x57: {  	_ =	shalt  }
0x58: {  	_ =	shalt  }
0x59: {  	_ =	shalt  }
0x5a: {  	_ =	shalt  }
0x5b: {  	_ =	shalt  }
0x5c: {  	_ =	shalt  }
0x5d: {  	_ =	shalt  }
0x5e: {  	_ =	shalt  }
0x5f: {  	_ =	shalt  }
0x60: {  	_ =	shalt  }
0x61: {  	_ =	shalt  }
0x62: {  	_ =	shalt  }
0x63: {  	_ =	shalt  }
0x64: {  	_ =	shalt  }
0x65: {  	_ =	shalt  }
0x66: {  	_ =	shalt  }
0x67: {  	_ =	shalt  }
0x68: {  	_ =	shalt  }
0x69: {  	_ =	shalt  }
0x6a: {  	_ =	shalt  }
0x6b: {  	_ =	shalt  }
0x6c: {  	_ =	shalt  }
0x6d: {  	_ =	shalt  }
0x6e: {  	_ =	shalt  }
0x6f: {  	_ =	shalt  }
0x70: {  	_ =	shalt  }
0x71: {  	_ =	shalt  }
0x72: {  	_ =	shalt  }
0x73: {  	_ =	shalt  }
0x74: {  	_ =	shalt  }
0x75: {  	_ =	shalt  }
0x76: {  	_ =	shalt  }
0x77: {  	_ =	shalt  }
0x78: {  	_ =	shalt  }
0x79: {  	_ =	shalt  }
0x7a: {  	_ =	shalt  }
0x7b: {  	_ =	shalt  }
0x7c: {  	_ =	shalt  }
0x7d: {  	_ =	shalt  }
0x7e: {  	_ =	shalt  }
0x7f: {  	_ =	shalt  }
0x80: {  	_ =	shalt  }
0x81: {  	_ =	shalt  }
0x82: {  	_ =	shalt  }
0x83: {  	_ =	shalt  }
0x84: {  	_ =	shalt  }
0x85: {  	_ =	shalt  }
0x86: {  	_ =	shalt  }
0x87: {  	_ =	shalt  }
.Lfunc_end0:
.L_simem_size_0:
called_computation.5_lowered:
.L_overlay_start_0:
0x88: {  	s2 =	sld [smem:$0x3FD9]  }
0x89: {  	s3 =	sld [smem:$0x3FFE];
	_ =	sdelay $0x1  }
0x8a: {  	s1 =	srdreg.scid  }
0x8b: {  	s0 =	sand.u32 $0x1, s1  }
0x8c: {  	s16 =	sshll.u32 s0, $0xA;
	s2 =	sadd.s32 s3, s2  }
0x8d: {  	s2 =	sadd.s32 s2, s16  }
0x8e: {  	[smem:$0x3FAA] =	sst s2  }
0x8f: {  	_ = 	snop  }
0x90: {  	(tm) =	ssettm $0x1  }
0x91: {  	s17 =	sld [smem:$0x3FFB];
	_ =	sdelay $0x3  }
0x92: {  	_ =	strace s17  }
0x93: {  	s2 =	sld [smem:$0x3FFC];
	_ =	sdelay $0x3  }
0x94: {  	_ =	strace s2  }
0x95: {  	s2 =	sld [smem:$0x3FFD];
	_ =	sdelay $0x3  }
0x96: {  	_ =	strace s2  }
0x97: {  	_ =	strace $0x8FFFFFFF  }
0x98: {  	s18 =	sld [smem:$0x3FDB];
	_ =	sdelay $0x1  }
0x99: {  	s19 =	simm.s32 $_scs_section_size  }
0x9a: {  	s4 =	simm.s32 $_size__tile_overlayer_lowered;
	s5 =	simm.s32 $_tile_overlayer_lowered  }
0x9b: {  	s22 =	simm.s32 $0x1BFF;
	s21 =	sshll.u32 s5, $0x1;
	s2 =	sadd.s32 s19, s18  }
0x9c: {  	s6 =	simm.s32 $0x0;
	s20 =	sshll.u32 s4, $0x1;
	s4 =	sadd.s32 s21, s2  }
0x9d: {  	[timem:s6], [sflag:s22] =	dma.local [hbm:s4], s20  }
0x9e: {  	_ =	swait.ge [sflag:s22], s20  }
0x9f: {  	s3 =	ssub.s32 $0x0, s20;
	[sflag:s22] =	ssyncset.done $0x0  }
0xa0: {  	[sflag:s22] =	ssyncadd.s32 s3;
	_ =	sdelay $0x1  }
0xa1: {  	s23 =	simm.s32 $0x1B8B  }
0xa2: {  	_ =	swait.ge [sflag:s23], $0x1  }
0xa3: {  	[sflag:s23] =	ssyncset.done $0x0  }
0xa4: {  	s25 =	simm.s32 $0x1B8E;
	s24 =	sld [smem:$0x3FFE];
	[sflag:s23] =	ssyncadd.s32 $0xFFFFFFFF  }
0xa5: {  	s26 =	simm.s32 $execute0_lowered;
	[smem:$0x3FD2] =	sst s25  }
0xa6: {  	s4 =	sshll.u32 s26, $0x1;
	_ =	strace $0x80000049;
	[dreg:$0x1] =	wrdreg $0xFFFFFFFF  }
0xa7: {  	s28 =	simm.s32 $_size_execute0_lowered;
	s2 =	sadd.s32 s2, s4;
	[dreg:$0x0] =	wrdreg $0x0  }
0xa8: {  	s4 =	sshll.u32 s28, $0x1;
	[dreg:$0x2] =	wrdreg s2  }
0xa9: {  	[dreg:$0x3] =	wrdreg s4  }
0xaa: {  	[dreg:$0x4] =	wrdreg $0xC0  }
0xab: {  	_ =	task [dreg:s6], $0x5FFFF  }
0xac: {  	[dreg:$0x1] =	wrdreg $0xFFFFFFFF  }
0xad: {  	[dreg:$0x0] =	wrdreg $0x60  }
0xae: {  	[dreg:$0x2] =	wrdreg s24  }
0xaf: {  	[dreg:$0x3] =	wrdreg $0x41000  }
0xb0: {  	[dreg:$0x4] =	wrdreg $0x9  }
0xb1: {  	_ =	task.clear_ibuf [dreg:s6], $0x5FFFF;
	_ =	strace $0x90000049  }
0xb2: {  	s29 =	simm.s32 $0x9;
	_ =	strace $0x8000004B  }
0xb3: {  	_ =	swait.ge [sflag:s29], $0x1  }
0xb4: {  	[sflag:s29] =	ssyncadd.s32 $0xFFFFFFFF  }
0xb5: {  	_ =	strace $0x9000004B  }
0xb6: {  	_ =	sfence  }
0xb7: {  	s30 =	sld [smem:$0x0];
	_ =	sdelay $0x2  }
0xb8: {  	s31 =	sshll.u32 s1, $0xD;
	s1 =	sshrl.u32 s1, $0x2  }
0xb9: {  	s3 =	sand.u32 $0x4000, s31;
	s1 =	sadd.s32 s1, s30  }
0xba: {  	s0 =	sor.u32 s3, s0;
	s1 =	sshll.u32 s1, $0x11  }
0xbb: {  	s0 =	sor.u32 s1, s0  }
0xbc: {  	s0 =	sadd.s32 $0x8F2B, s0  }
0xbd: {  	[sflag:s0] =	ssyncadd.remote.s32 $0x1  }
0xbe: {  	_ =	sfence.sel $0xFFFF  }
0xbf: {  	[dreg:$0x0] =	wrdreg $0xFFFFFFFF;
	(pc) =	sbr.abs _section_cstart, $3  }
0xc0: {  	[dreg:$0x1] =	wrdreg $0xFFFFFFFF  }
0xc1: {  	_ =	task.clear_ibuf [dreg:s6], $0x2FFFF;
	_ =	strace $0x9FFFFFFF  }
0xc2: {  	(tm) =	ssettm $0x7FFFFFFF  }
0xc3: {  	_ =	shalt  }
tec
execute0_lowered:
.L_overlay_start_1:
0x0: {  	(tag) =	ssettag $0x1  }
0x1: {  	s5 =	rddreg [dreg:$0x0]  }
0x2: {  	s2 =	rddreg [dreg:$0x1]  }
0x3: {  	s0 =	rddreg [dreg:$0x2]  }
0x4: {  	s3 =	simm.s32 $0x0;
	s1 =	stileid.u32;
	s7 =	srdreg.scid  }
0x5: {  	s16 =	simm.s32 $0x0;
	[smem:$0x7FF] =	sst s3;
	s6 =	smul.u32 $0x500, s1  }
0x6: {  	s4 =	sadd.s32 $0x3B200, s5;
	s8 =	sadd.s32 $0x62400, s5;
	s9 =	smul.u32 $0x2800, s1  }
0x7: {  	s7 =	sand.u32 $0x1, s7;
	s29 =	smul.u32 $0x50000, s1;
	s12 =	sadd.s32 $0xB7400, s5  }
0x8: {  	s14 =	sadd.s32 $0xDF400, s5;
	s31 =	sshll.u32 s1, $0x6;
	_ =	strace $0x8000004A  }
0x9: {  	s13 =	ssub.s32 $0x2, s7;
	p0 =	seq.s32 s7, $0x1;
	s10 =	sadd.s32 s6, s5  }
0xa: {  	s11 =	sadd.s32 s9, s5;
	s30 =	sshrl.u32 s13, $0x1;
	s6 =	sshrl.u32 s29, $0x2  }
0xb: {  	s4 =	smov.u32 @p0 s8;
	s12 =	smov.u32 @p0 s14;
	s14 =	simm.s32 $0x100  }
0xc: {  	s13 =	ssub.s32 s13, s30;
	s15 =	sadd.s32 s6, s2;
	s5 =	sadd.s32 $0x13200, s11  }
0xd: {  	s6 =	sor.u32 $0x1C02, s31;
	s8 =	sadd.s32 s12, s9;
	s9 =	sadd.s32 $0x9200, s10  }
0xe: {  	s10 =	sadd.s32 $0x8B200, s10;
	s12 =	simm.s32 $0x2;
	s7 =	smax.u32 s13, $0x1  }
0xf: {  	s11 =	sshrl.u32 s15, $0x3;
	s13 =	simm.s32 $0x80;
	s15 =	simm.s32 $0x1  }
.LBB2_1:
0x10: {  	[spmem:s11], [sflag:s6] =	dma.local [hbm:s5], $0x2800  }
0x11: {  	_ =	swait.ge [sflag:s12], $0x2800  }
0x12: {  	[sflag:s12] =	ssyncset.done $0x0  }
0x13: {  	[sflag:s12] =	ssyncadd.s32 $0xFFFFD800  }
0x14: {  	s17 =	sadd.s32 $0x0, s10;
	[bflag:$0x0] =	sbarrier.arrive $0xFFFF  }
0x15: {  	[tilespmem:s3], [sflag:$0x2] =	stream.linear.gather [hbm4b:s17+s3], $0x80, $0x38;
	[tilespmem:$0x18100] =	vst v63  }
0x16: {  	_ =	swait.ge [sflag:s12], $0x80  }
0x17: {  	[sflag:s12] =	ssyncset.done $0x0  }
0x18: {  	s31 =	sadd.s32 $0x0, s9;
	[sflag:s12] =	ssyncadd.s32 $0xFFFFFF80  }
0x19: {  	[tilespmem:s13], [sflag:$0x2] =	stream.linear.gather [hbm4b:s31+s3], $0x80, $0x38;
	[tilespmem:$0x18100] =	vst v63  }
0x1a: {  	_ =	swait.ge [sflag:s12], $0x80  }
0x1b: {  	[sflag:s12] =	ssyncset.done $0x0  }
0x1c: {  	[sflag:s12] =	ssyncadd.s32 $0xFFFFFF80  }
0x1d: {  	[tilespmem:s14], [sflag:$0x1] =	stream.indirect.gather [hbm4b:s4+s13], $0x80, s3, s13, $0xb8;
	[tilespmem:$0x18100] =	vst v63  }
0x1e: {  	_ =	swait.ge [sflag:s15], $0x4000  }
0x1f: {  	[sflag:s15] =	ssyncset.done $0x0  }
0x20: {  	[sflag:s15] =	ssyncadd.s32 $0xFFFFC000  }
0x21: {  	[spmem:s2] =	stream.indirect.scatter.add.f32 [tilespmem:s14], [sflag:$0x2], $0x80, s13, s13, $0xb8;
	[tilespmem:$0x18100] =	vst v63  }
0x22: {  	_ =	swait.ge [sflag:s12], $0x4000  }
0x23: {  	s18 =	simm.s32 $0x20;
	s17 =	simm.s32 $0x10;
	[sflag:s12] =	ssyncset.done $0x0  }
.LBB2_2:
0x24: {  	s19 =	sadd.s32 s17, s10  }
0x25: {  	[sflag:s12] =	ssyncadd.s32 $0xFFFFC000;
	s20 =	smov.u32 s18;
	s21 =	sadd.s32 $0x10, s18  }
0x26: {  	[tilespmem:s3], [sflag:$0x2] =	stream.linear.gather [hbm4b:s19+s3], $0x80, $0x38;
	[tilespmem:$0x18100] =	vst v63  }
0x27: {  	p0 =	sne.s32 s18, $0x4F0;
	_ =	swait.ge [sflag:s12], $0x80  }
0x28: {  	[sflag:s12] =	ssyncset.done $0x0  }
0x29: {  	s18 =	sadd.s32 s17, s9;
	s17 =	smov.u32 s20;
	[sflag:s12] =	ssyncadd.s32 $0xFFFFFF80  }
0x2a: {  	[tilespmem:s13], [sflag:$0x2] =	stream.linear.gather [hbm4b:s18+s3], $0x80, $0x38;
	[tilespmem:$0x18100] =	vst v63  }
0x2b: {  	_ =	swait.ge [sflag:s12], $0x80  }
0x2c: {  	[sflag:s12] =	ssyncset.done $0x0  }
0x2d: {  	[sflag:s12] =	ssyncadd.s32 $0xFFFFFF80  }
0x2e: {  	[tilespmem:s14], [sflag:$0x1] =	stream.indirect.gather [hbm4b:s4+s13], $0x80, s3, s13, $0xb8;
	[tilespmem:$0x18100] =	vst v63  }
0x2f: {  	_ =	swait.ge [sflag:s15], $0x4000  }
.Ltmp0:
0x30: {  	[sflag:s15] =	ssyncset.done $0x0;
	(pc) =	sbr.rel @p0 .LBB2_2-.Ltmp0, $4  }
0x31: {  	[sflag:s15] =	ssyncadd.s32 $0xFFFFC000  }
0x32: {  	[spmem:s2] =	stream.indirect.scatter.add.f32 [tilespmem:s14], [sflag:$0x2], $0x80, s13, s13, $0xb8;
	[tilespmem:$0x18100] =	vst v63  }
0x33: {  	_ =	swait.ge [sflag:s12], $0x4000  }
0x34: {  	s18 =	smov.u32 s21;
	[sflag:s12] =	ssyncset.done $0x0  }
0x35: {  	s18 =	sadd.s32 s17, s10;
	[sflag:s12] =	ssyncadd.s32 $0xFFFFC000  }
0x36: {  	[tilespmem:s3], [sflag:$0x2] =	stream.linear.gather [hbm4b:s18+s3], $0x80, $0x38;
	[tilespmem:$0x18100] =	vst v63  }
0x37: {  	_ =	swait.ge [sflag:s12], $0x80  }
0x38: {  	[sflag:s12] =	ssyncset.done $0x0  }
0x39: {  	s31 =	sadd.s32 s17, s9;
	[sflag:s12] =	ssyncadd.s32 $0xFFFFFF80  }
0x3a: {  	[tilespmem:s13], [sflag:$0x2] =	stream.linear.gather [hbm4b:s31+s3], $0x80, $0x38;
	[tilespmem:$0x18100] =	vst v63  }
0x3b: {  	_ =	swait.ge [sflag:s12], $0x80  }
0x3c: {  	[sflag:s12] =	ssyncset.done $0x0  }
0x3d: {  	[sflag:s12] =	ssyncadd.s32 $0xFFFFFF80  }
0x3e: {  	[tilespmem:s14], [sflag:$0x1] =	stream.indirect.gather [hbm4b:s4+s13], $0x80, s3, s13, $0xb8;
	[tilespmem:$0x18100] =	vst v63  }
0x3f: {  	_ =	swait.ge [sflag:s15], $0x4000  }
0x40: {  	[sflag:s15] =	ssyncset.done $0x0  }
0x41: {  	[sflag:s15] =	ssyncadd.s32 $0xFFFFC000  }
0x42: {  	[spmem:s2] =	stream.indirect.scatter.add.f32 [tilespmem:s14], [sflag:$0x2], $0x80, s13, s13, $0xb8;
	[tilespmem:$0x18100] =	vst v63  }
0x43: {  	_ =	swait.ge [sflag:s12], $0x4000  }
0x44: {  	s16 =	sadd.s32 $0x1, s16;
	[sflag:s12] =	ssyncset.done $0x0  }
0x45: {  	p0 =	sne.s32 s16, s7;
	[sflag:s12] =	ssyncadd.s32 $0xFFFFC000  }
.Ltmp1:
0x46: {  	[bflag:$0x0] =	sbarrier.arrive $0xFFFF;
	(pc) =	sbr.rel @p0 .LBB2_1-.Ltmp1, $4  }
0x47: {  	[hbm:s8], [sflag:s6] =	dma.local [spmem:s11], $0x2800  }
0x48: {  	_ =	swait.ge [sflag:s12], $0x2800  }
0x49: {  	[sflag:s12] =	ssyncset.done $0x0  }
0x4a: {  	[sflag:s12] =	ssyncadd.s32 $0xFFFFD800  }
0x4b: {  	_ =	sfence.sel $0x180000  }
0x4c: {  	[bflag:$0x0] =	sbarrier.arrive $0xFFFF  }
0x4d: {  	p0 =	sne.s32 s1, $0x0;
	_ =	strace $0x9000004A  }
0x4e: {  	s0 =	sadd.s32 @!p0 $0x100000, s0;
	[bflag:$0x2] =	sbarrier.arrive $0xFFFF  }
0x4f: {  	[sflag:s0] =	ssyncadd.tile.s32 @!p0 $0x1;
	_ =	shalt  }
.Lfunc_end2:
_tile_overlayer_lowered:
.L_overlay_start_2:
0x50: {  	(tag) =	ssettag $0x2  }
0x51: {  	s0 =	rddreg [dreg:$0x0];
	s2 =	stileid.u32  }
0x52: {  	s1 =	rddreg [dreg:$0x1];
	p0 =	sne.s32 s2, $0x0  }
0x53: {  	s3 =	rddreg [dreg:$0x2];
	[bflag:$0x3] =	sbarrier.arrive $0xFFFF;
	s2 =	simm.s32 @!p0 $0x1C02  }
0x54: {  	[timem:s3], [sflag:s2] =	dma.local @!p0 [hbm:s0], s1  }
0x55: {  	s0 =	simm.s32 @!p0 $0x2  }
0x56: {  	_ =	swait.ge @!p0 [sflag:s0], s1  }
0x57: {  	s1 =	ssub.s32 @!p0 $0x0, s1;
	[sflag:s0] =	ssyncset.done @!p0 $0x0  }
0x58: {  	[sflag:s0] =	ssyncadd.s32 @!p0 s1  }
0x59: {  	[bflag:$0x3] =	sbarrier.arrive $0xFFFF  }
0x5a: {  	_ =	shalt  }

// kernel: kernel.19.cloned.1.call-start
scs
__scs_entry_jumppad:
0x0: {  	(pc) =	sbr.rel $0x88, $3  }
0x1: {  	(tag) =	ssettag $0x0;
	lr =	simm.s32 $0x1  }
0x2: {  	[smem:$0x3F83] =	sst lr;
	_ =	strace $0xD0000000  }
0x3: {  	_ = 	snop  }
0x4: {  	_ = 	snop  }
0x5: {  	_ = 	snop  }
0x6: {  	_ = 	snop  }
0x7: {  	_ = 	snop  }
__scs_overlays_trampoline_lowered:
0x8: {  	[smem:$0x3F92] =	sst s0  }
0x9: {  	[smem:$0x3F93] =	sst s1  }
0xa: {  	[smem:$0x3F94] =	sst s2  }
0xb: {  	[smem:$0x3F95] =	sst s3  }
0xc: {  	[smem:$0x3F96] =	sst s4  }
0xd: {  	[smem:$0x3F97] =	sst s5  }
0xe: {  	[smem:$0x3F98] =	sst s6  }
0xf: {  	[smem:$0x3F99] =	sst s7  }
0x10: {  	[smem:$0x3F9A] =	sst s8  }
0x11: {  	[smem:$0x3F9B] =	sst s9;
	s0 =	simm.s32 @!p0 $0x0  }
0x12: {  	s1 =	sld [smem:$0x3F81];
	s0 =	simm.s32 @p0 $0x1  }
0x13: {  	[smem:$0x3F9C] =	sst s0;
	s0 =	simm.s32 @!p1 $0x0  }
0x14: {  	s2 =	sld [smem:$0x3F80];
	s0 =	simm.s32 @p1 $0x1  }
0x15: {  	[smem:$0x3F9D] =	sst s0;
	s0 =	simm.s32 @!p2 $0x0  }
0x16: {  	s3 =	sld [smem:$0x3FDB];
	s0 =	simm.s32 @p2 $0x1  }
0x17: {  	s4 =	simm.s32 $0x1BF5;
	[smem:$0x3F9F] =	sst s0  }
0x18: {  	s0 =	sld [smem:$0x3F82];
	_ =	swait.ge [sflag:s4], $0x0  }
0x19: {  	s7 =	sld [smem:$0x3F83]  }
0x1a: {  	s8 =	sadd.s32 $0xFFFFE003, lr  }
0x1b: {  	s9 =	sadd.s32 $0xFFFFFEF7, lr;
	s5 =	simm.s32 $0xFFFFFFFF;
	p2 =	slt.u32 s8, $0xFFFFF086  }
0x1c: {  	p1 =	slt.u32 s9, $0xF7A;
	s5 =	simm.s32 @!p2 $0x0  }
0x1d: {  	s5 =	simm.s32 @p1 $0x1;
	p0 =	seq.s32 s7, s2  }
0x1e: {  	s7 =	smul.u32 @!p0 $0xF7A, s2;
	p2 =	seq.s32 @!p0 s5, $0x0  }
0x1f: {  	s9 =	smul.u32 $0xF7A, s1;
	s8 =	simm.s32 @!p0 $0x1BF5;
	p2 =	por !p2, p0  }
0x20: {  	[sflag:s8] =	ssyncset.s32 @!p0 $0xFFFFF086;
	s6 =	sadd.s32 @!p0 s3, s7;
	s7 =	simm.s32 @!p0 $0x108  }
0x21: {  	s3 =	sadd.s32 s3, s9;
	s6 =	sadd.s32 @!p0 $0x88, s6;
	s7 =	simm.s32 @p2 $0x1082  }
0x22: {  	[simem:s7], [sflag:s8] =	dma.local @!p0 [hbm:s6], $0xF7A  }
0x23: {  	s9 =	sor.u32 $0xD0000000, s2;
	s6 =	simm.s32 $0x108;
	_ =	swait.ge @!p0 [sflag:s8], $0x0  }
0x24: {  	s3 =	sadd.s32 $0x88, s3;
	s6 =	simm.s32 @!p1 $0x1082;
	[sflag:s4] =	ssyncset.s32 $0xFFFFF086  }
0x25: {  	[simem:s6], [sflag:s4] =	dma.local [hbm:s3], $0xF7A  }
0x26: {  	[smem:$0x3F83] =	sst s1;
	(tag) =	ssettag s2;
	_ =	strace s9  }
0x27: {  	s1 =	sld [smem:$0x3F93]  }
0x28: {  	s2 =	sld [smem:$0x3F94]  }
0x29: {  	s4 =	sld [smem:$0x3F96]  }
0x2a: {  	p0 =	seq.s32 s5, $0x0;
	s5 =	sld [smem:$0x3F97]  }
0x2b: {  	s6 =	sld [smem:$0x3F98]  }
0x2c: {  	s7 =	sld [smem:$0x3F99]  }
0x2d: {  	s3 =	simm.s32 $0x108;
	s8 =	sld [smem:$0x3F9A]  }
0x2e: {  	s3 =	simm.s32 @!p0 $0x1082;
	s9 =	sld [smem:$0x3F9B]  }
0x2f: {  	lr =	sadd.s32 s0, s3;
	s0 =	sld [smem:$0x3F92]  }
0x30: {  	s3 =	sld [smem:$0x3F95]  }
0x31: {  	[smem:$0x3F9E] =	sst s10  }
0x32: {  	s10 =	sld [smem:$0x3F9C];
	_ =	sdelay $0x3  }
0x33: {  	p0 =	seq.s32 s10, $0x1;
	s10 =	sld [smem:$0x3F9E];
	_ =	sdelay $0x3  }
0x34: {  	[smem:$0x3F9E] =	sst s10  }
0x35: {  	s10 =	sld [smem:$0x3F9D];
	_ =	sdelay $0x3  }
0x36: {  	p1 =	seq.s32 s10, $0x1;
	s10 =	sld [smem:$0x3F9E];
	_ =	sdelay $0x3  }
0x37: {  	[smem:$0x3F9E] =	sst s10  }
0x38: {  	s10 =	sld [smem:$0x3F9F]  }
0x39: {  	_ = 	snop;
	(pc) =	sbr.ind lr, $3  }
0x3a: {  	_ = 	snop  }
0x3b: {  	_ = 	snop  }
0x3c: {  	p2 =	seq.s32 s10, $0x1;
	s10 =	sld [smem:$0x3F9E]  }
0x3d: {  	_ =	shalt  }
0x3e: {  	_ =	shalt  }
0x3f: {  	_ =	shalt  }
0x40: {  	_ =	shalt  }
0x41: {  	_ =	shalt  }
0x42: {  	_ =	shalt  }
0x43: {  	_ =	shalt  }
0x44: {  	_ =	shalt  }
0x45: {  	_ =	shalt  }
0x46: {  	_ =	shalt  }
0x47: {  	_ =	shalt  }
0x48: {  	_ =	shalt  }
0x49: {  	_ =	shalt  }
0x4a: {  	_ =	shalt  }
0x4b: {  	_ =	shalt  }
0x4c: {  	_ =	shalt  }
0x4d: {  	_ =	shalt  }
0x4e: {  	_ =	shalt  }
0x4f: {  	_ =	shalt  }
0x50: {  	_ =	shalt  }
0x51: {  	_ =	shalt  }
0x52: {  	_ =	shalt  }
0x53: {  	_ =	shalt  }
0x54: {  	_ =	shalt  }
0x55: {  	_ =	shalt  }
0x56: {  	_ =	shalt  }
0x57: {  	_ =	shalt  }
0x58: {  	_ =	shalt  }
0x59: {  	_ =	shalt  }
0x5a: {  	_ =	shalt  }
0x5b: {  	_ =	shalt  }
0x5c: {  	_ =	shalt  }
0x5d: {  	_ =	shalt  }
0x5e: {  	_ =	shalt  }
0x5f: {  	_ =	shalt  }
0x60: {  	_ =	shalt  }
0x61: {  	_ =	shalt  }
0x62: {  	_ =	shalt  }
0x63: {  	_ =	shalt  }
0x64: {  	_ =	shalt  }
0x65: {  	_ =	shalt  }
0x66: {  	_ =	shalt  }
0x67: {  	_ =	shalt  }
0x68: {  	_ =	shalt  }
0x69: {  	_ =	shalt  }
0x6a: {  	_ =	shalt  }
0x6b: {  	_ =	shalt  }
0x6c: {  	_ =	shalt  }
0x6d: {  	_ =	shalt  }
0x6e: {  	_ =	shalt  }
0x6f: {  	_ =	shalt  }
0x70: {  	_ =	shalt  }
0x71: {  	_ =	shalt  }
0x72: {  	_ =	shalt  }
0x73: {  	_ =	shalt  }
0x74: {  	_ =	shalt  }
0x75: {  	_ =	shalt  }
0x76: {  	_ =	shalt  }
0x77: {  	_ =	shalt  }
0x78: {  	_ =	shalt  }
0x79: {  	_ =	shalt  }
0x7a: {  	_ =	shalt  }
0x7b: {  	_ =	shalt  }
0x7c: {  	_ =	shalt  }
0x7d: {  	_ =	shalt  }
0x7e: {  	_ =	shalt  }
0x7f: {  	_ =	shalt  }
0x80: {  	_ =	shalt  }
0x81: {  	_ =	shalt  }
0x82: {  	_ =	shalt  }
0x83: {  	_ =	shalt  }
0x84: {  	_ =	shalt  }
0x85: {  	_ =	shalt  }
0x86: {  	_ =	shalt  }
0x87: {  	_ =	shalt  }
.Lfunc_end0:
.L_simem_size_0:
called_computation.6_lowered:
.L_overlay_start_0:
0x88: {  	s2 =	sld [smem:$0x3FD9]  }
0x89: {  	s3 =	sld [smem:$0x3FFE];
	_ =	sdelay $0x1  }
0x8a: {  	s1 =	srdreg.scid  }
0x8b: {  	s0 =	sand.u32 $0x1, s1  }
0x8c: {  	s16 =	sshll.u32 s0, $0xA;
	s2 =	sadd.s32 s3, s2  }
0x8d: {  	s2 =	sadd.s32 s2, s16  }
0x8e: {  	[smem:$0x3FAA] =	sst s2  }
0x8f: {  	_ = 	snop  }
0x90: {  	(tm) =	ssettm $0x1  }
0x91: {  	s17 =	sld [smem:$0x3FFB];
	_ =	sdelay $0x3  }
0x92: {  	_ =	strace s17  }
0x93: {  	s2 =	sld [smem:$0x3FFC];
	_ =	sdelay $0x3  }
0x94: {  	_ =	strace s2  }
0x95: {  	s2 =	sld [smem:$0x3FFD];
	_ =	sdelay $0x3  }
0x96: {  	_ =	strace s2  }
0x97: {  	_ =	strace $0x8FFFFFFF  }
0x98: {  	s18 =	sld [smem:$0x3FDB];
	_ =	sdelay $0x1  }
0x99: {  	s19 =	simm.s32 $_scs_section_size  }
0x9a: {  	s4 =	simm.s32 $_size__tile_overlayer_lowered;
	s5 =	simm.s32 $_tile_overlayer_lowered  }
0x9b: {  	s22 =	simm.s32 $0x1BFF;
	s21 =	sshll.u32 s5, $0x1;
	s2 =	sadd.s32 s19, s18  }
0x9c: {  	s6 =	simm.s32 $0x0;
	s20 =	sshll.u32 s4, $0x1;
	s4 =	sadd.s32 s21, s2  }
0x9d: {  	[timem:s6], [sflag:s22] =	dma.local [hbm:s4], s20  }
0x9e: {  	_ =	swait.ge [sflag:s22], s20  }
0x9f: {  	s3 =	ssub.s32 $0x0, s20;
	[sflag:s22] =	ssyncset.done $0x0  }
0xa0: {  	[sflag:s22] =	ssyncadd.s32 s3;
	_ =	sdelay $0x1  }
0xa1: {  	s23 =	simm.s32 $0x1B8B  }
0xa2: {  	_ =	swait.ge [sflag:s23], $0x1  }
0xa3: {  	[sflag:s23] =	ssyncset.done $0x0  }
0xa4: {  	s25 =	simm.s32 $0x1B8E;
	s24 =	sld [smem:$0x3FFE];
	[sflag:s23] =	ssyncadd.s32 $0xFFFFFFFF  }
0xa5: {  	s26 =	simm.s32 $execute0_lowered;
	[smem:$0x3FD2] =	sst s25  }
0xa6: {  	s4 =	sshll.u32 s26, $0x1;
	_ =	strace $0x8000004C;
	[dreg:$0x1] =	wrdreg $0xFFFFFFFF  }
0xa7: {  	s28 =	simm.s32 $_size_execute0_lowered;
	s2 =	sadd.s32 s2, s4;
	[dreg:$0x0] =	wrdreg $0x0  }
0xa8: {  	s4 =	sshll.u32 s28, $0x1;
	[dreg:$0x2] =	wrdreg s2  }
0xa9: {  	[dreg:$0x3] =	wrdreg s4  }
0xaa: {  	[dreg:$0x4] =	wrdreg $0xC0  }
0xab: {  	_ =	task [dreg:s6], $0x5FFFF  }
0xac: {  	[dreg:$0x1] =	wrdreg $0xFFFFFFFF  }
0xad: {  	[dreg:$0x0] =	wrdreg $0x60  }
0xae: {  	[dreg:$0x2] =	wrdreg s24  }
0xaf: {  	[dreg:$0x3] =	wrdreg $0x41000  }
0xb0: {  	[dreg:$0x4] =	wrdreg $0x9  }
0xb1: {  	_ =	task.clear_ibuf [dreg:s6], $0x5FFFF;
	_ =	strace $0x9000004C  }
0xb2: {  	s29 =	simm.s32 $0x9;
	_ =	strace $0x8000004E  }
0xb3: {  	_ =	swait.ge [sflag:s29], $0x1  }
0xb4: {  	[sflag:s29] =	ssyncadd.s32 $0xFFFFFFFF  }
0xb5: {  	_ =	strace $0x9000004E  }
0xb6: {  	_ =	sfence  }
0xb7: {  	s30 =	sld [smem:$0x0];
	_ =	sdelay $0x2  }
0xb8: {  	s31 =	sshll.u32 s1, $0xD;
	s1 =	sshrl.u32 s1, $0x2  }
0xb9: {  	s3 =	sand.u32 $0x4000, s31;
	s1 =	sadd.s32 s1, s30  }
0xba: {  	s0 =	sor.u32 s3, s0;
	s1 =	sshll.u32 s1, $0x11  }
0xbb: {  	s0 =	sor.u32 s1, s0  }
0xbc: {  	s0 =	sadd.s32 $0x8F2B, s0  }
0xbd: {  	[sflag:s0] =	ssyncadd.remote.s32 $0x1  }
0xbe: {  	_ =	sfence.sel $0xFFFF  }
0xbf: {  	[dreg:$0x0] =	wrdreg $0xFFFFFFFF;
	(pc) =	sbr.abs _section_cstart, $3  }
0xc0: {  	[dreg:$0x1] =	wrdreg $0xFFFFFFFF  }
0xc1: {  	_ =	task.clear_ibuf [dreg:s6], $0x2FFFF;
	_ =	strace $0x9FFFFFFF  }
0xc2: {  	(tm) =	ssettm $0x7FFFFFFF  }
0xc3: {  	_ =	shalt  }
tec
execute0_lowered:
.L_overlay_start_1:
0x0: {  	(tag) =	ssettag $0x1  }
0x1: {  	s5 =	rddreg [dreg:$0x0]  }
0x2: {  	s2 =	rddreg [dreg:$0x1]  }
0x3: {  	s0 =	rddreg [dreg:$0x2]  }
0x4: {  	s3 =	simm.s32 $0x0;
	s1 =	stileid.u32;
	s7 =	srdreg.scid  }
0x5: {  	s16 =	simm.s32 $0x0;
	[smem:$0x7FF] =	sst s3;
	s6 =	smul.u32 $0x500, s1  }
0x6: {  	s4 =	sadd.s32 $0x3B200, s5;
	s8 =	sadd.s32 $0x62400, s5;
	s9 =	smul.u32 $0x2800, s1  }
0x7: {  	s7 =	sand.u32 $0x1, s7;
	s29 =	smul.u32 $0x50000, s1;
	s12 =	sadd.s32 $0xB7400, s5  }
0x8: {  	s14 =	sadd.s32 $0xDF400, s5;
	s31 =	sshll.u32 s1, $0x6;
	_ =	strace $0x8000004D  }
0x9: {  	s13 =	ssub.s32 $0x2, s7;
	p0 =	seq.s32 s7, $0x1;
	s10 =	sadd.s32 s6, s5  }
0xa: {  	s11 =	sadd.s32 s9, s5;
	s30 =	sshrl.u32 s13, $0x1;
	s6 =	sshrl.u32 s29, $0x2  }
0xb: {  	s4 =	smov.u32 @p0 s8;
	s12 =	smov.u32 @p0 s14;
	s14 =	simm.s32 $0x100  }
0xc: {  	s13 =	ssub.s32 s13, s30;
	s15 =	sadd.s32 s6, s2;
	s5 =	sadd.s32 $0x13200, s11  }
0xd: {  	s6 =	sor.u32 $0x1C02, s31;
	s8 =	sadd.s32 s12, s9;
	s9 =	sadd.s32 $0x9200, s10  }
0xe: {  	s10 =	sadd.s32 $0x8B200, s10;
	s12 =	simm.s32 $0x2;
	s7 =	smax.u32 s13, $0x1  }
0xf: {  	s11 =	sshrl.u32 s15, $0x3;
	s13 =	simm.s32 $0x80;
	s15 =	simm.s32 $0x1  }
.LBB2_1:
0x10: {  	[spmem:s11], [sflag:s6] =	dma.local [hbm:s5], $0x2800  }
0x11: {  	_ =	swait.ge [sflag:s12], $0x2800  }
0x12: {  	[sflag:s12] =	ssyncset.done $0x0  }
0x13: {  	[sflag:s12] =	ssyncadd.s32 $0xFFFFD800  }
0x14: {  	s17 =	sadd.s32 $0x0, s10;
	[bflag:$0x0] =	sbarrier.arrive $0xFFFF  }
0x15: {  	[tilespmem:s3], [sflag:$0x2] =	stream.linear.gather [hbm4b:s17+s3], $0x80, $0x38;
	[tilespmem:$0x18100] =	vst v63  }
0x16: {  	_ =	swait.ge [sflag:s12], $0x80  }
0x17: {  	[sflag:s12] =	ssyncset.done $0x0  }
0x18: {  	s31 =	sadd.s32 $0x0, s9;
	[sflag:s12] =	ssyncadd.s32 $0xFFFFFF80  }
0x19: {  	[tilespmem:s13], [sflag:$0x2] =	stream.linear.gather [hbm4b:s31+s3], $0x80, $0x38;
	[tilespmem:$0x18100] =	vst v63  }
0x1a: {  	_ =	swait.ge [sflag:s12], $0x80  }
0x1b: {  	[sflag:s12] =	ssyncset.done $0x0  }
0x1c: {  	[sflag:s12] =	ssyncadd.s32 $0xFFFFFF80  }
0x1d: {  	[tilespmem:s14], [sflag:$0x1] =	stream.indirect.gather [hbm4b:s4+s13], $0x80, s3, s13, $0xb8;
	[tilespmem:$0x18100] =	vst v63  }
0x1e: {  	_ =	swait.ge [sflag:s15], $0x4000  }
0x1f: {  	[sflag:s15] =	ssyncset.done $0x0  }
0x20: {  	[sflag:s15] =	ssyncadd.s32 $0xFFFFC000  }
0x21: {  	[spmem:s2] =	stream.indirect.scatter.add.f32 [tilespmem:s14], [sflag:$0x2], $0x80, s13, s13, $0xb8;
	[tilespmem:$0x18100] =	vst v63  }
0x22: {  	_ =	swait.ge [sflag:s12], $0x4000  }
0x23: {  	s18 =	simm.s32 $0x20;
	s17 =	simm.s32 $0x10;
	[sflag:s12] =	ssyncset.done $0x0  }
.LBB2_2:
0x24: {  	s19 =	sadd.s32 s17, s10  }
0x25: {  	[sflag:s12] =	ssyncadd.s32 $0xFFFFC000;
	s20 =	smov.u32 s18;
	s21 =	sadd.s32 $0x10, s18  }
0x26: {  	[tilespmem:s3], [sflag:$0x2] =	stream.linear.gather [hbm4b:s19+s3], $0x80, $0x38;
	[tilespmem:$0x18100] =	vst v63  }
0x27: {  	p0 =	sne.s32 s18, $0x4F0;
	_ =	swait.ge [sflag:s12], $0x80  }
0x28: {  	[sflag:s12] =	ssyncset.done $0x0  }
0x29: {  	s18 =	sadd.s32 s17, s9;
	s17 =	smov.u32 s20;
	[sflag:s12] =	ssyncadd.s32 $0xFFFFFF80  }
0x2a: {  	[tilespmem:s13], [sflag:$0x2] =	stream.linear.gather [hbm4b:s18+s3], $0x80, $0x38;
	[tilespmem:$0x18100] =	vst v63  }
0x2b: {  	_ =	swait.ge [sflag:s12], $0x80  }
0x2c: {  	[sflag:s12] =	ssyncset.done $0x0  }
0x2d: {  	[sflag:s12] =	ssyncadd.s32 $0xFFFFFF80  }
0x2e: {  	[tilespmem:s14], [sflag:$0x1] =	stream.indirect.gather [hbm4b:s4+s13], $0x80, s3, s13, $0xb8;
	[tilespmem:$0x18100] =	vst v63  }
0x2f: {  	_ =	swait.ge [sflag:s15], $0x4000  }
.Ltmp0:
0x30: {  	[sflag:s15] =	ssyncset.done $0x0;
	(pc) =	sbr.rel @p0 .LBB2_2-.Ltmp0, $4  }
0x31: {  	[sflag:s15] =	ssyncadd.s32 $0xFFFFC000  }
0x32: {  	[spmem:s2] =	stream.indirect.scatter.add.f32 [tilespmem:s14], [sflag:$0x2], $0x80, s13, s13, $0xb8;
	[tilespmem:$0x18100] =	vst v63  }
0x33: {  	_ =	swait.ge [sflag:s12], $0x4000  }
0x34: {  	s18 =	smov.u32 s21;
	[sflag:s12] =	ssyncset.done $0x0  }
0x35: {  	s18 =	sadd.s32 s17, s10;
	[sflag:s12] =	ssyncadd.s32 $0xFFFFC000  }
0x36: {  	[tilespmem:s3], [sflag:$0x2] =	stream.linear.gather [hbm4b:s18+s3], $0x80, $0x38;
	[tilespmem:$0x18100] =	vst v63  }
0x37: {  	_ =	swait.ge [sflag:s12], $0x80  }
0x38: {  	[sflag:s12] =	ssyncset.done $0x0  }
0x39: {  	s31 =	sadd.s32 s17, s9;
	[sflag:s12] =	ssyncadd.s32 $0xFFFFFF80  }
0x3a: {  	[tilespmem:s13], [sflag:$0x2] =	stream.linear.gather [hbm4b:s31+s3], $0x80, $0x38;
	[tilespmem:$0x18100] =	vst v63  }
0x3b: {  	_ =	swait.ge [sflag:s12], $0x80  }
0x3c: {  	[sflag:s12] =	ssyncset.done $0x0  }
0x3d: {  	[sflag:s12] =	ssyncadd.s32 $0xFFFFFF80  }
0x3e: {  	[tilespmem:s14], [sflag:$0x1] =	stream.indirect.gather [hbm4b:s4+s13], $0x80, s3, s13, $0xb8;
	[tilespmem:$0x18100] =	vst v63  }
0x3f: {  	_ =	swait.ge [sflag:s15], $0x4000  }
0x40: {  	[sflag:s15] =	ssyncset.done $0x0  }
0x41: {  	[sflag:s15] =	ssyncadd.s32 $0xFFFFC000  }
0x42: {  	[spmem:s2] =	stream.indirect.scatter.add.f32 [tilespmem:s14], [sflag:$0x2], $0x80, s13, s13, $0xb8;
	[tilespmem:$0x18100] =	vst v63  }
0x43: {  	_ =	swait.ge [sflag:s12], $0x4000  }
0x44: {  	s16 =	sadd.s32 $0x1, s16;
	[sflag:s12] =	ssyncset.done $0x0  }
0x45: {  	p0 =	sne.s32 s16, s7;
	[sflag:s12] =	ssyncadd.s32 $0xFFFFC000  }
.Ltmp1:
0x46: {  	[bflag:$0x0] =	sbarrier.arrive $0xFFFF;
	(pc) =	sbr.rel @p0 .LBB2_1-.Ltmp1, $4  }
0x47: {  	[hbm:s8], [sflag:s6] =	dma.local [spmem:s11], $0x2800  }
0x48: {  	_ =	swait.ge [sflag:s12], $0x2800  }
0x49: {  	[sflag:s12] =	ssyncset.done $0x0  }
0x4a: {  	[sflag:s12] =	ssyncadd.s32 $0xFFFFD800  }
0x4b: {  	_ =	sfence.sel $0x180000  }
0x4c: {  	[bflag:$0x0] =	sbarrier.arrive $0xFFFF  }
0x4d: {  	p0 =	sne.s32 s1, $0x0;
	_ =	strace $0x9000004D  }
0x4e: {  	s0 =	sadd.s32 @!p0 $0x100000, s0;
	[bflag:$0x2] =	sbarrier.arrive $0xFFFF  }
0x4f: {  	[sflag:s0] =	ssyncadd.tile.s32 @!p0 $0x1;
	_ =	shalt  }
.Lfunc_end2:
_tile_overlayer_lowered:
.L_overlay_start_2:
0x50: {  	(tag) =	ssettag $0x2  }
0x51: {  	s0 =	rddreg [dreg:$0x0];
	s2 =	stileid.u32  }
0x52: {  	s1 =	rddreg [dreg:$0x1];
	p0 =	sne.s32 s2, $0x0  }
0x53: {  	s3 =	rddreg [dreg:$0x2];
	[bflag:$0x3] =	sbarrier.arrive $0xFFFF;
	s2 =	simm.s32 @!p0 $0x1C02  }
0x54: {  	[timem:s3], [sflag:s2] =	dma.local @!p0 [hbm:s0], s1  }
0x55: {  	s0 =	simm.s32 @!p0 $0x2  }
0x56: {  	_ =	swait.ge @!p0 [sflag:s0], s1  }
0x57: {  	s1 =	ssub.s32 @!p0 $0x0, s1;
	[sflag:s0] =	ssyncset.done @!p0 $0x0  }
0x58: {  	[sflag:s0] =	ssyncadd.s32 @!p0 s1  }
0x59: {  	[bflag:$0x3] =	sbarrier.arrive $0xFFFF  }
0x5a: {  	_ =	shalt  }

// kernel: kernel.22.cloned.1.call-start
scs
__scs_entry_jumppad:
0x0: {  	(pc) =	sbr.rel $0x88, $3  }
0x1: {  	(tag) =	ssettag $0x0;
	lr =	simm.s32 $0x1  }
0x2: {  	[smem:$0x3F83] =	sst lr;
	_ =	strace $0xD0000000  }
0x3: {  	_ = 	snop  }
0x4: {  	_ = 	snop  }
0x5: {  	_ = 	snop  }
0x6: {  	_ = 	snop  }
0x7: {  	_ = 	snop  }
__scs_overlays_trampoline_lowered:
0x8: {  	[smem:$0x3F92] =	sst s0  }
0x9: {  	[smem:$0x3F93] =	sst s1  }
0xa: {  	[smem:$0x3F94] =	sst s2  }
0xb: {  	[smem:$0x3F95] =	sst s3  }
0xc: {  	[smem:$0x3F96] =	sst s4  }
0xd: {  	[smem:$0x3F97] =	sst s5  }
0xe: {  	[smem:$0x3F98] =	sst s6  }
0xf: {  	[smem:$0x3F99] =	sst s7  }
0x10: {  	[smem:$0x3F9A] =	sst s8  }
0x11: {  	[smem:$0x3F9B] =	sst s9;
	s0 =	simm.s32 @!p0 $0x0  }
0x12: {  	s1 =	sld [smem:$0x3F81];
	s0 =	simm.s32 @p0 $0x1  }
0x13: {  	[smem:$0x3F9C] =	sst s0;
	s0 =	simm.s32 @!p1 $0x0  }
0x14: {  	s2 =	sld [smem:$0x3F80];
	s0 =	simm.s32 @p1 $0x1  }
0x15: {  	[smem:$0x3F9D] =	sst s0;
	s0 =	simm.s32 @!p2 $0x0  }
0x16: {  	s3 =	sld [smem:$0x3FDB];
	s0 =	simm.s32 @p2 $0x1  }
0x17: {  	s4 =	simm.s32 $0x1BF5;
	[smem:$0x3F9F] =	sst s0  }
0x18: {  	s0 =	sld [smem:$0x3F82];
	_ =	swait.ge [sflag:s4], $0x0  }
0x19: {  	s7 =	sld [smem:$0x3F83]  }
0x1a: {  	s8 =	sadd.s32 $0xFFFFE003, lr  }
0x1b: {  	s9 =	sadd.s32 $0xFFFFFEF7, lr;
	s5 =	simm.s32 $0xFFFFFFFF;
	p2 =	slt.u32 s8, $0xFFFFF086  }
0x1c: {  	p1 =	slt.u32 s9, $0xF7A;
	s5 =	simm.s32 @!p2 $0x0  }
0x1d: {  	s5 =	simm.s32 @p1 $0x1;
	p0 =	seq.s32 s7, s2  }
0x1e: {  	s7 =	smul.u32 @!p0 $0xF7A, s2;
	p2 =	seq.s32 @!p0 s5, $0x0  }
0x1f: {  	s9 =	smul.u32 $0xF7A, s1;
	s8 =	simm.s32 @!p0 $0x1BF5;
	p2 =	por !p2, p0  }
0x20: {  	[sflag:s8] =	ssyncset.s32 @!p0 $0xFFFFF086;
	s6 =	sadd.s32 @!p0 s3, s7;
	s7 =	simm.s32 @!p0 $0x108  }
0x21: {  	s3 =	sadd.s32 s3, s9;
	s6 =	sadd.s32 @!p0 $0x88, s6;
	s7 =	simm.s32 @p2 $0x1082  }
0x22: {  	[simem:s7], [sflag:s8] =	dma.local @!p0 [hbm:s6], $0xF7A  }
0x23: {  	s9 =	sor.u32 $0xD0000000, s2;
	s6 =	simm.s32 $0x108;
	_ =	swait.ge @!p0 [sflag:s8], $0x0  }
0x24: {  	s3 =	sadd.s32 $0x88, s3;
	s6 =	simm.s32 @!p1 $0x1082;
	[sflag:s4] =	ssyncset.s32 $0xFFFFF086  }
0x25: {  	[simem:s6], [sflag:s4] =	dma.local [hbm:s3], $0xF7A  }
0x26: {  	[smem:$0x3F83] =	sst s1;
	(tag) =	ssettag s2;
	_ =	strace s9  }
0x27: {  	s1 =	sld [smem:$0x3F93]  }
0x28: {  	s2 =	sld [smem:$0x3F94]  }
0x29: {  	s4 =	sld [smem:$0x3F96]  }
0x2a: {  	p0 =	seq.s32 s5, $0x0;
	s5 =	sld [smem:$0x3F97]  }
0x2b: {  	s6 =	sld [smem:$0x3F98]  }
0x2c: {  	s7 =	sld [smem:$0x3F99]  }
0x2d: {  	s3 =	simm.s32 $0x108;
	s8 =	sld [smem:$0x3F9A]  }
0x2e: {  	s3 =	simm.s32 @!p0 $0x1082;
	s9 =	sld [smem:$0x3F9B]  }
0x2f: {  	lr =	sadd.s32 s0, s3;
	s0 =	sld [smem:$0x3F92]  }
0x30: {  	s3 =	sld [smem:$0x3F95]  }
0x31: {  	[smem:$0x3F9E] =	sst s10  }
0x32: {  	s10 =	sld [smem:$0x3F9C];
	_ =	sdelay $0x3  }
0x33: {  	p0 =	seq.s32 s10, $0x1;
	s10 =	sld [smem:$0x3F9E];
	_ =	sdelay $0x3  }
0x34: {  	[smem:$0x3F9E] =	sst s10  }
0x35: {  	s10 =	sld [smem:$0x3F9D];
	_ =	sdelay $0x3  }
0x36: {  	p1 =	seq.s32 s10, $0x1;
	s10 =	sld [smem:$0x3F9E];
	_ =	sdelay $0x3  }
0x37: {  	[smem:$0x3F9E] =	sst s10  }
0x38: {  	s10 =	sld [smem:$0x3F9F]  }
0x39: {  	_ = 	snop;
	(pc) =	sbr.ind lr, $3  }
0x3a: {  	_ = 	snop  }
0x3b: {  	_ = 	snop  }
0x3c: {  	p2 =	seq.s32 s10, $0x1;
	s10 =	sld [smem:$0x3F9E]  }
0x3d: {  	_ =	shalt  }
0x3e: {  	_ =	shalt  }
0x3f: {  	_ =	shalt  }
0x40: {  	_ =	shalt  }
0x41: {  	_ =	shalt  }
0x42: {  	_ =	shalt  }
0x43: {  	_ =	shalt  }
0x44: {  	_ =	shalt  }
0x45: {  	_ =	shalt  }
0x46: {  	_ =	shalt  }
0x47: {  	_ =	shalt  }
0x48: {  	_ =	shalt  }
0x49: {  	_ =	shalt  }
0x4a: {  	_ =	shalt  }
0x4b: {  	_ =	shalt  }
0x4c: {  	_ =	shalt  }
0x4d: {  	_ =	shalt  }
0x4e: {  	_ =	shalt  }
0x4f: {  	_ =	shalt  }
0x50: {  	_ =	shalt  }
0x51: {  	_ =	shalt  }
0x52: {  	_ =	shalt  }
0x53: {  	_ =	shalt  }
0x54: {  	_ =	shalt  }
0x55: {  	_ =	shalt  }
0x56: {  	_ =	shalt  }
0x57: {  	_ =	shalt  }
0x58: {  	_ =	shalt  }
0x59: {  	_ =	shalt  }
0x5a: {  	_ =	shalt  }
0x5b: {  	_ =	shalt  }
0x5c: {  	_ =	shalt  }
0x5d: {  	_ =	shalt  }
0x5e: {  	_ =	shalt  }
0x5f: {  	_ =	shalt  }
0x60: {  	_ =	shalt  }
0x61: {  	_ =	shalt  }
0x62: {  	_ =	shalt  }
0x63: {  	_ =	shalt  }
0x64: {  	_ =	shalt  }
0x65: {  	_ =	shalt  }
0x66: {  	_ =	shalt  }
0x67: {  	_ =	shalt  }
0x68: {  	_ =	shalt  }
0x69: {  	_ =	shalt  }
0x6a: {  	_ =	shalt  }
0x6b: {  	_ =	shalt  }
0x6c: {  	_ =	shalt  }
0x6d: {  	_ =	shalt  }
0x6e: {  	_ =	shalt  }
0x6f: {  	_ =	shalt  }
0x70: {  	_ =	shalt  }
0x71: {  	_ =	shalt  }
0x72: {  	_ =	shalt  }
0x73: {  	_ =	shalt  }
0x74: {  	_ =	shalt  }
0x75: {  	_ =	shalt  }
0x76: {  	_ =	shalt  }
0x77: {  	_ =	shalt  }
0x78: {  	_ =	shalt  }
0x79: {  	_ =	shalt  }
0x7a: {  	_ =	shalt  }
0x7b: {  	_ =	shalt  }
0x7c: {  	_ =	shalt  }
0x7d: {  	_ =	shalt  }
0x7e: {  	_ =	shalt  }
0x7f: {  	_ =	shalt  }
0x80: {  	_ =	shalt  }
0x81: {  	_ =	shalt  }
0x82: {  	_ =	shalt  }
0x83: {  	_ =	shalt  }
0x84: {  	_ =	shalt  }
0x85: {  	_ =	shalt  }
0x86: {  	_ =	shalt  }
0x87: {  	_ =	shalt  }
.Lfunc_end0:
.L_simem_size_0:
called_computation.7_lowered:
.L_overlay_start_0:
0x88: {  	s2 =	sld [smem:$0x3FD9]  }
0x89: {  	s3 =	sld [smem:$0x3FFE];
	_ =	sdelay $0x1  }
0x8a: {  	s1 =	srdreg.scid  }
0x8b: {  	s0 =	sand.u32 $0x1, s1  }
0x8c: {  	s16 =	sshll.u32 s0, $0xA;
	s2 =	sadd.s32 s3, s2  }
0x8d: {  	s2 =	sadd.s32 s2, s16  }
0x8e: {  	[smem:$0x3FAA] =	sst s2  }
0x8f: {  	_ = 	snop  }
0x90: {  	(tm) =	ssettm $0x1  }
0x91: {  	s17 =	sld [smem:$0x3FFB];
	_ =	sdelay $0x3  }
0x92: {  	_ =	strace s17  }
0x93: {  	s2 =	sld [smem:$0x3FFC];
	_ =	sdelay $0x3  }
0x94: {  	_ =	strace s2  }
0x95: {  	s2 =	sld [smem:$0x3FFD];
	_ =	sdelay $0x3  }
0x96: {  	_ =	strace s2  }
0x97: {  	_ =	strace $0x8FFFFFFF  }
0x98: {  	s18 =	sld [smem:$0x3FDB];
	_ =	sdelay $0x1  }
0x99: {  	s19 =	simm.s32 $_scs_section_size  }
0x9a: {  	s4 =	simm.s32 $_size__tile_overlayer_lowered;
	s5 =	simm.s32 $_tile_overlayer_lowered  }
0x9b: {  	s22 =	simm.s32 $0x1BFF;
	s21 =	sshll.u32 s5, $0x1;
	s2 =	sadd.s32 s19, s18  }
0x9c: {  	s6 =	simm.s32 $0x0;
	s20 =	sshll.u32 s4, $0x1;
	s4 =	sadd.s32 s21, s2  }
0x9d: {  	[timem:s6], [sflag:s22] =	dma.local [hbm:s4], s20  }
0x9e: {  	_ =	swait.ge [sflag:s22], s20  }
0x9f: {  	s3 =	ssub.s32 $0x0, s20;
	[sflag:s22] =	ssyncset.done $0x0  }
0xa0: {  	[sflag:s22] =	ssyncadd.s32 s3;
	_ =	sdelay $0x1  }
0xa1: {  	s23 =	simm.s32 $0x1B8B  }
0xa2: {  	_ =	swait.ge [sflag:s23], $0x1  }
0xa3: {  	[sflag:s23] =	ssyncset.done $0x0  }
0xa4: {  	s25 =	simm.s32 $0x1B8E;
	s24 =	sld [smem:$0x3FFE];
	[sflag:s23] =	ssyncadd.s32 $0xFFFFFFFF  }
0xa5: {  	s26 =	simm.s32 $execute0_lowered;
	[smem:$0x3FD2] =	sst s25  }
0xa6: {  	s4 =	sshll.u32 s26, $0x1;
	_ =	strace $0x8000004F;
	[dreg:$0x1] =	wrdreg $0xFFFFFFFF  }
0xa7: {  	s28 =	simm.s32 $_size_execute0_lowered;
	s2 =	sadd.s32 s2, s4;
	[dreg:$0x0] =	wrdreg $0x0  }
0xa8: {  	s4 =	sshll.u32 s28, $0x1;
	[dreg:$0x2] =	wrdreg s2  }
0xa9: {  	[dreg:$0x3] =	wrdreg s4  }
0xaa: {  	[dreg:$0x4] =	wrdreg $0xC0  }
0xab: {  	_ =	task [dreg:s6], $0x5FFFF  }
0xac: {  	[dreg:$0x1] =	wrdreg $0xFFFFFFFF  }
0xad: {  	[dreg:$0x0] =	wrdreg $0x60  }
0xae: {  	[dreg:$0x2] =	wrdreg s24  }
0xaf: {  	[dreg:$0x3] =	wrdreg $0x9  }
0xb0: {  	_ =	task.clear_ibuf [dreg:s6], $0x4FFFF;
	_ =	strace $0x9000004F  }
0xb1: {  	s29 =	simm.s32 $0x9;
	_ =	strace $0x80000051  }
0xb2: {  	_ =	swait.ge [sflag:s29], $0x1  }
0xb3: {  	[sflag:s29] =	ssyncadd.s32 $0xFFFFFFFF  }
0xb4: {  	_ =	strace $0x90000051  }
0xb5: {  	_ =	sfence  }
0xb6: {  	s30 =	sld [smem:$0x0];
	_ =	sdelay $0x2  }
0xb7: {  	s31 =	sshll.u32 s1, $0xD;
	s1 =	sshrl.u32 s1, $0x2  }
0xb8: {  	s3 =	sand.u32 $0x4000, s31;
	s1 =	sadd.s32 s1, s30  }
0xb9: {  	s0 =	sor.u32 s3, s0;
	s1 =	sshll.u32 s1, $0x11  }
0xba: {  	s0 =	sor.u32 s1, s0  }
0xbb: {  	s0 =	sadd.s32 $0x8F2B, s0  }
0xbc: {  	[sflag:s0] =	ssyncadd.remote.s32 $0x1  }
0xbd: {  	_ =	sfence.sel $0xFFFF  }
0xbe: {  	[dreg:$0x0] =	wrdreg $0xFFFFFFFF;
	(pc) =	sbr.abs _section_cstart, $3  }
0xbf: {  	[dreg:$0x1] =	wrdreg $0xFFFFFFFF  }
0xc0: {  	_ =	task.clear_ibuf [dreg:s6], $0x2FFFF;
	_ =	strace $0x9FFFFFFF  }
0xc1: {  	(tm) =	ssettm $0x7FFFFFFF  }
tec
execute0_lowered:
.L_overlay_start_1:
0x0: {  	(tag) =	ssettag $0x1  }
0x1: {  	s0 =	rddreg [dreg:$0x0]  }
0x2: {  	s3 =	srdreg.scid;
	s1 =	stileid.u32;
	s2 =	simm.s32 $0x0  }
0x3: {  	s10 =	simm.s32 $0x100;
	s11 =	simm.s32 $0x900;
	s12 =	simm.s32 $0x1100  }
0x4: {  	s13 =	simm.s32 $0x1900;
	s14 =	simm.s32 $0x2100;
	s15 =	simm.s32 $0x2900  }
0x5: {  	s16 =	simm.s32 $0x3100;
	s17 =	simm.s32 $0x3900;
	s18 =	simm.s32 $0x4100  }
0x6: {  	s19 =	simm.s32 $0x4900;
	s20 =	simm.s32 $0x5100;
	s21 =	simm.s32 $0x5900  }
0x7: {  	s22 =	simm.s32 $0x6100;
	s23 =	simm.s32 $0x6900;
	s24 =	simm.s32 $0x7100  }
0x8: {  	s28 =	simm.s32 $0x2;
	s29 =	simm.s32 $0x0;
	s5 =	sand.u32 $0x1, s3  }
0x9: {  	s6 =	smul.u32 $0x2800, s1;
	[smem:$0x7FF] =	sst s2;
	s3 =	sadd.s32 $0x13200, s0  }
0xa: {  	s4 =	sadd.s32 $0x90200, s0;
	s7 =	smul.u32 $0x1400, s5;
	s25 =	ssub.s32 $0x2, s5  }
0xb: {  	s8 =	smul.u32 $0x50000, s1;
	_ =	strace $0x80000050;
	s9 =	sshrl.u32 s25, $0x1  }
0xc: {  	s26 =	smul.u32 $0x28000, s5;
	s6 =	sadd.s32 s7, s6;
	s7 =	ssub.s32 s25, s9  }
0xd: {  	s9 =	simm.s32 $0x80;
	s25 =	simm.s32 $0x7900;
	s6 =	sshrl.u32 s6, $0x3  }
0xe: {  	s5 =	smax.u32 s7, $0x1;
	s6 =	sadd.s32 s6, s0;
	s0 =	sadd.s32 s8, s0  }
0xf: {  	v2 =	vlaneseq.u32;
	s8 =	simm.s32 $0x3;
	s30 =	sadd.s32 $0xE200, s6;
	s0 =	sadd.s32 s26, s0  }
0x10: {  	vm0 =	vmmov $0xffff;
	v1 =	vshrl.u32 v2, $0x3;
	s31 =	sadd.s32 $0x8B200, s6;
	s26 =	simm.s32 $0x1;
	[dreg:$0x2] =	wrdreg s30  }
0x11: {  	v0 =	vand.u32 $0x7, v2;
	v2 =	vor.u32 $0x8, v2;
	v1 =	vmul.u32 $0x8, v1;
	s6 =	sadd.s32 $0x5DE400, s0;
	s7 =	sadd.s32 $0xDE400, s0;
	[dreg:$0x3] =	wrdreg s31  }
.LBB2_1:
0x12: {  	s30 =	smov.u32 s7;
	s31 =	smov.u32 s6;
	s0 =	simm.s32 $0x0  }
.LBB2_2:
0x13: {  	s1 =	rddreg [dreg:$0x3]  }
0x14: {  	s1 =	sadd.s32 s0, s1  }
0x15: {  	[tilespmem:s2], [sflag:$0x3] =	stream.linear.gather [hbm4b:s1+s2], $0x40, $0x38;
	[tilespmem:$0x8100] =	vst v63  }
0x16: {  	_ =	swait.ge [sflag:s8], $0x40  }
0x17: {  	s1 =	rddreg [dreg:$0x2];
	[sflag:s8] =	ssyncset.done $0x0  }
0x18: {  	[sflag:s8] =	ssyncadd.s32 $0xFFFFFFC0;
	s1 =	sadd.s32 s0, s1  }
0x19: {  	[tilespmem:s9], [sflag:$0x3] =	stream.linear.gather [hbm4b:s1+s2], $0x40, $0x38;
	[tilespmem:$0x8100] =	vst v63  }
0x1a: {  	_ =	swait.ge [sflag:s8], $0x40  }
0x1b: {  	[sflag:s8] =	ssyncset.done $0x0  }
0x1c: {  	[sflag:s8] =	ssyncadd.s32 $0xFFFFFFC0  }
0x1d: {  	v3 =	vld [tilespmem:$0x0];
	_ =	sdelay $0x4  }
0x1e: {  	v4 =	vshll.u32 v3, $0x1  }
0x1f: {  	v3 =	vand.u32 $0x7, v3;
	v4 =	vand.u32 $0xFFFFFFF0, v4  }
0x20: {  	v3 =	vor.u32 v3, v4  }
0x21: {  	v4 =	vperm.xlane v3, v0;
	_ =	sdelay $0x1  }
0x22: {  	v3 =	vperm.xlane v3, v2;
	v4 =	vadd.s32 v1, v4;
	_ =	sdelay $0x1  }
0x23: {  	v3 =	vadd.s32 v1, v3;
	_ =	sdelay $0x2  }
0x24: {  	[tilespmem:s10], [sflag:$0x1] =	stream.indirect_vreg.gather [hbm4b:s3+s2], $0x80, v4, vm0, $0xb8;
	[tilespmem:$0x8100] =	vst v63  }
0x25: {  	_ = 	snop  }
0x26: {  	[tilespmem:s11], [sflag:$0x1] =	stream.indirect_vreg.gather [hbm4b:s3+s2], $0x80, v3, vm0, $0xb8;
	[tilespmem:$0x8100] =	vst v63  }
0x27: {  	v3 =	vld [tilespmem:$0x10];
	_ =	sdelay $0x4  }
0x28: {  	v57 =	vshll.u32 v3, $0x1  }
0x29: {  	v3 =	vand.u32 $0x7, v3;
	v4 =	vand.u32 $0xFFFFFFF0, v57  }
0x2a: {  	v3 =	vor.u32 v3, v4  }
0x2b: {  	v4 =	vperm.xlane v3, v0;
	_ =	sdelay $0x1  }
0x2c: {  	v3 =	vperm.xlane v3, v2;
	v4 =	vadd.s32 v1, v4;
	_ =	sdelay $0x1  }
0x2d: {  	v3 =	vadd.s32 v1, v3;
	_ =	sdelay $0x2  }
0x2e: {  	[tilespmem:s12], [sflag:$0x1] =	stream.indirect_vreg.gather [hbm4b:s3+s2], $0x80, v4, vm0, $0xb8;
	[tilespmem:$0x8100] =	vst v63  }
0x2f: {  	_ = 	snop  }
0x30: {  	[tilespmem:s13], [sflag:$0x1] =	stream.indirect_vreg.gather [hbm4b:s3+s2], $0x80, v3, vm0, $0xb8;
	[tilespmem:$0x8100] =	vst v63  }
0x31: {  	v3 =	vld [tilespmem:$0x20];
	_ =	sdelay $0x4  }
0x32: {  	v58 =	vshll.u32 v3, $0x1  }
0x33: {  	v3 =	vand.u32 $0x7, v3;
	v4 =	vand.u32 $0xFFFFFFF0, v58  }
0x34: {  	v3 =	vor.u32 v3, v4  }
0x35: {  	v4 =	vperm.xlane v3, v0;
	_ =	sdelay $0x1  }
0x36: {  	v3 =	vperm.xlane v3, v2;
	v4 =	vadd.s32 v1, v4;
	_ =	sdelay $0x1  }
0x37: {  	v3 =	vadd.s32 v1, v3;
	_ =	sdelay $0x2  }
0x38: {  	[tilespmem:s14], [sflag:$0x1] =	stream.indirect_vreg.gather [hbm4b:s3+s2], $0x80, v4, vm0, $0xb8;
	[tilespmem:$0x8100] =	vst v63  }
0x39: {  	_ = 	snop  }
0x3a: {  	[tilespmem:s15], [sflag:$0x1] =	stream.indirect_vreg.gather [hbm4b:s3+s2], $0x80, v3, vm0, $0xb8;
	[tilespmem:$0x8100] =	vst v63  }
0x3b: {  	v3 =	vld [tilespmem:$0x30];
	_ =	sdelay $0x4  }
0x3c: {  	v59 =	vshll.u32 v3, $0x1  }
0x3d: {  	v3 =	vand.u32 $0x7, v3;
	v4 =	vand.u32 $0xFFFFFFF0, v59  }
0x3e: {  	v3 =	vor.u32 v3, v4  }
0x3f: {  	v4 =	vperm.xlane v3, v0;
	_ =	sdelay $0x1  }
0x40: {  	v3 =	vperm.xlane v3, v2;
	v4 =	vadd.s32 v1, v4;
	_ =	sdelay $0x1  }
0x41: {  	v3 =	vadd.s32 v1, v3;
	_ =	sdelay $0x2  }
0x42: {  	[tilespmem:s16], [sflag:$0x1] =	stream.indirect_vreg.gather [hbm4b:s3+s2], $0x80, v4, vm0, $0xb8;
	[tilespmem:$0x8100] =	vst v63  }
0x43: {  	_ = 	snop  }
0x44: {  	[tilespmem:s17], [sflag:$0x1] =	stream.indirect_vreg.gather [hbm4b:s3+s2], $0x80, v3, vm0, $0xb8;
	[tilespmem:$0x8100] =	vst v63  }
0x45: {  	v3 =	vld [tilespmem:$0x80];
	_ =	sdelay $0x4  }
0x46: {  	v60 =	vshll.u32 v3, $0x1  }
0x47: {  	v3 =	vand.u32 $0x7, v3;
	v4 =	vand.u32 $0xFFFFFFF0, v60  }
0x48: {  	v3 =	vor.u32 v3, v4  }
0x49: {  	v4 =	vperm.xlane v3, v0;
	_ =	sdelay $0x1  }
0x4a: {  	v3 =	vperm.xlane v3, v2;
	v4 =	vadd.s32 v1, v4;
	_ =	sdelay $0x1  }
0x4b: {  	v3 =	vadd.s32 v1, v3;
	_ =	sdelay $0x2  }
0x4c: {  	[tilespmem:s18], [sflag:$0x2] =	stream.indirect_vreg.gather [hbm4b:s4+s2], $0x80, v4, vm0, $0xb8;
	[tilespmem:$0x8100] =	vst v63  }
0x4d: {  	_ = 	snop  }
0x4e: {  	[tilespmem:s19], [sflag:$0x2] =	stream.indirect_vreg.gather [hbm4b:s4+s2], $0x80, v3, vm0, $0xb8;
	[tilespmem:$0x8100] =	vst v63  }
0x4f: {  	v3 =	vld [tilespmem:$0x90];
	_ =	sdelay $0x4  }
0x50: {  	v61 =	vshll.u32 v3, $0x1  }
0x51: {  	v3 =	vand.u32 $0x7, v3;
	v4 =	vand.u32 $0xFFFFFFF0, v61  }
0x52: {  	v3 =	vor.u32 v3, v4  }
0x53: {  	v4 =	vperm.xlane v3, v0;
	_ =	sdelay $0x1  }
0x54: {  	v3 =	vperm.xlane v3, v2;
	v4 =	vadd.s32 v1, v4;
	_ =	sdelay $0x1  }
0x55: {  	v3 =	vadd.s32 v1, v3;
	_ =	sdelay $0x2  }
0x56: {  	[tilespmem:s20], [sflag:$0x2] =	stream.indirect_vreg.gather [hbm4b:s4+s2], $0x80, v4, vm0, $0xb8;
	[tilespmem:$0x8100] =	vst v63  }
0x57: {  	_ = 	snop  }
0x58: {  	[tilespmem:s21], [sflag:$0x2] =	stream.indirect_vreg.gather [hbm4b:s4+s2], $0x80, v3, vm0, $0xb8;
	[tilespmem:$0x8100] =	vst v63  }
0x59: {  	v3 =	vld [tilespmem:$0xA0];
	_ =	sdelay $0x4  }
0x5a: {  	v62 =	vshll.u32 v3, $0x1  }
0x5b: {  	v3 =	vand.u32 $0x7, v3;
	v4 =	vand.u32 $0xFFFFFFF0, v62  }
0x5c: {  	v3 =	vor.u32 v3, v4  }
0x5d: {  	v4 =	vperm.xlane v3, v0;
	_ =	sdelay $0x1  }
0x5e: {  	v3 =	vperm.xlane v3, v2;
	v4 =	vadd.s32 v1, v4;
	_ =	sdelay $0x1  }
0x5f: {  	v3 =	vadd.s32 v1, v3;
	_ =	sdelay $0x2  }
0x60: {  	[tilespmem:s22], [sflag:$0x2] =	stream.indirect_vreg.gather [hbm4b:s4+s2], $0x80, v4, vm0, $0xb8;
	[tilespmem:$0x8100] =	vst v63  }
0x61: {  	_ = 	snop  }
0x62: {  	[tilespmem:s23], [sflag:$0x2] =	stream.indirect_vreg.gather [hbm4b:s4+s2], $0x80, v3, vm0, $0xb8;
	[tilespmem:$0x8100] =	vst v63  }
0x63: {  	v3 =	vld [tilespmem:$0xB0];
	_ =	sdelay $0x4  }
0x64: {  	v63 =	vshll.u32 v3, $0x1  }
0x65: {  	v3 =	vand.u32 $0x7, v3;
	v4 =	vand.u32 $0xFFFFFFF0, v63  }
0x66: {  	v3 =	vor.u32 v3, v4  }
0x67: {  	v4 =	vperm.xlane v3, v0;
	_ =	sdelay $0x1  }
0x68: {  	v3 =	vperm.xlane v3, v2;
	v4 =	vadd.s32 v1, v4;
	_ =	sdelay $0x1  }
0x69: {  	v3 =	vadd.s32 v1, v3;
	_ =	sdelay $0x2  }
0x6a: {  	[tilespmem:s24], [sflag:$0x2] =	stream.indirect_vreg.gather [hbm4b:s4+s2], $0x80, v4, vm0, $0xb8;
	[tilespmem:$0x8100] =	vst v63  }
0x6b: {  	_ = 	snop  }
0x6c: {  	[tilespmem:s25], [sflag:$0x2] =	stream.indirect_vreg.gather [hbm4b:s4+s2], $0x80, v3, vm0, $0xb8;
	[tilespmem:$0x8100] =	vst v63  }
0x6d: {  	_ =	swait.ge [sflag:s26], $0x4000  }
0x6e: {  	[sflag:s26] =	ssyncset.done $0x0  }
0x6f: {  	[sflag:s26] =	ssyncadd.s32 $0xFFFFC000  }
0x70: {  	[hbm4b:s31+s2] =	stream.linear.scatter [tilespmem:s10], [sflag:$0x3], $0x4000, $0x38;
	[tilespmem:$0x8100] =	vst v63  }
0x71: {  	_ =	swait.ge [sflag:s8], $0x4000  }
0x72: {  	[sflag:s8] =	ssyncset.done $0x0  }
0x73: {  	[sflag:s8] =	ssyncadd.s32 $0xFFFFC000  }
0x74: {  	_ =	swait.ge [sflag:s28], $0x4000  }
0x75: {  	p0 =	sne.s32 s0, $0x278;
	[sflag:s28] =	ssyncset.done $0x0  }
.Ltmp0:
0x76: {  	[sflag:s28] =	ssyncadd.s32 $0xFFFFC000;
	(pc) =	sbr.rel @p0 .LBB2_2-.Ltmp0, $4  }
0x77: {  	[hbm4b:s30+s2] =	stream.linear.scatter [tilespmem:s18], [sflag:$0x3], $0x4000, $0x38;
	[tilespmem:$0x8100] =	vst v63  }
0x78: {  	_ =	swait.ge [sflag:s8], $0x4000  }
0x79: {  	s0 =	sadd.s32 $0x8, s0;
	[sflag:s8] =	ssyncset.done $0x0  }
0x7a: {  	s31 =	sadd.s32 $0x800, s31;
	s30 =	sadd.s32 $0x800, s30;
	[sflag:s8] =	ssyncadd.s32 $0xFFFFC000  }
0x7b: {  	s29 =	sadd.s32 $0x1, s29  }
0x7c: {  	p0 =	sne.s32 s29, s5  }
.Ltmp1:
0x7d: {  	_ = 	snop;
	(pc) =	sbr.rel @p0 .LBB2_1-.Ltmp1, $1  }
0x7e: {  	_ =	sdelay $0x3  }
0x7f: {  	_ =	sfence.sel $0x180000  }
0x80: {  	[bflag:$0x0] =	sbarrier.arrive $0xFFFF  }
0x81: {  	_ =	strace $0x90000050  }
0x82: {  	s0 =	stileid.u32;
	[bflag:$0x2] =	sbarrier.arrive $0xFFFF  }
0x83: {  	p0 =	sne.s32 s0, $0x0;
	s0 =	rddreg [dreg:$0x1]  }
0x84: {  	s0 =	sadd.s32 @!p0 $0x100000, s0  }
0x85: {  	[sflag:s0] =	ssyncadd.tile.s32 @!p0 $0x1;
	_ =	shalt  }
.Lfunc_end2:
_tile_overlayer_lowered:
.L_overlay_start_2:
0x86: {  	(tag) =	ssettag $0x2  }
0x87: {  	s0 =	rddreg [dreg:$0x0];
	s2 =	stileid.u32  }
0x88: {  	s1 =	rddreg [dreg:$0x1];
	p0 =	sne.s32 s2, $0x0  }
0x89: {  	s3 =	rddreg [dreg:$0x2];
	[bflag:$0x3] =	sbarrier.arrive $0xFFFF;
	s2 =	simm.s32 @!p0 $0x1C03  }
0x8a: {  	[timem:s3], [sflag:s2] =	dma.local @!p0 [hbm:s0], s1  }
0x8b: {  	s0 =	simm.s32 @!p0 $0x3  }
0x8c: {  	_ =	swait.ge @!p0 [sflag:s0], s1  }
0x8d: {  	s1 =	ssub.s32 @!p0 $0x0, s1;
	[sflag:s0] =	ssyncset.done @!p0 $0x0  }
0x8e: {  	[sflag:s0] =	ssyncadd.s32 @!p0 s1  }
0x8f: {  	[bflag:$0x3] =	sbarrier.arrive $0xFFFF  }
0x90: {  	_ =	shalt  }

// kernel: sparse-core-data-format-call.1.cloned.1.call-start
scs
called_computation.1_lowered:
.L_overlay_start_0:
0x0: {  	s2 =	sld [smem:$0x3FD9]  }
0x1: {  	s3 =	sld [smem:$0x3FFE];
	_ =	sdelay $0x1  }
0x2: {  	s1 =	srdreg.scid  }
0x3: {  	s0 =	sand.u32 $0x1, s1  }
0x4: {  	s18 =	sshll.u32 s0, $0xA;
	s2 =	sadd.s32 s3, s2  }
0x5: {  	s2 =	sadd.s32 s2, s18  }
0x6: {  	[smem:$0x3FAA] =	sst s2  }
0x7: {  	_ = 	snop  }
0x8: {  	(tm) =	ssettm $0x1  }
0x9: {  	s19 =	sld [smem:$0x3FFB];
	_ =	sdelay $0x3  }
0xa: {  	_ =	strace s19  }
0xb: {  	s2 =	sld [smem:$0x3FFC];
	_ =	sdelay $0x3  }
0xc: {  	_ =	strace s2  }
0xd: {  	s2 =	sld [smem:$0x3FFD];
	_ =	sdelay $0x3  }
0xe: {  	_ =	strace s2  }
0xf: {  	_ =	strace $0x8FFFFFFF  }
0x10: {  	s20 =	sld [smem:$0x3FDB];
	_ =	sdelay $0x1  }
0x11: {  	s21 =	simm.s32 $_scs_section_size  }
0x12: {  	s4 =	simm.s32 $_size__tile_overlayer_lowered;
	s5 =	simm.s32 $_tile_overlayer_lowered  }
0x13: {  	s6 =	simm.s32 $0x1BFF;
	s22 =	sshll.u32 s5, $0x1;
	s3 =	sadd.s32 s21, s20  }
0x14: {  	s23 =	simm.s32 $0x0;
	s4 =	sshll.u32 s4, $0x1;
	s5 =	sadd.s32 s22, s3  }
0x15: {  	[timem:s23], [sflag:s6] =	dma.local [hbm:s5], s4  }
0x16: {  	_ =	swait.ge [sflag:s6], s4  }
0x17: {  	s4 =	ssub.s32 $0x0, s4;
	[sflag:s6] =	ssyncset.done $0x0  }
0x18: {  	[sflag:s6] =	ssyncadd.s32 s4;
	_ =	sdelay $0x1  }
0x19: {  	s24 =	simm.s32 $0x1B8B  }
0x1a: {  	_ =	swait.ge [sflag:s24], $0x1  }
0x1b: {  	[sflag:s24] =	ssyncset.done $0x0  }
0x1c: {  	[sflag:s24] =	ssyncadd.s32 $0xFFFFFFFF  }
0x1d: {  	s4 =	sld [smem:$0x0]  }
0x1e: {  	s5 =	sand.u32 $0xFFFFFFFE, s1  }
0x1f: {  	p0 =	sne.s32 s1, s5  }
0x20: {  	s5 =	sshll.u32 @p0 s5, $0xE  }
0x21: {  	s5 =	sadd.s32 @p0 $0x11B8D, s5;
	s6 =	sshll.u32 @p0 s4, $0x11  }
0x22: {  	s5 =	sor.u32 @p0 s6, s5  }
0x23: {  	[sflag:s5] =	ssyncadd.remote.s32 @p0 $0x1;
	_ =	sdelay $0x1  }
0x24: {  	s5 =	simm.s32 @p0 $0x1B8D  }
0x25: {  	_ =	swait.eq @p0 [sflag:s5], $0x1  }
0x26: {  	[sflag:s5] =	ssyncadd.s32 @p0 $0xFFFFFFFF  }
0x27: {  	s6 =	sshll.u32 @!p0 s1, $0xE  }
0x28: {  	s6 =	sor.u32 @!p0 $0x4000, s6;
	s5 =	simm.s32 @!p0 $0x1B8D  }
0x29: {  	s4 =	sshll.u32 @!p0 s4, $0x11;
	s6 =	sadd.s32 @!p0 $0x11B8D, s6;
	_ =	swait.eq @!p0 [sflag:s5], $0x1  }
0x2a: {  	s4 =	sor.u32 @!p0 s4, s6;
	[sflag:s5] =	ssyncadd.s32 @!p0 $0xFFFFFFFF  }
0x2b: {  	s26 =	simm.s32 $0x1B8E;
	s25 =	sld [smem:$0x3FFE];
	[sflag:s4] =	ssyncadd.remote.s32 @!p0 $0x1  }
0x2c: {  	s27 =	simm.s32 $execute0_lowered;
	[smem:$0x3FD2] =	sst s26  }
0x2d: {  	s5 =	sshll.u32 s27, $0x1;
	_ =	strace $0x80000055;
	[dreg:$0x1] =	wrdreg $0xFFFFFFFF  }
0x2e: {  	s28 =	simm.s32 $_size_execute0_lowered;
	s3 =	sadd.s32 s3, s5;
	[dreg:$0x0] =	wrdreg $0x0  }
0x2f: {  	s5 =	sshll.u32 s28, $0x1;
	[dreg:$0x2] =	wrdreg s3  }
0x30: {  	[dreg:$0x3] =	wrdreg s5  }
0x31: {  	[dreg:$0x4] =	wrdreg $0xC0  }
0x32: {  	_ =	task [dreg:s23], $0x5FFFF  }
0x33: {  	[dreg:$0x1] =	wrdreg $0xFFFFFFFF  }
0x34: {  	[dreg:$0x0] =	wrdreg $0x60  }
0x35: {  	[dreg:$0x2] =	wrdreg s25  }
0x36: {  	[dreg:$0x3] =	wrdreg $0x9  }
0x37: {  	_ =	task.clear_ibuf [dreg:s23], $0x4FFFF;
	_ =	strace $0x90000055  }
0x38: {  	s29 =	simm.s32 $0x9;
	_ =	strace $0x80000057  }
0x39: {  	_ =	swait.ge [sflag:s29], $0x1  }
0x3a: {  	[sflag:s29] =	ssyncadd.s32 $0xFFFFFFFF  }
0x3b: {  	_ =	strace $0x90000057  }
0x3c: {  	_ =	sfence  }
0x3d: {  	s30 =	sld [smem:$0x0];
	_ =	sdelay $0x2  }
0x3e: {  	s31 =	sshll.u32 s1, $0xD;
	s1 =	sshrl.u32 s1, $0x2  }
0x3f: {  	s4 =	sand.u32 $0x4000, s31;
	s1 =	sadd.s32 s1, s30  }
0x40: {  	s0 =	sor.u32 s4, s0;
	s1 =	sshll.u32 s1, $0x11  }
0x41: {  	s0 =	sor.u32 s1, s0  }
0x42: {  	s0 =	sadd.s32 $0x8F2B, s0  }
0x43: {  	[sflag:s0] =	ssyncadd.remote.s32 $0x1  }
0x44: {  	_ =	sfence.sel $0xFFFF  }
0x45: {  	[dreg:$0x0] =	wrdreg $0xFFFFFFFF;
	(pc) =	sbr.abs _section_cstart, $3  }
0x46: {  	[dreg:$0x1] =	wrdreg $0xFFFFFFFF  }
0x47: {  	_ =	task.clear_ibuf [dreg:s23], $0x2FFFF;
	_ =	strace $0x9FFFFFFF  }
0x48: {  	(tm) =	ssettm $0x7FFFFFFF  }
0x49: {  	_ =	shalt  }
tec
execute0_lowered:
.L_overlay_start_1:
0x0: {  	(tag) =	ssettag $0x1  }
0x1: {  	s0 =	srdreg.scid;
	s4 =	rddreg [dreg:$0x0]  }
0x2: {  	s7 =	simm.s32 $0x1;
	s8 =	simm.s32 $0x2;
	s1 =	sshll.u32 s0, $0x4  }
0x3: {  	s12 =	simm.s32 $0x0;
	s0 =	stileid.u32;
	s1 =	sand.u32 $0x10, s1  }
0x4: {  	s13 =	simm.s32 $0x0;
	s9 =	simm.s32 $0x0;
	s2 =	sor.u32 s0, s1  }
0x5: {  	s11 =	simm.s32 $0x0;
	s3 =	sadd.s32 $0xFDE400, s4;
	s2 =	sshll.u32 s2, $0x7  }
0x6: {  	s4 =	sadd.s32 $0x509200, s4;
	s1 =	rddreg [dreg:$0x1];
	s6 =	ssub.s32 $0x28000, s2  }
.Ltmp0:
0x7: {  	_ =	strace $0x80000056;
	s5 =	sand.u32 $0xF80, s6;
	(pc) =	sbr.rel .LBB1_1-.Ltmp0, $4  }
0x8: {  	s10 =	smov.u32 s2;
	p0 =	sne.s32 s5, $0x0;
	s5 =	simm.s32 $0x1  }
0x9: {  	s6 =	sshrl.u32 s6, $0xC;
	s7 =	simm.s32 @!p0 $0x0;
	[sflag:s5] =	ssyncpa.u1 $0x0  }
0xa: {  	p0 =	por $0x0, $0x0;
	s7 =	sadd.s32 s7, s6;
	[sflag:s8] =	ssyncpa.u1 $0x0  }
0xb: {  	s8 =	simm.s32 $0x140000;
	s6 =	sshll.u32 s7, $0x1;
	s7 =	sshllo.u32 s7, $0x1  }
.LBB1_4:
0xc: {  	s19 =	sshrl.u32 s12, $0x3  }
0xd: {  	s20 =	sshll.u32 s13, $0x3;
	s24 =	sshll.u32 s12, $0x7;
	s19 =	smul.u32 $0x140000, s19  }
0xe: {  	v5 =	vld [tilespmem:s17+$0xFFFFFFD0];
	[tilespmem:s16+$0x2040 ss:$0x81] =	vst.msk $0xffff, v4;
	s25 =	sand.u32 $0x7F, s13;
	s20 =	sand.u32 $0xFFFFFC00, s20;
	s12 =	sand.u32 $0x380, s24  }
0xf: {  	v58 =	vld [tilespmem:s17+$0xFFFFFFE0];
	[tilespmem:s16+$0x2850 ss:$0x81] =	vst.msk $0xffff, v2;
	s12 =	sor.u32 s25, s12;
	s19 =	sadd.s32 s20, s19  }
0x10: {  	s26 =	sshra.s32 s18, $0x2;
	v59 =	vld [tilespmem:s17+$0xFFFFFFF0];
	[tilespmem:s16+$0x3060 ss:$0x81] =	vst.msk $0xffff, v3;
	s12 =	sor.u32 s19, s12  }
0x11: {  	v60 =	vld [tilespmem:s17+$0x0];
	[tilespmem:s16+$0x0 ss:$0x81] =	vst.msk $0xffff, v0;
	s13 =	sadd.s32 s26, s15;
	s27 =	smulhi.u32 $0xCCCCCCCD, s12  }
0x12: {  	v61 =	vld [tilespmem:s17+$0x10];
	[tilespmem:s13+$0x3870 ss:$0x81] =	vst.msk $0xffff, v1  }
0x13: {  	v62 =	vld [tilespmem:s17+$0x20];
	s28 =	smulhi.u32 $0xCCCCCCCD, s19;
	[tilespmem:s13+$0x810 ss:$0x81] =	vst.msk $0xffff, v5;
	s15 =	sshrl.u32 s27, $0x11  }
0x14: {  	v63 =	vld [tilespmem:s17+$0xFFFFFFC0];
	[tilespmem:s13+$0x1020 ss:$0x81] =	vst.msk $0xffff, v58;
	s15 =	smul.u32 $0x28000, s15  }
0x15: {  	[tilespmem:s13+$0x1830 ss:$0x81] =	vst.msk $0xffff, v59;
	s16 =	sshrl.u32 s28, $0x11  }
0x16: {  	[tilespmem:s13+$0x2040 ss:$0x81] =	vst.msk $0xffff, v60;
	s29 =	sand.u32 $0xFF, s16;
	s12 =	ssub.s32 s12, s15  }
0x17: {  	[tilespmem:s13+$0x2850 ss:$0x81] =	vst.msk $0xffff, v61;
	s15 =	smul.u32 $0x5000, s29;
	s30 =	sshrl.u32 s12, $0x3;
	s12 =	sand.u32 $0x7, s12  }
0x18: {  	[tilespmem:s13+$0x3060 ss:$0x81] =	vst.msk $0xffff, v62;
	s16 =	sadd.s32 s4, s30;
	s12 =	sshll.u32 s12, $0x12  }
0x19: {  	[tilespmem:s13+$0x0 ss:$0x81] =	vst.msk $0xffff, v63;
	s31 =	sadd.s32 s15, s16;
	s12 =	sor.u32 $0x400, s12  }
0x1a: {  	[hbm4b:s31+s12] =	stream.strided.scatter [tilespmem:s14], [sflag:$0x2], $0x4000, s8, s12, $0x20;
	[tilespmem:$0x10100] =	vst v63  }
.LBB1_5:
0x1b: {  	s14 =	sadd.s32 $0x80, s9  }
0x1c: {  	s12 =	sadd.s32 $0x1000, s10;
	s16 =	smov.u32 s10;
	p2 =	sgt.s32 s14, $0xFF  }
0x1d: {  	s16 =	smov.u32 @p2 s12  }
0x1e: {  	s14 =	simm.s32 @p2 $0x0;
	p2 =	sgt.s32 s16, $0x27FFF  }
0x1f: {  	s16 =	smov.u32 @p2 s2;
	p2 =	sne.s32 s11, s7  }
.Ltmp1:
0x20: {  	p1 =	slt.u32 s11, $0x2;
	(pc) =	sbr.rel @!p2 .LBB1_6-.Ltmp1, $4  }
0x21: {  	s15 =	simm.s32 @!p1 $0x2  }
0x22: {  	s13 =	smov.u32 s10;
	p0 =	por !p0, !p0;
	_ =	swait.ge @!p1 [sflag:s15], $0x4000  }
0x23: {  	s12 =	smov.u32 s9;
	[sflag:s15] =	ssyncset.done @!p1 $0x0;
	s9 =	smov.u32 s14  }
0x24: {  	s11 =	sadd.s32 $0x1, s11;
	[sflag:s15] =	ssyncadd.s32 @!p1 $0xFFFFC000;
	s10 =	smov.u32 s16  }
.LBB1_1:
0x25: {  	p1 =	sge.u32 s11, s6  }
0x26: {  	s14 =	sshll.u32 @!p1 s10, $0x8;
	s15 =	sshll.u32 @!p1 s9, $0x3  }
0x27: {  	s16 =	sshll.u32 @!p1 s10, $0x7;
	s14 =	sand.u32 @!p1 $0xFFFFF800, s14;
	s15 =	sand.u32 @!p1 $0xFFFFFC00, s15  }
0x28: {  	s14 =	sadd.s32 @!p1 s14, s15;
	s15 =	sand.u32 @!p1 $0x300, s16  }
0x29: {  	s14 =	sor.u32 @!p1 s15, s14  }
0x2a: {  	s14 =	sshrl.u32 @!p1 s14, $0x8  }
0x2b: {  	s15 =	smulhi.u32 @!p1 $0xCCCCCD, s14;
	_ =	sdelay $0x1  }
0x2c: {  	s17 =	sxor.u32 @!p1 $0xFFFFFFFF, s11;
	s18 =	sand.u32 @!p1 $0x78, s9;
	s15 =	sshrl.u32 @!p1 s15, $0x9  }
0x2d: {  	s17 =	sshll.u32 @!p1 s17, $0xE;
	s16 =	sand.u32 @!p1 $0x80, s16;
	s15 =	smul.u32 @!p1 $0x28000, s15  }
0x2e: {  	s31 =	sadd.s32 $0xFFFFFFFF, s11;
	s17 =	sand.u32 @!p1 $0x4000, s17;
	s16 =	sor.u32 @!p1 s18, s16  }
0x2f: {  	s14 =	ssub.s32 @!p1 s14, s15;
	s15 =	sshrl.u32 @!p1 s16, $0x3;
	s16 =	sand.u32 @!p1 $0x7, s9  }
0x30: {  	s14 =	sshll.u32 @!p1 s14, $0x5;
	s15 =	sadd.s32 @!p1 s3, s15;
	s16 =	sshll.u32 @!p1 s16, $0x12  }
0x31: {  	s14 =	sadd.s32 @!p1 s14, s15;
	s15 =	sor.u32 @!p1 $0x400, s16;
	s16 =	simm.s32 @!p1 $0x800  }
0x32: {  	[tilespmem:s17], [sflag:$0x1] =	stream.strided.gather @!p1 [hbm4b:s14+s15], $0x4000, s16, s15, $0x38;
	[tilespmem:$0x10100] =	vst v63  }
0x33: {  	p1 =	sge.u32 s31, s6  }
.Ltmp2:
0x34: {  	_ = 	snop;
	(pc) =	sbr.rel @p1 .LBB1_5-.Ltmp2, $1  }
0x35: {  	_ =	sdelay $0x3  }
0x36: {  	s14 =	simm.s32 $0x1  }
0x37: {  	_ =	swait.ge [sflag:s5], $0x4000;
	s14 =	simm.s32 @!p0 $0x0  }
0x38: {  	[sflag:s5] =	ssyncset.done $0x0;
	s15 =	sshll.u32 s14, $0xE  }
0x39: {  	[sflag:s5] =	ssyncadd.s32 $0xFFFFC000;
	s17 =	sor.u32 $0x40, s15  }
0x3a: {  	s14 =	smul.u32 $0x10200, s14;
	v0 =	vld [tilespmem:s17+$0x30]  }
0x3b: {  	v1 =	vld [tilespmem:s17+$0xFFFFFFD0]  }
0x3c: {  	s14 =	sshrl.u32 s14, $0x2;
	v5 =	vld [tilespmem:s17+$0xFFFFFFE0]  }
0x3d: {  	v6 =	vld [tilespmem:s17+$0xFFFFFFF0];
	s15 =	sor.u32 $0x8000, s14  }
0x3e: {  	s31 =	sand.u32 $0x1, s11;
	v4 =	vld [tilespmem:s17+$0x0];
	s16 =	sadd.s32 $0x0, s15  }
0x3f: {  	v2 =	vld [tilespmem:s17+$0x10];
	s14 =	smul.u32 $0x10200, s31;
	[tilespmem:s16+$0x3870 ss:$0x81] =	vst.msk $0xffff, v0  }
0x40: {  	v3 =	vld [tilespmem:s17+$0x20];
	[tilespmem:s16+$0x810 ss:$0x81] =	vst.msk $0xffff, v1  }
0x41: {  	s14 =	sshrl.u32 s14, $0x2;
	v0 =	vld [tilespmem:s17+$0xFFFFFFC0];
	[tilespmem:s16+$0x1020 ss:$0x81] =	vst.msk $0xffff, v5;
	s17 =	sadd.s32 $0x80, s17  }
0x42: {  	s18 =	simm.s32 $0x4;
	s19 =	simm.s32 $0x8;
	s14 =	sor.u32 $0x8000, s14;
	[tilespmem:s16+$0x1830 ss:$0x81] =	vst.msk $0xffff, v6;
	v1 =	vld [tilespmem:s17+$0x30]  }
.LBB1_3:
0x43: {  	p1 =	sne.s32 s19, $0x1FC;
	v5 =	vld [tilespmem:s17+$0xFFFFFFD0];
	[tilespmem:s16+$0x2040 ss:$0x81] =	vst.msk $0xffff, v4  }
0x44: {  	v6 =	vld [tilespmem:s17+$0xFFFFFFE0];
	[tilespmem:s16+$0x2850 ss:$0x81] =	vst.msk $0xffff, v2  }
0x45: {  	s20 =	sshra.s32 s18, $0x2;
	s18 =	smov.u32 s19;
	v7 =	vld [tilespmem:s17+$0xFFFFFFF0];
	[tilespmem:s16+$0x3060 ss:$0x81] =	vst.msk $0xffff, v3  }
.Ltmp3:
0x46: {  	v4 =	vld [tilespmem:s17+$0x0];
	[tilespmem:s16+$0x0 ss:$0x81] =	vst.msk $0xffff, v0;
	s16 =	sadd.s32 s20, s15;
	(pc) =	sbr.rel @p1 .LBB1_3-.Ltmp3, $4  }
0x47: {  	v2 =	vld [tilespmem:s17+$0x10];
	[tilespmem:s16+$0x3870 ss:$0x81] =	vst.msk $0xffff, v1  }
0x48: {  	[tilespmem:s16+$0x810 ss:$0x81] =	vst.msk $0xffff, v5;
	v3 =	vld [tilespmem:s17+$0x20]  }
0x49: {  	v0 =	vld [tilespmem:s17+$0xFFFFFFC0];
	[tilespmem:s16+$0x1020 ss:$0x81] =	vst.msk $0xffff, v6;
	s17 =	sadd.s32 $0x80, s17  }
0x4a: {  	s19 =	sadd.s32 $0x4, s19;
	v1 =	vld [tilespmem:s17+$0x30];
	[tilespmem:s16+$0x1830 ss:$0x81] =	vst.msk $0xffff, v7  }
.Ltmp4:
0x4b: {  	_ = 	snop;
	(pc) =	sbr.rel .LBB1_4-.Ltmp4, $1  }
0x4c: {  	_ =	sdelay $0x3  }
.LBB1_6:
0x4d: {  	_ =	sfence.sel $0x180000  }
0x4e: {  	s2 =	simm.s32 $0x1;
	[bflag:$0x0] =	sbarrier.arrive $0xFFFF  }
0x4f: {  	s31 =	simm.s32 $0x2;
	[sflag:s2] =	ssyncpa.u1 $0x1  }
0x50: {  	[sflag:s31] =	ssyncpa.u1 $0x1  }
0x51: {  	p0 =	sne.s32 s0, $0x0;
	_ =	strace $0x90000056  }
0x52: {  	s0 =	sadd.s32 @!p0 $0x100000, s1;
	[bflag:$0x2] =	sbarrier.arrive $0xFFFF  }
0x53: {  	[sflag:s0] =	ssyncadd.tile.s32 @!p0 $0x1;
	_ =	shalt  }
.Lfunc_end1:
_tile_overlayer_lowered:
.L_overlay_start_2:
0x54: {  	(tag) =	ssettag $0x2  }
0x55: {  	s0 =	rddreg [dreg:$0x0];
	s2 =	stileid.u32  }
0x56: {  	s1 =	rddreg [dreg:$0x1];
	p0 =	sne.s32 s2, $0x0  }
0x57: {  	s3 =	rddreg [dreg:$0x2];
	[bflag:$0x3] =	sbarrier.arrive $0xFFFF;
	s2 =	simm.s32 @!p0 $0x1C01  }
0x58: {  	[timem:s3], [sflag:s2] =	dma.local @!p0 [hbm:s0], s1  }
0x59: {  	s0 =	simm.s32 @!p0 $0x1  }
0x5a: {  	_ =	swait.ge @!p0 [sflag:s0], s1  }
0x5b: {  	s1 =	ssub.s32 @!p0 $0x0, s1;
	[sflag:s0] =	ssyncset.done @!p0 $0x0  }
0x5c: {  	[sflag:s0] =	ssyncadd.s32 @!p0 s1  }
0x5d: {  	[bflag:$0x3] =	sbarrier.arrive $0xFFFF  }
0x5e: {  	_ =	shalt  }

// kernel: sparse-core-data-format-call.2.cloned.1.call-start
scs
called_computation.2_lowered:
.L_overlay_start_0:
0x0: {  	s2 =	sld [smem:$0x3FD9]  }
0x1: {  	s3 =	sld [smem:$0x3FFE];
	_ =	sdelay $0x1  }
0x2: {  	s1 =	srdreg.scid  }
0x3: {  	s0 =	sand.u32 $0x1, s1  }
0x4: {  	s18 =	sshll.u32 s0, $0xA;
	s2 =	sadd.s32 s3, s2  }
0x5: {  	s2 =	sadd.s32 s2, s18  }
0x6: {  	[smem:$0x3FAA] =	sst s2  }
0x7: {  	_ = 	snop  }
0x8: {  	(tm) =	ssettm $0x1  }
0x9: {  	s19 =	sld [smem:$0x3FFB];
	_ =	sdelay $0x3  }
0xa: {  	_ =	strace s19  }
0xb: {  	s2 =	sld [smem:$0x3FFC];
	_ =	sdelay $0x3  }
0xc: {  	_ =	strace s2  }
0xd: {  	s2 =	sld [smem:$0x3FFD];
	_ =	sdelay $0x3  }
0xe: {  	_ =	strace s2  }
0xf: {  	_ =	strace $0x8FFFFFFF  }
0x10: {  	s20 =	sld [smem:$0x3FDB];
	_ =	sdelay $0x1  }
0x11: {  	s21 =	simm.s32 $_scs_section_size  }
0x12: {  	s4 =	simm.s32 $_size__tile_overlayer_lowered;
	s5 =	simm.s32 $_tile_overlayer_lowered  }
0x13: {  	s6 =	simm.s32 $0x1BFF;
	s22 =	sshll.u32 s5, $0x1;
	s3 =	sadd.s32 s21, s20  }
0x14: {  	s23 =	simm.s32 $0x0;
	s4 =	sshll.u32 s4, $0x1;
	s5 =	sadd.s32 s22, s3  }
0x15: {  	[timem:s23], [sflag:s6] =	dma.local [hbm:s5], s4  }
0x16: {  	_ =	swait.ge [sflag:s6], s4  }
0x17: {  	s4 =	ssub.s32 $0x0, s4;
	[sflag:s6] =	ssyncset.done $0x0  }
0x18: {  	[sflag:s6] =	ssyncadd.s32 s4;
	_ =	sdelay $0x1  }
0x19: {  	s24 =	simm.s32 $0x1B8B  }
0x1a: {  	_ =	swait.ge [sflag:s24], $0x1  }
0x1b: {  	[sflag:s24] =	ssyncset.done $0x0  }
0x1c: {  	[sflag:s24] =	ssyncadd.s32 $0xFFFFFFFF  }
0x1d: {  	s4 =	sld [smem:$0x0]  }
0x1e: {  	s5 =	sand.u32 $0xFFFFFFFE, s1  }
0x1f: {  	p0 =	sne.s32 s1, s5  }
0x20: {  	s5 =	sshll.u32 @p0 s5, $0xE  }
0x21: {  	s5 =	sadd.s32 @p0 $0x11B8D, s5;
	s6 =	sshll.u32 @p0 s4, $0x11  }
0x22: {  	s5 =	sor.u32 @p0 s6, s5  }
0x23: {  	[sflag:s5] =	ssyncadd.remote.s32 @p0 $0x1;
	_ =	sdelay $0x1  }
0x24: {  	s5 =	simm.s32 @p0 $0x1B8D  }
0x25: {  	_ =	swait.eq @p0 [sflag:s5], $0x1  }
0x26: {  	[sflag:s5] =	ssyncadd.s32 @p0 $0xFFFFFFFF  }
0x27: {  	s6 =	sshll.u32 @!p0 s1, $0xE  }
0x28: {  	s6 =	sor.u32 @!p0 $0x4000, s6;
	s5 =	simm.s32 @!p0 $0x1B8D  }
0x29: {  	s4 =	sshll.u32 @!p0 s4, $0x11;
	s6 =	sadd.s32 @!p0 $0x11B8D, s6;
	_ =	swait.eq @!p0 [sflag:s5], $0x1  }
0x2a: {  	s4 =	sor.u32 @!p0 s4, s6;
	[sflag:s5] =	ssyncadd.s32 @!p0 $0xFFFFFFFF  }
0x2b: {  	s26 =	simm.s32 $0x1B8E;
	s25 =	sld [smem:$0x3FFE];
	[sflag:s4] =	ssyncadd.remote.s32 @!p0 $0x1  }
0x2c: {  	s27 =	simm.s32 $execute0_lowered;
	[smem:$0x3FD2] =	sst s26  }
0x2d: {  	s5 =	sshll.u32 s27, $0x1;
	_ =	strace $0x80000058;
	[dreg:$0x1] =	wrdreg $0xFFFFFFFF  }
0x2e: {  	s28 =	simm.s32 $_size_execute0_lowered;
	s3 =	sadd.s32 s3, s5;
	[dreg:$0x0] =	wrdreg $0x0  }
0x2f: {  	s5 =	sshll.u32 s28, $0x1;
	[dreg:$0x2] =	wrdreg s3  }
0x30: {  	[dreg:$0x3] =	wrdreg s5  }
0x31: {  	[dreg:$0x4] =	wrdreg $0xC0  }
0x32: {  	_ =	task [dreg:s23], $0x5FFFF  }
0x33: {  	[dreg:$0x1] =	wrdreg $0xFFFFFFFF  }
0x34: {  	[dreg:$0x0] =	wrdreg $0x60  }
0x35: {  	[dreg:$0x2] =	wrdreg s25  }
0x36: {  	[dreg:$0x3] =	wrdreg $0xA  }
0x37: {  	_ =	task.clear_ibuf [dreg:s23], $0x4FFFF;
	_ =	strace $0x90000058  }
0x38: {  	s29 =	simm.s32 $0xA;
	_ =	strace $0x8000005A  }
0x39: {  	_ =	swait.ge [sflag:s29], $0x1  }
0x3a: {  	[sflag:s29] =	ssyncadd.s32 $0xFFFFFFFF  }
0x3b: {  	_ =	strace $0x9000005A  }
0x3c: {  	_ =	sfence  }
0x3d: {  	s30 =	sld [smem:$0x0];
	_ =	sdelay $0x2  }
0x3e: {  	s31 =	sshll.u32 s1, $0xD;
	s1 =	sshrl.u32 s1, $0x2  }
0x3f: {  	s4 =	sand.u32 $0x4000, s31;
	s1 =	sadd.s32 s1, s30  }
0x40: {  	s0 =	sor.u32 s4, s0;
	s1 =	sshll.u32 s1, $0x11  }
0x41: {  	s0 =	sor.u32 s1, s0  }
0x42: {  	s0 =	sadd.s32 $0x8F2B, s0  }
0x43: {  	[sflag:s0] =	ssyncadd.remote.s32 $0x1  }
0x44: {  	_ =	sfence.sel $0xFFFF  }
0x45: {  	[dreg:$0x0] =	wrdreg $0xFFFFFFFF;
	(pc) =	sbr.abs _section_cstart, $3  }
0x46: {  	[dreg:$0x1] =	wrdreg $0xFFFFFFFF  }
0x47: {  	_ =	task.clear_ibuf [dreg:s23], $0x2FFFF;
	_ =	strace $0x9FFFFFFF  }
0x48: {  	(tm) =	ssettm $0x7FFFFFFF  }
0x49: {  	_ =	shalt  }
tec
execute0_lowered:
.L_overlay_start_1:
0x0: {  	(tag) =	ssettag $0x1  }
0x1: {  	s0 =	stileid.u32;
	s1 =	srdreg.scid  }
0x2: {  	s7 =	rddreg [dreg:$0x0];
	s31 =	simm.s32 $0x2;
	s14 =	simm.s32 $0x0  }
0x3: {  	s13 =	simm.s32 $0x0;
	s12 =	simm.s32 $0x0;
	s2 =	sshll.u32 s0, $0x7  }
0x4: {  	s3 =	sshll.u32 s0, $0x5;
	s1 =	sshll.u32 s1, $0x9;
	s2 =	sand.u32 $0x180, s2  }
0x5: {  	s3 =	sor.u32 s3, s1;
	s1 =	rddreg [dreg:$0x1];
	_ =	strace $0x80000059  }
0x6: {  	s3 =	sand.u32 $0x380, s3;
	s4 =	ssub.s32 $0x200, s2;
	s11 =	smov.u32 s2  }
0x7: {  	s5 =	sand.u32 $0x180, s4;
	s6 =	ssub.s32 $0x28000, s3;
	s9 =	sshrl.u32 s4, $0x9  }
0x8: {  	p0 =	sne.s32 s5, $0x0;
	s5 =	simm.s32 $0x1;
	s8 =	sand.u32 $0x380, s6  }
0x9: {  	s5 =	simm.s32 @!p0 $0x0;
	p0 =	sne.s32 s8, $0x0;
	s8 =	simm.s32 $0x1  }
.Ltmp0:
0xa: {  	s6 =	sshrl.u32 s6, $0xA;
	s8 =	simm.s32 @!p0 $0x0;
	(pc) =	sbr.rel .LBB1_1-.Ltmp0, $4  }
0xb: {  	s4 =	simm.s32 $0x1;
	s5 =	sadd.s32 s5, s9;
	s6 =	sadd.s32 s8, s6  }
0xc: {  	s10 =	smov.u32 s3;
	[sflag:s4] =	ssyncpa.u1 $0x0;
	s5 =	smul.u32 s5, s6  }
0xd: {  	[sflag:s31] =	ssyncpa.u1 $0x0;
	p0 =	por $0x0, $0x0;
	s9 =	simm.s32 $0x1000  }
0xe: {  	s6 =	sadd.s32 $0x1EDE400, s7;
	s7 =	sadd.s32 $0x14DE400, s7;
	s8 =	sadd.s32 $0x1, s5  }
.LBB1_4:
0xf: {  	s20 =	sshll.u32 s14, $0x9;
	s21 =	sshll.u32 s13, $0x3  }
0x10: {  	v5 =	vld [tilespmem:s18+$0xFFFFFFD0];
	[tilespmem:s17+$0x2040 ss:$0x81] =	vst.msk $0xffff, v4;
	s25 =	sshll.u32 s14, $0x7;
	s20 =	sand.u32 $0xFFFFF000, s20;
	s21 =	sand.u32 $0xFFFFFC00, s21  }
0x11: {  	v58 =	vld [tilespmem:s18+$0xFFFFFFE0];
	[tilespmem:s17+$0x2850 ss:$0x81] =	vst.msk $0xffff, v3;
	s26 =	sand.u32 $0x200, s25;
	s20 =	sadd.s32 s21, s20  }
0x12: {  	s19 =	sshra.s32 s19, $0x2;
	v59 =	vld [tilespmem:s18+$0xFFFFFFF0];
	[tilespmem:s17+$0x3060 ss:$0x81] =	vst.msk $0xffff, v2;
	s20 =	sor.u32 s26, s20  }
0x13: {  	v60 =	vld [tilespmem:s18+$0x0];
	[tilespmem:s17+$0x0 ss:$0x81] =	vst.msk $0xffff, v0;
	s16 =	sadd.s32 s19, s16;
	s27 =	sshrl.u32 s20, $0x9  }
0x14: {  	v61 =	vld [tilespmem:s18+$0x10];
	[tilespmem:s16+$0x3870 ss:$0x81] =	vst.msk $0xffff, v1;
	s28 =	smulhi.u32 $0x666667, s27  }
0x15: {  	v62 =	vld [tilespmem:s18+$0x20];
	[tilespmem:s16+$0x810 ss:$0x81] =	vst.msk $0xffff, v5  }
0x16: {  	v63 =	vld [tilespmem:s18+$0xFFFFFFC0];
	[tilespmem:s16+$0x1020 ss:$0x81] =	vst.msk $0xffff, v58;
	s29 =	sshrl.u32 s28, $0x8  }
0x17: {  	s30 =	sand.u32 $0x78, s13;
	s14 =	sand.u32 $0x180, s25;
	[tilespmem:s16+$0x1830 ss:$0x81] =	vst.msk $0xffff, v59;
	s18 =	smul.u32 $0x28000, s29  }
0x18: {  	s14 =	sor.u32 s30, s14;
	[tilespmem:s16+$0x2040 ss:$0x81] =	vst.msk $0xffff, v60  }
0x19: {  	s31 =	sand.u32 $0x7, s13;
	s14 =	sshrl.u32 s14, $0x3;
	[tilespmem:s16+$0x2850 ss:$0x81] =	vst.msk $0xffff, v61;
	s17 =	ssub.s32 s27, s18  }
0x1a: {  	s13 =	sshll.u32 s31, $0x12;
	s14 =	sadd.s32 s7, s14;
	[tilespmem:s16+$0x3060 ss:$0x81] =	vst.msk $0xffff, v62;
	s17 =	sshll.u32 s17, $0x6  }
0x1b: {  	s13 =	sor.u32 $0x400, s13;
	[tilespmem:s16+$0x0 ss:$0x81] =	vst.msk $0xffff, v63;
	s14 =	sadd.s32 s17, s14  }
0x1c: {  	[hbm4b:s14+s13] =	stream.strided.scatter [tilespmem:s15], [sflag:$0x2], $0x4000, s9, s13, $0x20;
	[tilespmem:$0x10100] =	vst v63  }
.LBB1_5:
0x1d: {  	s15 =	sadd.s32 $0x400, s10  }
0x1e: {  	s13 =	sadd.s32 $0x200, s11;
	s17 =	smov.u32 s11;
	p2 =	sgt.s32 s15, $0x27FFF  }
0x1f: {  	s17 =	smov.u32 @p2 s13  }
0x20: {  	s15 =	smov.u32 @p2 s3;
	p2 =	sgt.s32 s17, $0x1FF  }
0x21: {  	s17 =	smov.u32 @p2 s2;
	p2 =	sne.s32 s12, s8  }
.Ltmp1:
0x22: {  	p1 =	slt.u32 s12, $0x2;
	(pc) =	sbr.rel @!p2 .LBB1_6-.Ltmp1, $4  }
0x23: {  	s16 =	simm.s32 @!p1 $0x2  }
0x24: {  	s14 =	smov.u32 s10;
	p0 =	por !p0, !p0;
	_ =	swait.ge @!p1 [sflag:s16], $0x4000  }
0x25: {  	s13 =	smov.u32 s11;
	[sflag:s16] =	ssyncset.done @!p1 $0x0;
	s10 =	smov.u32 s15  }
0x26: {  	s12 =	sadd.s32 $0x1, s12;
	[sflag:s16] =	ssyncadd.s32 @!p1 $0xFFFFC000;
	s11 =	smov.u32 s17  }
.LBB1_1:
0x27: {  	p1 =	sge.u32 s12, s5  }
0x28: {  	s15 =	sshrl.u32 @!p1 s11, $0x3  }
0x29: {  	s16 =	sshll.u32 @!p1 s10, $0x3;
	s17 =	sshll.u32 @!p1 s11, $0x7;
	s15 =	smul.u32 @!p1 $0x140000, s15  }
0x2a: {  	s18 =	sand.u32 @!p1 $0x7F, s10;
	s16 =	sand.u32 @!p1 $0xFFFFFC00, s16;
	s17 =	sand.u32 @!p1 $0x380, s17  }
0x2b: {  	s15 =	sadd.s32 @!p1 s15, s16;
	s16 =	sor.u32 @!p1 s18, s17  }
0x2c: {  	s16 =	sor.u32 @!p1 s15, s16  }
0x2d: {  	s17 =	smulhi.u32 @!p1 $0xCCCCCCCD, s16;
	_ =	sdelay $0x1  }
0x2e: {  	s15 =	smulhi.u32 @!p1 $0xCCCCCCCD, s15;
	s17 =	sshrl.u32 @!p1 s17, $0x11  }
0x2f: {  	s17 =	smul.u32 @!p1 $0x28000, s17  }
0x30: {  	s31 =	sadd.s32 $0xFFFFFFFF, s12;
	s18 =	sxor.u32 @!p1 $0xFFFFFFFF, s12;
	s15 =	sshrl.u32 @!p1 s15, $0x11  }
0x31: {  	s18 =	sshll.u32 @!p1 s18, $0xE;
	s15 =	sand.u32 @!p1 $0x1FF, s15;
	s16 =	ssub.s32 @!p1 s16, s17  }
0x32: {  	s15 =	smul.u32 @!p1 $0x5000, s15;
	s17 =	sshrl.u32 @!p1 s16, $0x3;
	s16 =	sand.u32 @!p1 $0x7, s16  }
0x33: {  	s18 =	sand.u32 @!p1 $0x4000, s18;
	s17 =	sadd.s32 @!p1 s6, s17;
	s16 =	sshll.u32 @!p1 s16, $0x12  }
0x34: {  	s15 =	sadd.s32 @!p1 s15, s17;
	s16 =	sor.u32 @!p1 $0x400, s16;
	s17 =	simm.s32 @!p1 $0x140000  }
0x35: {  	[tilespmem:s18], [sflag:$0x1] =	stream.strided.gather @!p1 [hbm4b:s15+s16], $0x4000, s17, s16, $0x38;
	[tilespmem:$0x10100] =	vst v63  }
0x36: {  	p1 =	sge.u32 s31, s5  }
.Ltmp2:
0x37: {  	_ = 	snop;
	(pc) =	sbr.rel @p1 .LBB1_5-.Ltmp2, $1  }
0x38: {  	_ =	sdelay $0x3  }
0x39: {  	s15 =	simm.s32 $0x1  }
0x3a: {  	_ =	swait.ge [sflag:s4], $0x4000;
	s15 =	simm.s32 @!p0 $0x0  }
0x3b: {  	[sflag:s4] =	ssyncset.done $0x0;
	s16 =	sshll.u32 s15, $0xE  }
0x3c: {  	[sflag:s4] =	ssyncadd.s32 $0xFFFFC000;
	s18 =	sor.u32 $0x40, s16  }
0x3d: {  	s15 =	smul.u32 $0x10200, s15;
	v0 =	vld [tilespmem:s18+$0x30]  }
0x3e: {  	v1 =	vld [tilespmem:s18+$0xFFFFFFD0]  }
0x3f: {  	s15 =	sshrl.u32 s15, $0x2;
	v5 =	vld [tilespmem:s18+$0xFFFFFFE0]  }
0x40: {  	v6 =	vld [tilespmem:s18+$0xFFFFFFF0];
	s16 =	sor.u32 $0x8000, s15  }
0x41: {  	s31 =	sand.u32 $0x1, s12;
	v4 =	vld [tilespmem:s18+$0x0];
	s17 =	sadd.s32 $0x0, s16  }
0x42: {  	v3 =	vld [tilespmem:s18+$0x10];
	s15 =	smul.u32 $0x10200, s31;
	[tilespmem:s17+$0x3870 ss:$0x81] =	vst.msk $0xffff, v0  }
0x43: {  	v2 =	vld [tilespmem:s18+$0x20];
	[tilespmem:s17+$0x810 ss:$0x81] =	vst.msk $0xffff, v1  }
0x44: {  	s15 =	sshrl.u32 s15, $0x2;
	v0 =	vld [tilespmem:s18+$0xFFFFFFC0];
	[tilespmem:s17+$0x1020 ss:$0x81] =	vst.msk $0xffff, v5;
	s18 =	sadd.s32 $0x80, s18  }
0x45: {  	s19 =	simm.s32 $0x4;
	s20 =	simm.s32 $0x8;
	s15 =	sor.u32 $0x8000, s15;
	[tilespmem:s17+$0x1830 ss:$0x81] =	vst.msk $0xffff, v6;
	v1 =	vld [tilespmem:s18+$0x30]  }
.LBB1_3:
0x46: {  	p1 =	sne.s32 s20, $0x1FC;
	v5 =	vld [tilespmem:s18+$0xFFFFFFD0];
	[tilespmem:s17+$0x2040 ss:$0x81] =	vst.msk $0xffff, v4  }
0x47: {  	v6 =	vld [tilespmem:s18+$0xFFFFFFE0];
	[tilespmem:s17+$0x2850 ss:$0x81] =	vst.msk $0xffff, v3  }
0x48: {  	s21 =	sshra.s32 s19, $0x2;
	s19 =	smov.u32 s20;
	v7 =	vld [tilespmem:s18+$0xFFFFFFF0];
	[tilespmem:s17+$0x3060 ss:$0x81] =	vst.msk $0xffff, v2  }
.Ltmp3:
0x49: {  	v4 =	vld [tilespmem:s18+$0x0];
	[tilespmem:s17+$0x0 ss:$0x81] =	vst.msk $0xffff, v0;
	s17 =	sadd.s32 s21, s16;
	(pc) =	sbr.rel @p1 .LBB1_3-.Ltmp3, $4  }
0x4a: {  	v3 =	vld [tilespmem:s18+$0x10];
	[tilespmem:s17+$0x3870 ss:$0x81] =	vst.msk $0xffff, v1  }
0x4b: {  	[tilespmem:s17+$0x810 ss:$0x81] =	vst.msk $0xffff, v5;
	v2 =	vld [tilespmem:s18+$0x20]  }
0x4c: {  	v0 =	vld [tilespmem:s18+$0xFFFFFFC0];
	[tilespmem:s17+$0x1020 ss:$0x81] =	vst.msk $0xffff, v6;
	s18 =	sadd.s32 $0x80, s18  }
0x4d: {  	s20 =	sadd.s32 $0x4, s20;
	v1 =	vld [tilespmem:s18+$0x30];
	[tilespmem:s17+$0x1830 ss:$0x81] =	vst.msk $0xffff, v7  }
.Ltmp4:
0x4e: {  	_ = 	snop;
	(pc) =	sbr.rel .LBB1_4-.Ltmp4, $1  }
0x4f: {  	_ =	sdelay $0x3  }
.LBB1_6:
0x50: {  	_ =	sfence.sel $0x180000  }
0x51: {  	s2 =	simm.s32 $0x1;
	[bflag:$0x0] =	sbarrier.arrive $0xFFFF  }
0x52: {  	s31 =	simm.s32 $0x2;
	[sflag:s2] =	ssyncpa.u1 $0x1  }
0x53: {  	[sflag:s31] =	ssyncpa.u1 $0x1  }
0x54: {  	p0 =	sne.s32 s0, $0x0;
	_ =	strace $0x90000059  }
0x55: {  	s0 =	sadd.s32 @!p0 $0x100000, s1;
	[bflag:$0x2] =	sbarrier.arrive $0xFFFF  }
0x56: {  	[sflag:s0] =	ssyncadd.tile.s32 @!p0 $0x1;
	_ =	shalt  }
.Lfunc_end1:
_tile_overlayer_lowered:
.L_overlay_start_2:
0x57: {  	(tag) =	ssettag $0x2  }
0x58: {  	s0 =	rddreg [dreg:$0x0];
	s2 =	stileid.u32  }
0x59: {  	s1 =	rddreg [dreg:$0x1];
	p0 =	sne.s32 s2, $0x0  }
0x5a: {  	s3 =	rddreg [dreg:$0x2];
	[bflag:$0x3] =	sbarrier.arrive $0xFFFF;
	s2 =	simm.s32 @!p0 $0x1C01  }
0x5b: {  	[timem:s3], [sflag:s2] =	dma.local @!p0 [hbm:s0], s1  }
0x5c: {  	s0 =	simm.s32 @!p0 $0x1  }
0x5d: {  	_ =	swait.ge @!p0 [sflag:s0], s1  }
0x5e: {  	s1 =	ssub.s32 @!p0 $0x0, s1;
	[sflag:s0] =	ssyncset.done @!p0 $0x0  }
0x5f: {  	[sflag:s0] =	ssyncadd.s32 @!p0 s1  }
0x60: {  	[bflag:$0x3] =	sbarrier.arrive $0xFFFF  }
0x61: {  	_ =	shalt  }

// kernel: sparse-core-data-format-call.3.cloned.1.call-start
scs
called_computation.3_lowered:
.L_overlay_start_0:
0x0: {  	s1 =	sld [smem:$0x3FD9]  }
0x1: {  	s2 =	sld [smem:$0x3FFE];
	_ =	sdelay $0x1  }
0x2: {  	s3 =	srdreg.scid  }
0x3: {  	s0 =	sand.u32 $0x1, s3  }
0x4: {  	s17 =	sshll.u32 s0, $0xA;
	s1 =	sadd.s32 s2, s1  }
0x5: {  	s1 =	sadd.s32 s1, s17  }
0x6: {  	[smem:$0x3FAA] =	sst s1  }
0x7: {  	_ = 	snop  }
0x8: {  	(tm) =	ssettm $0x1  }
0x9: {  	s18 =	sld [smem:$0x3FFB];
	_ =	sdelay $0x3  }
0xa: {  	_ =	strace s18  }
0xb: {  	s1 =	sld [smem:$0x3FFC];
	_ =	sdelay $0x3  }
0xc: {  	_ =	strace s1  }
0xd: {  	s1 =	sld [smem:$0x3FFD];
	_ =	sdelay $0x3  }
0xe: {  	_ =	strace s1  }
0xf: {  	_ =	strace $0x8FFFFFFF  }
0x10: {  	s19 =	sld [smem:$0x3FDB];
	_ =	sdelay $0x1  }
0x11: {  	s20 =	simm.s32 $_scs_section_size  }
0x12: {  	s4 =	simm.s32 $_size__tile_overlayer_lowered;
	s5 =	simm.s32 $_tile_overlayer_lowered  }
0x13: {  	s23 =	simm.s32 $0x1BFF;
	s22 =	sshll.u32 s5, $0x1;
	s1 =	sadd.s32 s20, s19  }
0x14: {  	s6 =	simm.s32 $0x0;
	s21 =	sshll.u32 s4, $0x1;
	s4 =	sadd.s32 s22, s1  }
0x15: {  	[timem:s6], [sflag:s23] =	dma.local [hbm:s4], s21  }
0x16: {  	_ =	swait.ge [sflag:s23], s21  }
0x17: {  	s2 =	ssub.s32 $0x0, s21;
	[sflag:s23] =	ssyncset.done $0x0  }
0x18: {  	[sflag:s23] =	ssyncadd.s32 s2;
	_ =	sdelay $0x1  }
0x19: {  	s24 =	simm.s32 $0x1B8B  }
0x1a: {  	_ =	swait.ge [sflag:s24], $0x1  }
0x1b: {  	[sflag:s24] =	ssyncset.done $0x0  }
0x1c: {  	s26 =	simm.s32 $0x1B8E;
	s25 =	sld [smem:$0x3FFE];
	[sflag:s24] =	ssyncadd.s32 $0xFFFFFFFF  }
0x1d: {  	s27 =	simm.s32 $execute0_lowered;
	[smem:$0x3FD2] =	sst s26  }
0x1e: {  	s4 =	sshll.u32 s27, $0x1;
	_ =	strace $0x80000052;
	[dreg:$0x1] =	wrdreg $0xFFFFFFFF  }
0x1f: {  	s28 =	simm.s32 $_size_execute0_lowered;
	s1 =	sadd.s32 s1, s4;
	[dreg:$0x0] =	wrdreg $0x0  }
0x20: {  	s4 =	sshll.u32 s28, $0x1;
	[dreg:$0x2] =	wrdreg s1  }
0x21: {  	[dreg:$0x3] =	wrdreg s4  }
0x22: {  	[dreg:$0x4] =	wrdreg $0xC0  }
0x23: {  	_ =	task [dreg:s6], $0x5FFFF  }
0x24: {  	[dreg:$0x1] =	wrdreg $0xFFFFFFFF  }
0x25: {  	[dreg:$0x0] =	wrdreg $0x60  }
0x26: {  	[dreg:$0x2] =	wrdreg s25  }
0x27: {  	[dreg:$0x3] =	wrdreg $0xA  }
0x28: {  	_ =	task.clear_ibuf [dreg:s6], $0x4FFFF;
	_ =	strace $0x90000052  }
0x29: {  	s29 =	simm.s32 $0xA;
	_ =	strace $0x80000054  }
0x2a: {  	_ =	swait.ge [sflag:s29], $0x1  }
0x2b: {  	[sflag:s29] =	ssyncadd.s32 $0xFFFFFFFF  }
0x2c: {  	_ =	strace $0x90000054  }
0x2d: {  	_ =	sfence  }
0x2e: {  	s30 =	sld [smem:$0x0];
	_ =	sdelay $0x2  }
0x2f: {  	s31 =	sshll.u32 s3, $0xD;
	s3 =	sshrl.u32 s3, $0x2  }
0x30: {  	s2 =	sand.u32 $0x4000, s31;
	s1 =	sadd.s32 s3, s30  }
0x31: {  	s0 =	sor.u32 s2, s0;
	s1 =	sshll.u32 s1, $0x11  }
0x32: {  	s0 =	sor.u32 s1, s0  }
0x33: {  	s0 =	sadd.s32 $0x8F2B, s0  }
0x34: {  	[sflag:s0] =	ssyncadd.remote.s32 $0x1  }
0x35: {  	_ =	sfence.sel $0xFFFF  }
0x36: {  	[dreg:$0x0] =	wrdreg $0xFFFFFFFF;
	(pc) =	sbr.abs _section_cstart, $3  }
0x37: {  	[dreg:$0x1] =	wrdreg $0xFFFFFFFF  }
0x38: {  	_ =	task.clear_ibuf [dreg:s6], $0x2FFFF;
	_ =	strace $0x9FFFFFFF  }
0x39: {  	(tm) =	ssettm $0x7FFFFFFF  }
tec
execute0_lowered:
.L_overlay_start_1:
0x0: {  	(tag) =	ssettag $0x1  }
0x1: {  	s0 =	srdreg.scid;
	s4 =	rddreg [dreg:$0x0]  }
0x2: {  	s7 =	simm.s32 $0x1;
	s8 =	simm.s32 $0x2;
	s1 =	sshll.u32 s0, $0x4  }
0x3: {  	s12 =	simm.s32 $0x0;
	s0 =	stileid.u32;
	s1 =	sand.u32 $0x10, s1  }
0x4: {  	s13 =	simm.s32 $0x0;
	s9 =	simm.s32 $0x0;
	s2 =	sor.u32 s0, s1  }
0x5: {  	s11 =	simm.s32 $0x0;
	s3 =	sadd.s32 $0xADE400, s4;
	s2 =	sshll.u32 s2, $0x7  }
0x6: {  	s4 =	sadd.s32 $0x9200, s4;
	s1 =	rddreg [dreg:$0x1];
	s6 =	ssub.s32 $0x28000, s2  }
.Ltmp0:
0x7: {  	_ =	strace $0x80000053;
	s5 =	sand.u32 $0xF80, s6;
	(pc) =	sbr.rel .LBB1_1-.Ltmp0, $4  }
0x8: {  	s10 =	smov.u32 s2;
	p0 =	sne.s32 s5, $0x0;
	s5 =	simm.s32 $0x1  }
0x9: {  	s6 =	sshrl.u32 s6, $0xC;
	s7 =	simm.s32 @!p0 $0x0;
	[sflag:s5] =	ssyncpa.u1 $0x0  }
0xa: {  	p0 =	por $0x0, $0x0;
	s7 =	sadd.s32 s7, s6;
	[sflag:s8] =	ssyncpa.u1 $0x0  }
0xb: {  	s8 =	simm.s32 $0x140000;
	s6 =	sshll.u32 s7, $0x1;
	s7 =	sshllo.u32 s7, $0x1  }
.LBB1_4:
0xc: {  	s19 =	sshrl.u32 s12, $0x3  }
0xd: {  	s20 =	sshll.u32 s13, $0x3;
	s24 =	sshll.u32 s12, $0x7;
	s19 =	smul.u32 $0x140000, s19  }
0xe: {  	v5 =	vld [tilespmem:s17+$0xFFFFFFD0];
	[tilespmem:s16+$0x2040 ss:$0x81] =	vst.msk $0xffff, v4;
	s25 =	sand.u32 $0x7F, s13;
	s20 =	sand.u32 $0xFFFFFC00, s20;
	s12 =	sand.u32 $0x380, s24  }
0xf: {  	v58 =	vld [tilespmem:s17+$0xFFFFFFE0];
	[tilespmem:s16+$0x2850 ss:$0x81] =	vst.msk $0xffff, v2;
	s12 =	sor.u32 s25, s12;
	s19 =	sadd.s32 s20, s19  }
0x10: {  	s26 =	sshra.s32 s18, $0x2;
	v59 =	vld [tilespmem:s17+$0xFFFFFFF0];
	[tilespmem:s16+$0x3060 ss:$0x81] =	vst.msk $0xffff, v3;
	s12 =	sor.u32 s19, s12  }
0x11: {  	v60 =	vld [tilespmem:s17+$0x0];
	[tilespmem:s16+$0x0 ss:$0x81] =	vst.msk $0xffff, v0;
	s13 =	sadd.s32 s26, s15;
	s27 =	smulhi.u32 $0xCCCCCCCD, s12  }
0x12: {  	v61 =	vld [tilespmem:s17+$0x10];
	[tilespmem:s13+$0x3870 ss:$0x81] =	vst.msk $0xffff, v1  }
0x13: {  	v62 =	vld [tilespmem:s17+$0x20];
	s28 =	smulhi.u32 $0xCCCCCCCD, s19;
	[tilespmem:s13+$0x810 ss:$0x81] =	vst.msk $0xffff, v5;
	s15 =	sshrl.u32 s27, $0x11  }
0x14: {  	v63 =	vld [tilespmem:s17+$0xFFFFFFC0];
	[tilespmem:s13+$0x1020 ss:$0x81] =	vst.msk $0xffff, v58;
	s15 =	smul.u32 $0x28000, s15  }
0x15: {  	[tilespmem:s13+$0x1830 ss:$0x81] =	vst.msk $0xffff, v59;
	s16 =	sshrl.u32 s28, $0x11  }
0x16: {  	[tilespmem:s13+$0x2040 ss:$0x81] =	vst.msk $0xffff, v60;
	s29 =	sand.u32 $0xFF, s16;
	s12 =	ssub.s32 s12, s15  }
0x17: {  	[tilespmem:s13+$0x2850 ss:$0x81] =	vst.msk $0xffff, v61;
	s15 =	smul.u32 $0x5000, s29;
	s30 =	sshrl.u32 s12, $0x3;
	s12 =	sand.u32 $0x7, s12  }
0x18: {  	[tilespmem:s13+$0x3060 ss:$0x81] =	vst.msk $0xffff, v62;
	s16 =	sadd.s32 s4, s30;
	s12 =	sshll.u32 s12, $0x12  }
0x19: {  	[tilespmem:s13+$0x0 ss:$0x81] =	vst.msk $0xffff, v63;
	s31 =	sadd.s32 s15, s16;
	s12 =	sor.u32 $0x400, s12  }
0x1a: {  	[hbm4b:s31+s12] =	stream.strided.scatter [tilespmem:s14], [sflag:$0x2], $0x4000, s8, s12, $0x20;
	[tilespmem:$0x10100] =	vst v63  }
.LBB1_5:
0x1b: {  	s14 =	sadd.s32 $0x80, s9  }
0x1c: {  	s12 =	sadd.s32 $0x1000, s10;
	s16 =	smov.u32 s10;
	p2 =	sgt.s32 s14, $0xFF  }
0x1d: {  	s16 =	smov.u32 @p2 s12  }
0x1e: {  	s14 =	simm.s32 @p2 $0x0;
	p2 =	sgt.s32 s16, $0x27FFF  }
0x1f: {  	s16 =	smov.u32 @p2 s2;
	p2 =	sne.s32 s11, s7  }
.Ltmp1:
0x20: {  	p1 =	slt.u32 s11, $0x2;
	(pc) =	sbr.rel @!p2 .LBB1_6-.Ltmp1, $4  }
0x21: {  	s15 =	simm.s32 @!p1 $0x2  }
0x22: {  	s13 =	smov.u32 s10;
	p0 =	por !p0, !p0;
	_ =	swait.ge @!p1 [sflag:s15], $0x4000  }
0x23: {  	s12 =	smov.u32 s9;
	[sflag:s15] =	ssyncset.done @!p1 $0x0;
	s9 =	smov.u32 s14  }
0x24: {  	s11 =	sadd.s32 $0x1, s11;
	[sflag:s15] =	ssyncadd.s32 @!p1 $0xFFFFC000;
	s10 =	smov.u32 s16  }
.LBB1_1:
0x25: {  	p1 =	sge.u32 s11, s6  }
0x26: {  	s14 =	sshll.u32 @!p1 s10, $0x8;
	s15 =	sshll.u32 @!p1 s9, $0x3  }
0x27: {  	s16 =	sshll.u32 @!p1 s10, $0x7;
	s14 =	sand.u32 @!p1 $0xFFFFF800, s14;
	s15 =	sand.u32 @!p1 $0xFFFFFC00, s15  }
0x28: {  	s14 =	sadd.s32 @!p1 s14, s15;
	s15 =	sand.u32 @!p1 $0x300, s16  }
0x29: {  	s14 =	sor.u32 @!p1 s15, s14  }
0x2a: {  	s14 =	sshrl.u32 @!p1 s14, $0x8  }
0x2b: {  	s15 =	smulhi.u32 @!p1 $0xCCCCCD, s14;
	_ =	sdelay $0x1  }
0x2c: {  	s17 =	sxor.u32 @!p1 $0xFFFFFFFF, s11;
	s18 =	sand.u32 @!p1 $0x78, s9;
	s15 =	sshrl.u32 @!p1 s15, $0x9  }
0x2d: {  	s17 =	sshll.u32 @!p1 s17, $0xE;
	s16 =	sand.u32 @!p1 $0x80, s16;
	s15 =	smul.u32 @!p1 $0x28000, s15  }
0x2e: {  	s31 =	sadd.s32 $0xFFFFFFFF, s11;
	s17 =	sand.u32 @!p1 $0x4000, s17;
	s16 =	sor.u32 @!p1 s18, s16  }
0x2f: {  	s14 =	ssub.s32 @!p1 s14, s15;
	s15 =	sshrl.u32 @!p1 s16, $0x3;
	s16 =	sand.u32 @!p1 $0x7, s9  }
0x30: {  	s14 =	sshll.u32 @!p1 s14, $0x5;
	s15 =	sadd.s32 @!p1 s3, s15;
	s16 =	sshll.u32 @!p1 s16, $0x12  }
0x31: {  	s14 =	sadd.s32 @!p1 s14, s15;
	s15 =	sor.u32 @!p1 $0x400, s16;
	s16 =	simm.s32 @!p1 $0x800  }
0x32: {  	[tilespmem:s17], [sflag:$0x1] =	stream.strided.gather @!p1 [hbm4b:s14+s15], $0x4000, s16, s15, $0x38;
	[tilespmem:$0x10100] =	vst v63  }
0x33: {  	p1 =	sge.u32 s31, s6  }
.Ltmp2:
0x34: {  	_ = 	snop;
	(pc) =	sbr.rel @p1 .LBB1_5-.Ltmp2, $1  }
0x35: {  	_ =	sdelay $0x3  }
0x36: {  	s14 =	simm.s32 $0x1  }
0x37: {  	_ =	swait.ge [sflag:s5], $0x4000;
	s14 =	simm.s32 @!p0 $0x0  }
0x38: {  	[sflag:s5] =	ssyncset.done $0x0;
	s15 =	sshll.u32 s14, $0xE  }
0x39: {  	[sflag:s5] =	ssyncadd.s32 $0xFFFFC000;
	s17 =	sor.u32 $0x40, s15  }
0x3a: {  	s14 =	smul.u32 $0x10200, s14;
	v0 =	vld [tilespmem:s17+$0x30]  }
0x3b: {  	v1 =	vld [tilespmem:s17+$0xFFFFFFD0]  }
0x3c: {  	s14 =	sshrl.u32 s14, $0x2;
	v5 =	vld [tilespmem:s17+$0xFFFFFFE0]  }
0x3d: {  	v6 =	vld [tilespmem:s17+$0xFFFFFFF0];
	s15 =	sor.u32 $0x8000, s14  }
0x3e: {  	s31 =	sand.u32 $0x1, s11;
	v4 =	vld [tilespmem:s17+$0x0];
	s16 =	sadd.s32 $0x0, s15  }
0x3f: {  	v2 =	vld [tilespmem:s17+$0x10];
	s14 =	smul.u32 $0x10200, s31;
	[tilespmem:s16+$0x3870 ss:$0x81] =	vst.msk $0xffff, v0  }
0x40: {  	v3 =	vld [tilespmem:s17+$0x20];
	[tilespmem:s16+$0x810 ss:$0x81] =	vst.msk $0xffff, v1  }
0x41: {  	s14 =	sshrl.u32 s14, $0x2;
	v0 =	vld [tilespmem:s17+$0xFFFFFFC0];
	[tilespmem:s16+$0x1020 ss:$0x81] =	vst.msk $0xffff, v5;
	s17 =	sadd.s32 $0x80, s17  }
0x42: {  	s18 =	simm.s32 $0x4;
	s19 =	simm.s32 $0x8;
	s14 =	sor.u32 $0x8000, s14;
	[tilespmem:s16+$0x1830 ss:$0x81] =	vst.msk $0xffff, v6;
	v1 =	vld [tilespmem:s17+$0x30]  }
.LBB1_3:
0x43: {  	p1 =	sne.s32 s19, $0x1FC;
	v5 =	vld [tilespmem:s17+$0xFFFFFFD0];
	[tilespmem:s16+$0x2040 ss:$0x81] =	vst.msk $0xffff, v4  }
0x44: {  	v6 =	vld [tilespmem:s17+$0xFFFFFFE0];
	[tilespmem:s16+$0x2850 ss:$0x81] =	vst.msk $0xffff, v2  }
0x45: {  	s20 =	sshra.s32 s18, $0x2;
	s18 =	smov.u32 s19;
	v7 =	vld [tilespmem:s17+$0xFFFFFFF0];
	[tilespmem:s16+$0x3060 ss:$0x81] =	vst.msk $0xffff, v3  }
.Ltmp3:
0x46: {  	v4 =	vld [tilespmem:s17+$0x0];
	[tilespmem:s16+$0x0 ss:$0x81] =	vst.msk $0xffff, v0;
	s16 =	sadd.s32 s20, s15;
	(pc) =	sbr.rel @p1 .LBB1_3-.Ltmp3, $4  }
0x47: {  	v2 =	vld [tilespmem:s17+$0x10];
	[tilespmem:s16+$0x3870 ss:$0x81] =	vst.msk $0xffff, v1  }
0x48: {  	[tilespmem:s16+$0x810 ss:$0x81] =	vst.msk $0xffff, v5;
	v3 =	vld [tilespmem:s17+$0x20]  }
0x49: {  	v0 =	vld [tilespmem:s17+$0xFFFFFFC0];
	[tilespmem:s16+$0x1020 ss:$0x81] =	vst.msk $0xffff, v6;
	s17 =	sadd.s32 $0x80, s17  }
0x4a: {  	s19 =	sadd.s32 $0x4, s19;
	v1 =	vld [tilespmem:s17+$0x30];
	[tilespmem:s16+$0x1830 ss:$0x81] =	vst.msk $0xffff, v7  }
.Ltmp4:
0x4b: {  	_ = 	snop;
	(pc) =	sbr.rel .LBB1_4-.Ltmp4, $1  }
0x4c: {  	_ =	sdelay $0x3  }
.LBB1_6:
0x4d: {  	_ =	sfence.sel $0x180000  }
0x4e: {  	s2 =	simm.s32 $0x1;
	[bflag:$0x0] =	sbarrier.arrive $0xFFFF  }
0x4f: {  	s31 =	simm.s32 $0x2;
	[sflag:s2] =	ssyncpa.u1 $0x1  }
0x50: {  	[sflag:s31] =	ssyncpa.u1 $0x1  }
0x51: {  	p0 =	sne.s32 s0, $0x0;
	_ =	strace $0x90000053  }
0x52: {  	s0 =	sadd.s32 @!p0 $0x100000, s1;
	[bflag:$0x2] =	sbarrier.arrive $0xFFFF  }
0x53: {  	[sflag:s0] =	ssyncadd.tile.s32 @!p0 $0x1;
	_ =	shalt  }
.Lfunc_end1:
_tile_overlayer_lowered:
.L_overlay_start_2:
0x54: {  	(tag) =	ssettag $0x2  }
0x55: {  	s0 =	rddreg [dreg:$0x0];
	s2 =	stileid.u32  }
0x56: {  	s1 =	rddreg [dreg:$0x1];
	p0 =	sne.s32 s2, $0x0  }
0x57: {  	s3 =	rddreg [dreg:$0x2];
	[bflag:$0x3] =	sbarrier.arrive $0xFFFF;
	s2 =	simm.s32 @!p0 $0x1C01  }
0x58: {  	[timem:s3], [sflag:s2] =	dma.local @!p0 [hbm:s0], s1  }
0x59: {  	s0 =	simm.s32 @!p0 $0x1  }
0x5a: {  	_ =	swait.ge @!p0 [sflag:s0], s1  }
0x5b: {  	s1 =	ssub.s32 @!p0 $0x0, s1;
	[sflag:s0] =	ssyncset.done @!p0 $0x0  }
0x5c: {  	[sflag:s0] =	ssyncadd.s32 @!p0 s1  }
0x5d: {  	[bflag:$0x3] =	sbarrier.arrive $0xFFFF  }
0x5e: {  	_ =	shalt  }

// kernel: sparse-core-data-format-call.cloned.1.call-start
scs
called_computation_lowered:
.L_overlay_start_0:
0x0: {  	s2 =	sld [smem:$0x3FD9]  }
0x1: {  	s3 =	sld [smem:$0x3FFE];
	_ =	sdelay $0x1  }
0x2: {  	s1 =	srdreg.scid  }
0x3: {  	s0 =	sand.u32 $0x1, s1  }
0x4: {  	s18 =	sshll.u32 s0, $0xA;
	s2 =	sadd.s32 s3, s2  }
0x5: {  	s2 =	sadd.s32 s2, s18  }
0x6: {  	[smem:$0x3FAA] =	sst s2  }
0x7: {  	_ = 	snop  }
0x8: {  	(tm) =	ssettm $0x1  }
0x9: {  	s19 =	sld [smem:$0x3FFB];
	_ =	sdelay $0x3  }
0xa: {  	_ =	strace s19  }
0xb: {  	s2 =	sld [smem:$0x3FFC];
	_ =	sdelay $0x3  }
0xc: {  	_ =	strace s2  }
0xd: {  	s2 =	sld [smem:$0x3FFD];
	_ =	sdelay $0x3  }
0xe: {  	_ =	strace s2  }
0xf: {  	_ =	strace $0x8FFFFFFF  }
0x10: {  	s20 =	sld [smem:$0x3FDB];
	_ =	sdelay $0x1  }
0x11: {  	s21 =	simm.s32 $_scs_section_size  }
0x12: {  	s4 =	simm.s32 $_size__tile_overlayer_lowered;
	s5 =	simm.s32 $_tile_overlayer_lowered  }
0x13: {  	s6 =	simm.s32 $0x1BFF;
	s22 =	sshll.u32 s5, $0x1;
	s3 =	sadd.s32 s21, s20  }
0x14: {  	s23 =	simm.s32 $0x0;
	s4 =	sshll.u32 s4, $0x1;
	s5 =	sadd.s32 s22, s3  }
0x15: {  	[timem:s23], [sflag:s6] =	dma.local [hbm:s5], s4  }
0x16: {  	_ =	swait.ge [sflag:s6], s4  }
0x17: {  	s4 =	ssub.s32 $0x0, s4;
	[sflag:s6] =	ssyncset.done $0x0  }
0x18: {  	[sflag:s6] =	ssyncadd.s32 s4;
	_ =	sdelay $0x1  }
0x19: {  	s24 =	simm.s32 $0x1B8B  }
0x1a: {  	_ =	swait.ge [sflag:s24], $0x1  }
0x1b: {  	[sflag:s24] =	ssyncset.done $0x0  }
0x1c: {  	[sflag:s24] =	ssyncadd.s32 $0xFFFFFFFF  }
0x1d: {  	s4 =	sld [smem:$0x0]  }
0x1e: {  	s5 =	sand.u32 $0xFFFFFFFE, s1  }
0x1f: {  	p0 =	sne.s32 s1, s5  }
0x20: {  	s5 =	sshll.u32 @p0 s5, $0xE  }
0x21: {  	s5 =	sadd.s32 @p0 $0x11B8D, s5;
	s6 =	sshll.u32 @p0 s4, $0x11  }
0x22: {  	s5 =	sor.u32 @p0 s6, s5  }
0x23: {  	[sflag:s5] =	ssyncadd.remote.s32 @p0 $0x1;
	_ =	sdelay $0x1  }
0x24: {  	s5 =	simm.s32 @p0 $0x1B8D  }
0x25: {  	_ =	swait.eq @p0 [sflag:s5], $0x1  }
0x26: {  	[sflag:s5] =	ssyncadd.s32 @p0 $0xFFFFFFFF  }
0x27: {  	s6 =	sshll.u32 @!p0 s1, $0xE  }
0x28: {  	s6 =	sor.u32 @!p0 $0x4000, s6;
	s5 =	simm.s32 @!p0 $0x1B8D  }
0x29: {  	s4 =	sshll.u32 @!p0 s4, $0x11;
	s6 =	sadd.s32 @!p0 $0x11B8D, s6;
	_ =	swait.eq @!p0 [sflag:s5], $0x1  }
0x2a: {  	s4 =	sor.u32 @!p0 s4, s6;
	[sflag:s5] =	ssyncadd.s32 @!p0 $0xFFFFFFFF  }
0x2b: {  	s26 =	simm.s32 $0x1B8E;
	s25 =	sld [smem:$0x3FFE];
	[sflag:s4] =	ssyncadd.remote.s32 @!p0 $0x1  }
0x2c: {  	s27 =	simm.s32 $execute0_lowered;
	[smem:$0x3FD2] =	sst s26  }
0x2d: {  	s5 =	sshll.u32 s27, $0x1;
	_ =	strace $0x8000005B;
	[dreg:$0x1] =	wrdreg $0xFFFFFFFF  }
0x2e: {  	s28 =	simm.s32 $_size_execute0_lowered;
	s3 =	sadd.s32 s3, s5;
	[dreg:$0x0] =	wrdreg $0x0  }
0x2f: {  	s5 =	sshll.u32 s28, $0x1;
	[dreg:$0x2] =	wrdreg s3  }
0x30: {  	[dreg:$0x3] =	wrdreg s5  }
0x31: {  	[dreg:$0x4] =	wrdreg $0xC0  }
0x32: {  	_ =	task [dreg:s23], $0x5FFFF  }
0x33: {  	[dreg:$0x1] =	wrdreg $0xFFFFFFFF  }
0x34: {  	[dreg:$0x0] =	wrdreg $0x60  }
0x35: {  	[dreg:$0x2] =	wrdreg s25  }
0x36: {  	[dreg:$0x3] =	wrdreg $0x9  }
0x37: {  	_ =	task.clear_ibuf [dreg:s23], $0x4FFFF;
	_ =	strace $0x9000005B  }
0x38: {  	s29 =	simm.s32 $0x9;
	_ =	strace $0x8000005D  }
0x39: {  	_ =	swait.ge [sflag:s29], $0x1  }
0x3a: {  	[sflag:s29] =	ssyncadd.s32 $0xFFFFFFFF  }
0x3b: {  	_ =	strace $0x9000005D  }
0x3c: {  	_ =	sfence  }
0x3d: {  	s30 =	sld [smem:$0x0];
	_ =	sdelay $0x2  }
0x3e: {  	s31 =	sshll.u32 s1, $0xD;
	s1 =	sshrl.u32 s1, $0x2  }
0x3f: {  	s4 =	sand.u32 $0x4000, s31;
	s1 =	sadd.s32 s1, s30  }
0x40: {  	s0 =	sor.u32 s4, s0;
	s1 =	sshll.u32 s1, $0x11  }
0x41: {  	s0 =	sor.u32 s1, s0  }
0x42: {  	s0 =	sadd.s32 $0x8F2B, s0  }
0x43: {  	[sflag:s0] =	ssyncadd.remote.s32 $0x1  }
0x44: {  	_ =	sfence.sel $0xFFFF  }
0x45: {  	[dreg:$0x0] =	wrdreg $0xFFFFFFFF;
	(pc) =	sbr.abs _section_cstart, $3  }
0x46: {  	[dreg:$0x1] =	wrdreg $0xFFFFFFFF  }
0x47: {  	_ =	task.clear_ibuf [dreg:s23], $0x2FFFF;
	_ =	strace $0x9FFFFFFF  }
0x48: {  	(tm) =	ssettm $0x7FFFFFFF  }
0x49: {  	_ =	shalt  }
tec
execute0_lowered:
.L_overlay_start_1:
0x0: {  	(tag) =	ssettag $0x1  }
0x1: {  	s0 =	stileid.u32;
	s1 =	srdreg.scid  }
0x2: {  	s7 =	rddreg [dreg:$0x0];
	s31 =	simm.s32 $0x2;
	s14 =	simm.s32 $0x0  }
0x3: {  	s13 =	simm.s32 $0x0;
	s12 =	simm.s32 $0x0;
	s2 =	sshll.u32 s0, $0x7  }
0x4: {  	s3 =	sshll.u32 s0, $0x5;
	s1 =	sshll.u32 s1, $0x9;
	s2 =	sand.u32 $0x180, s2  }
0x5: {  	s3 =	sor.u32 s3, s1;
	s1 =	rddreg [dreg:$0x1];
	_ =	strace $0x8000005C  }
0x6: {  	s3 =	sand.u32 $0x380, s3;
	s4 =	ssub.s32 $0x200, s2;
	s11 =	smov.u32 s2  }
0x7: {  	s5 =	sand.u32 $0x180, s4;
	s6 =	ssub.s32 $0x28000, s3;
	s9 =	sshrl.u32 s4, $0x9  }
0x8: {  	p0 =	sne.s32 s5, $0x0;
	s5 =	simm.s32 $0x1;
	s8 =	sand.u32 $0x380, s6  }
0x9: {  	s5 =	simm.s32 @!p0 $0x0;
	p0 =	sne.s32 s8, $0x0;
	s8 =	simm.s32 $0x1  }
.Ltmp0:
0xa: {  	s6 =	sshrl.u32 s6, $0xA;
	s8 =	simm.s32 @!p0 $0x0;
	(pc) =	sbr.rel .LBB1_1-.Ltmp0, $4  }
0xb: {  	s4 =	simm.s32 $0x1;
	s5 =	sadd.s32 s5, s9;
	s6 =	sadd.s32 s8, s6  }
0xc: {  	s10 =	smov.u32 s3;
	[sflag:s4] =	ssyncpa.u1 $0x0;
	s5 =	smul.u32 s5, s6  }
0xd: {  	[sflag:s31] =	ssyncpa.u1 $0x0;
	p0 =	por $0x0, $0x0;
	s9 =	simm.s32 $0x1000  }
0xe: {  	s6 =	sadd.s32 $0x9200, s7;
	s7 =	sadd.s32 $0xA09200, s7;
	s8 =	sadd.s32 $0x1, s5  }
.LBB1_4:
0xf: {  	s20 =	sshll.u32 s14, $0x9;
	s21 =	sshll.u32 s13, $0x3  }
0x10: {  	v5 =	vld [tilespmem:s18+$0xFFFFFFD0];
	[tilespmem:s17+$0x2040 ss:$0x81] =	vst.msk $0xffff, v4;
	s25 =	sshll.u32 s14, $0x7;
	s20 =	sand.u32 $0xFFFFF000, s20;
	s21 =	sand.u32 $0xFFFFFC00, s21  }
0x11: {  	v58 =	vld [tilespmem:s18+$0xFFFFFFE0];
	[tilespmem:s17+$0x2850 ss:$0x81] =	vst.msk $0xffff, v3;
	s26 =	sand.u32 $0x200, s25;
	s20 =	sadd.s32 s21, s20  }
0x12: {  	s19 =	sshra.s32 s19, $0x2;
	v59 =	vld [tilespmem:s18+$0xFFFFFFF0];
	[tilespmem:s17+$0x3060 ss:$0x81] =	vst.msk $0xffff, v2;
	s20 =	sor.u32 s26, s20  }
0x13: {  	v60 =	vld [tilespmem:s18+$0x0];
	[tilespmem:s17+$0x0 ss:$0x81] =	vst.msk $0xffff, v0;
	s16 =	sadd.s32 s19, s16;
	s27 =	sshrl.u32 s20, $0x9  }
0x14: {  	v61 =	vld [tilespmem:s18+$0x10];
	[tilespmem:s16+$0x3870 ss:$0x81] =	vst.msk $0xffff, v1;
	s28 =	smulhi.u32 $0x666667, s27  }
0x15: {  	v62 =	vld [tilespmem:s18+$0x20];
	[tilespmem:s16+$0x810 ss:$0x81] =	vst.msk $0xffff, v5  }
0x16: {  	v63 =	vld [tilespmem:s18+$0xFFFFFFC0];
	[tilespmem:s16+$0x1020 ss:$0x81] =	vst.msk $0xffff, v58;
	s29 =	sshrl.u32 s28, $0x8  }
0x17: {  	s30 =	sand.u32 $0x78, s13;
	s14 =	sand.u32 $0x180, s25;
	[tilespmem:s16+$0x1830 ss:$0x81] =	vst.msk $0xffff, v59;
	s18 =	smul.u32 $0x28000, s29  }
0x18: {  	s14 =	sor.u32 s30, s14;
	[tilespmem:s16+$0x2040 ss:$0x81] =	vst.msk $0xffff, v60  }
0x19: {  	s31 =	sand.u32 $0x7, s13;
	s14 =	sshrl.u32 s14, $0x3;
	[tilespmem:s16+$0x2850 ss:$0x81] =	vst.msk $0xffff, v61;
	s17 =	ssub.s32 s27, s18  }
0x1a: {  	s13 =	sshll.u32 s31, $0x12;
	s14 =	sadd.s32 s7, s14;
	[tilespmem:s16+$0x3060 ss:$0x81] =	vst.msk $0xffff, v62;
	s17 =	sshll.u32 s17, $0x6  }
0x1b: {  	s13 =	sor.u32 $0x400, s13;
	[tilespmem:s16+$0x0 ss:$0x81] =	vst.msk $0xffff, v63;
	s14 =	sadd.s32 s17, s14  }
0x1c: {  	[hbm4b:s14+s13] =	stream.strided.scatter [tilespmem:s15], [sflag:$0x2], $0x4000, s9, s13, $0x20;
	[tilespmem:$0x10100] =	vst v63  }
.LBB1_5:
0x1d: {  	s15 =	sadd.s32 $0x400, s10  }
0x1e: {  	s13 =	sadd.s32 $0x200, s11;
	s17 =	smov.u32 s11;
	p2 =	sgt.s32 s15, $0x27FFF  }
0x1f: {  	s17 =	smov.u32 @p2 s13  }
0x20: {  	s15 =	smov.u32 @p2 s3;
	p2 =	sgt.s32 s17, $0x1FF  }
0x21: {  	s17 =	smov.u32 @p2 s2;
	p2 =	sne.s32 s12, s8  }
.Ltmp1:
0x22: {  	p1 =	slt.u32 s12, $0x2;
	(pc) =	sbr.rel @!p2 .LBB1_6-.Ltmp1, $4  }
0x23: {  	s16 =	simm.s32 @!p1 $0x2  }
0x24: {  	s14 =	smov.u32 s10;
	p0 =	por !p0, !p0;
	_ =	swait.ge @!p1 [sflag:s16], $0x4000  }
0x25: {  	s13 =	smov.u32 s11;
	[sflag:s16] =	ssyncset.done @!p1 $0x0;
	s10 =	smov.u32 s15  }
0x26: {  	s12 =	sadd.s32 $0x1, s12;
	[sflag:s16] =	ssyncadd.s32 @!p1 $0xFFFFC000;
	s11 =	smov.u32 s17  }
.LBB1_1:
0x27: {  	p1 =	sge.u32 s12, s5  }
0x28: {  	s15 =	sshrl.u32 @!p1 s11, $0x3  }
0x29: {  	s16 =	sshll.u32 @!p1 s10, $0x3;
	s17 =	sshll.u32 @!p1 s11, $0x7;
	s15 =	smul.u32 @!p1 $0x140000, s15  }
0x2a: {  	s18 =	sand.u32 @!p1 $0x7F, s10;
	s16 =	sand.u32 @!p1 $0xFFFFFC00, s16;
	s17 =	sand.u32 @!p1 $0x380, s17  }
0x2b: {  	s15 =	sadd.s32 @!p1 s15, s16;
	s16 =	sor.u32 @!p1 s18, s17  }
0x2c: {  	s16 =	sor.u32 @!p1 s15, s16  }
0x2d: {  	s17 =	smulhi.u32 @!p1 $0xCCCCCCCD, s16;
	_ =	sdelay $0x1  }
0x2e: {  	s15 =	smulhi.u32 @!p1 $0xCCCCCCCD, s15;
	s17 =	sshrl.u32 @!p1 s17, $0x11  }
0x2f: {  	s17 =	smul.u32 @!p1 $0x28000, s17  }
0x30: {  	s31 =	sadd.s32 $0xFFFFFFFF, s12;
	s18 =	sxor.u32 @!p1 $0xFFFFFFFF, s12;
	s15 =	sshrl.u32 @!p1 s15, $0x11  }
0x31: {  	s18 =	sshll.u32 @!p1 s18, $0xE;
	s15 =	sand.u32 @!p1 $0x1FF, s15;
	s16 =	ssub.s32 @!p1 s16, s17  }
0x32: {  	s15 =	smul.u32 @!p1 $0x5000, s15;
	s17 =	sshrl.u32 @!p1 s16, $0x3;
	s16 =	sand.u32 @!p1 $0x7, s16  }
0x33: {  	s18 =	sand.u32 @!p1 $0x4000, s18;
	s17 =	sadd.s32 @!p1 s6, s17;
	s16 =	sshll.u32 @!p1 s16, $0x12  }
0x34: {  	s15 =	sadd.s32 @!p1 s15, s17;
	s16 =	sor.u32 @!p1 $0x400, s16;
	s17 =	simm.s32 @!p1 $0x140000  }
0x35: {  	[tilespmem:s18], [sflag:$0x1] =	stream.strided.gather @!p1 [hbm4b:s15+s16], $0x4000, s17, s16, $0x38;
	[tilespmem:$0x10100] =	vst v63  }
0x36: {  	p1 =	sge.u32 s31, s5  }
.Ltmp2:
0x37: {  	_ = 	snop;
	(pc) =	sbr.rel @p1 .LBB1_5-.Ltmp2, $1  }
0x38: {  	_ =	sdelay $0x3  }
0x39: {  	s15 =	simm.s32 $0x1  }
0x3a: {  	_ =	swait.ge [sflag:s4], $0x4000;
	s15 =	simm.s32 @!p0 $0x0  }
0x3b: {  	[sflag:s4] =	ssyncset.done $0x0;
	s16 =	sshll.u32 s15, $0xE  }
0x3c: {  	[sflag:s4] =	ssyncadd.s32 $0xFFFFC000;
	s18 =	sor.u32 $0x40, s16  }
0x3d: {  	s15 =	smul.u32 $0x10200, s15;
	v0 =	vld [tilespmem:s18+$0x30]  }
0x3e: {  	v1 =	vld [tilespmem:s18+$0xFFFFFFD0]  }
0x3f: {  	s15 =	sshrl.u32 s15, $0x2;
	v5 =	vld [tilespmem:s18+$0xFFFFFFE0]  }
0x40: {  	v6 =	vld [tilespmem:s18+$0xFFFFFFF0];
	s16 =	sor.u32 $0x8000, s15  }
0x41: {  	s31 =	sand.u32 $0x1, s12;
	v4 =	vld [tilespmem:s18+$0x0];
	s17 =	sadd.s32 $0x0, s16  }
0x42: {  	v3 =	vld [tilespmem:s18+$0x10];
	s15 =	smul.u32 $0x10200, s31;
	[tilespmem:s17+$0x3870 ss:$0x81] =	vst.msk $0xffff, v0  }
0x43: {  	v2 =	vld [tilespmem:s18+$0x20];
	[tilespmem:s17+$0x810 ss:$0x81] =	vst.msk $0xffff, v1  }
0x44: {  	s15 =	sshrl.u32 s15, $0x2;
	v0 =	vld [tilespmem:s18+$0xFFFFFFC0];
	[tilespmem:s17+$0x1020 ss:$0x81] =	vst.msk $0xffff, v5;
	s18 =	sadd.s32 $0x80, s18  }
0x45: {  	s19 =	simm.s32 $0x4;
	s20 =	simm.s32 $0x8;
	s15 =	sor.u32 $0x8000, s15;
	[tilespmem:s17+$0x1830 ss:$0x81] =	vst.msk $0xffff, v6;
	v1 =	vld [tilespmem:s18+$0x30]  }
.LBB1_3:
0x46: {  	p1 =	sne.s32 s20, $0x1FC;
	v5 =	vld [tilespmem:s18+$0xFFFFFFD0];
	[tilespmem:s17+$0x2040 ss:$0x81] =	vst.msk $0xffff, v4  }
0x47: {  	v6 =	vld [tilespmem:s18+$0xFFFFFFE0];
	[tilespmem:s17+$0x2850 ss:$0x81] =	vst.msk $0xffff, v3  }
0x48: {  	s21 =	sshra.s32 s19, $0x2;
	s19 =	smov.u32 s20;
	v7 =	vld [tilespmem:s18+$0xFFFFFFF0];
	[tilespmem:s17+$0x3060 ss:$0x81] =	vst.msk $0xffff, v2  }
.Ltmp3:
0x49: {  	v4 =	vld [tilespmem:s18+$0x0];
	[tilespmem:s17+$0x0 ss:$0x81] =	vst.msk $0xffff, v0;
	s17 =	sadd.s32 s21, s16;
	(pc) =	sbr.rel @p1 .LBB1_3-.Ltmp3, $4  }
0x4a: {  	v3 =	vld [tilespmem:s18+$0x10];
	[tilespmem:s17+$0x3870 ss:$0x81] =	vst.msk $0xffff, v1  }
0x4b: {  	[tilespmem:s17+$0x810 ss:$0x81] =	vst.msk $0xffff, v5;
	v2 =	vld [tilespmem:s18+$0x20]  }
0x4c: {  	v0 =	vld [tilespmem:s18+$0xFFFFFFC0];
	[tilespmem:s17+$0x1020 ss:$0x81] =	vst.msk $0xffff, v6;
	s18 =	sadd.s32 $0x80, s18  }
0x4d: {  	s20 =	sadd.s32 $0x4, s20;
	v1 =	vld [tilespmem:s18+$0x30];
	[tilespmem:s17+$0x1830 ss:$0x81] =	vst.msk $0xffff, v7  }
.Ltmp4:
0x4e: {  	_ = 	snop;
	(pc) =	sbr.rel .LBB1_4-.Ltmp4, $1  }
0x4f: {  	_ =	sdelay $0x3  }
.LBB1_6:
0x50: {  	_ =	sfence.sel $0x180000  }
0x51: {  	s2 =	simm.s32 $0x1;
	[bflag:$0x0] =	sbarrier.arrive $0xFFFF  }
0x52: {  	s31 =	simm.s32 $0x2;
	[sflag:s2] =	ssyncpa.u1 $0x1  }
0x53: {  	[sflag:s31] =	ssyncpa.u1 $0x1  }
0x54: {  	p0 =	sne.s32 s0, $0x0;
	_ =	strace $0x9000005C  }
0x55: {  	s0 =	sadd.s32 @!p0 $0x100000, s1;
	[bflag:$0x2] =	sbarrier.arrive $0xFFFF  }
0x56: {  	[sflag:s0] =	ssyncadd.tile.s32 @!p0 $0x1;
	_ =	shalt  }
.Lfunc_end1:
_tile_overlayer_lowered:
.L_overlay_start_2:
0x57: {  	(tag) =	ssettag $0x2  }
0x58: {  	s0 =	rddreg [dreg:$0x0];
	s2 =	stileid.u32  }
0x59: {  	s1 =	rddreg [dreg:$0x1];
	p0 =	sne.s32 s2, $0x0  }
0x5a: {  	s3 =	rddreg [dreg:$0x2];
	[bflag:$0x3] =	sbarrier.arrive $0xFFFF;
	s2 =	simm.s32 @!p0 $0x1C01  }
0x5b: {  	[timem:s3], [sflag:s2] =	dma.local @!p0 [hbm:s0], s1  }
0x5c: {  	s0 =	simm.s32 @!p0 $0x1  }
0x5d: {  	_ =	swait.ge @!p0 [sflag:s0], s1  }
0x5e: {  	s1 =	ssub.s32 @!p0 $0x0, s1;
	[sflag:s0] =	ssyncset.done @!p0 $0x0  }
0x5f: {  	[sflag:s0] =	ssyncadd.s32 @!p0 s1  }
0x60: {  	[bflag:$0x3] =	sbarrier.arrive $0xFFFF  }
0x61: {  	_ =	shalt  }

</sc_bundles>
